<compile_context>
chip_gen: v7x
topology: tpu7x:2x2x1
jax: 0.10.2.dev20260603
libtpu: 0.0.44.dev20260713+nightly
codegen_flags: <defaults>
</compile_context>

<pallas_src>
import jax
import jax.numpy as jnp
from jax import lax
from jax.experimental import pallas as pl
from jax.experimental.pallas import tpu as pltpu
from jax.experimental.pallas import tpu_sc as plsc

_NC = 2
_NS = 16
_NW = _NC * _NS
_B = 16384
_D = 32
_BPW = _B // _NW
_CHUNK = 128
_NCHUNK = _BPW // _CHUNK
_L = 16
_EPS = 1e-6


def _sqrt16(x):
    i = lax.bitcast_convert_type(x, jnp.int32)
    i = jnp.int32(0x5F3759DF) - lax.shift_right_logical(i, 1)
    y = lax.bitcast_convert_type(i, jnp.float32)
    for _ in range(3):
        y = y * (1.5 - 0.5 * x * y * y)
    return x * y


def _widen(rowh, row32, i):
    packed = plsc.bitcast(rowh[i, :], jnp.int32)
    lo = lax.bitcast_convert_type(lax.shift_left(packed, 16), jnp.float32)
    hi = lax.bitcast_convert_type(
        lax.shift_left(lax.shift_right_logical(packed, 16), 16), jnp.float32)
    row32[i, pl.ds(0, _L)] = lo
    row32[i, pl.ds(_L, _L)] = hi


def _sc_body(uid_hbm, lid_hbm, rid_hbm, pid_hbm, item_hbm, user_hbm, out_hbm,
             uidx, lidx, ridx, pidx, uh, lh, rh, ph,
             urows, lrows, rrows, prows, outv, sem):
    wid = lax.axis_index("s") * _NC + lax.axis_index("c")
    base = wid * _BPW

    for c in range(_NCHUNK):
        src = pl.ds(base + c * _CHUNK, _CHUNK)
        pltpu.sync_copy(uid_hbm.at[src], uidx.at[c])
        pltpu.sync_copy(lid_hbm.at[src], lidx.at[c])
        pltpu.sync_copy(rid_hbm.at[src], ridx.at[c])
        pltpu.sync_copy(pid_hbm.at[src], pidx.at[c])

    handles = []
    for c in range(_NCHUNK):
        dst = pl.ds(c * _CHUNK, _CHUNK)
        handles.append(pltpu.async_copy(user_hbm.at[uidx.at[c]], uh.at[dst], sem))
        handles.append(pltpu.async_copy(item_hbm.at[lidx.at[c]], lh.at[dst], sem))
        handles.append(pltpu.async_copy(item_hbm.at[ridx.at[c]], rh.at[dst], sem))
        handles.append(pltpu.async_copy(item_hbm.at[pidx.at[c]], ph.at[dst], sem))
    for h in handles:
        h.wait()

    def widen_body(i, _):
        _widen(uh, urows, i)
        _widen(lh, lrows, i)
        _widen(rh, rrows, i)
        _widen(ph, prows, i)
        return 0

    lax.fori_loop(0, _BPW, widen_body, 0)

    iot = lax.iota(jnp.int32, _L)

    def chunk_body(j, _):
        row_ids = j * _L + iot
        acc_l = jnp.zeros((_L,), jnp.float32)
        acc_r = jnp.zeros((_L,), jnp.float32)
        for d in range(_D):
            dvec = jnp.full((_L,), d, dtype=jnp.int32)
            lv = plsc.load_gather(lrows, [row_ids, dvec])
            rv = plsc.load_gather(rrows, [row_ids, dvec])
            pv = plsc.load_gather(prows, [row_ids, dvec])
            uv = plsc.load_gather(urows, [row_ids, dvec])
            t = pv + uv - _EPS
            dl = lv - t
            dr = rv - t
            acc_l = acc_l + dl * dl
            acc_r = acc_r + dr * dr
        diff = _sqrt16(acc_l) - _sqrt16(acc_r)
        outv[pl.ds(j * _L, _L)] = 1.0 / (1.0 + jnp.exp(-diff))
        return 0

    lax.fori_loop(0, _BPW // _L, chunk_body, 0)
    pltpu.sync_copy(outv, out_hbm.at[pl.ds(base, _BPW)])


@jax.jit
def _run(uid, lid, rid, pid, item_table, user_table):
    mesh = plsc.VectorSubcoreMesh(core_axis_name="c", subcore_axis_name="s")
    f = pl.kernel(
        _sc_body,
        out_type=jax.ShapeDtypeStruct((_B,), jnp.float32),
        mesh=mesh,
        compiler_params=pltpu.CompilerParams(needs_layout_passes=False,
                                             use_tc_tiling_on_sc=False),
        scratch_types=[
            pltpu.VMEM((_NCHUNK, _CHUNK), jnp.int32),
            pltpu.VMEM((_NCHUNK, _CHUNK), jnp.int32),
            pltpu.VMEM((_NCHUNK, _CHUNK), jnp.int32),
            pltpu.VMEM((_NCHUNK, _CHUNK), jnp.int32),
            pltpu.VMEM((_BPW, _D), jnp.bfloat16),
            pltpu.VMEM((_BPW, _D), jnp.bfloat16),
            pltpu.VMEM((_BPW, _D), jnp.bfloat16),
            pltpu.VMEM((_BPW, _D), jnp.bfloat16),
            pltpu.VMEM((_BPW, _D), jnp.float32),
            pltpu.VMEM((_BPW, _D), jnp.float32),
            pltpu.VMEM((_BPW, _D), jnp.float32),
            pltpu.VMEM((_BPW, _D), jnp.float32),
            pltpu.VMEM((_BPW,), jnp.float32),
            pltpu.SemaphoreType.DMA,
        ],
    )
    return f(uid, lid, rid, pid, item_table, user_table)


def kernel(user_ids, left_items, right_items, prev_item_0, prev_item_1,
           prev_item_2, item_table, user_table):
    del prev_item_0, prev_item_1
    return _run(user_ids.astype(jnp.int32), left_items.astype(jnp.int32),
                right_items.astype(jnp.int32), prev_item_2.astype(jnp.int32),
                item_table.astype(jnp.bfloat16), user_table.astype(jnp.bfloat16))

# --- scband reference (transcript-rebuilt; emitter-appended) ---
"""Pipeline reference for scband-siamese-rec-net-63324997812542 (READ-ONLY COPY).

The authoritative reference and input builder live on the scoring server;
editing this copy changes nothing except your own understanding.
"""

import jax, jax.numpy as jnp
import numpy as np

NUM_USERS = 1000000
NUM_ITEMS = 1000000
EMBED = 32
BATCH = 16384
EPS = 1e-6


def setup_inputs(seed: int = 0) -> dict:
    key = jax.random.key(seed)
    ks = jax.random.split(key, 8)
    user_ids = jax.random.randint(ks[0], (BATCH,), 0, NUM_USERS, dtype=jnp.int64 if jax.config.jax_enable_x64 else jnp.int32)
    left_items = jax.random.randint(ks[1], (BATCH,), 0, NUM_ITEMS, dtype=user_ids.dtype)
    right_items = jax.random.randint(ks[2], (BATCH,), 0, NUM_ITEMS, dtype=user_ids.dtype)
    prev_item_0 = jax.random.randint(ks[3], (BATCH,), 0, NUM_ITEMS, dtype=user_ids.dtype)
    prev_item_1 = jax.random.randint(ks[4], (BATCH,), 0, NUM_ITEMS, dtype=user_ids.dtype)
    prev_item_2 = jax.random.randint(ks[5], (BATCH,), 0, NUM_ITEMS, dtype=user_ids.dtype)
    # learned parameters (xavier-uniform style small init)
    item_table = (jax.random.uniform(ks[6], (NUM_ITEMS + 1, EMBED), dtype=jnp.float32) * 2.0 - 1.0) * 0.01
    user_table = (jax.random.uniform(ks[7], (NUM_USERS, EMBED), dtype=jnp.float32) * 2.0 - 1.0) * 0.01
    return {
        'user_ids': user_ids,
        'left_items': left_items,
        'right_items': right_items,
        'prev_item_0': prev_item_0,
        'prev_item_1': prev_item_1,
        'prev_item_2': prev_item_2,
        'item_table': item_table,
        'user_table': user_table,
    }


def _pairwise_dist(x1, x2):
    # torch.nn.PairwiseDistance(p=2, eps=1e-6): ||x1 - x2 + eps||_2 along last dim
    d = x1 - x2 + EPS
    return jnp.sqrt(jnp.sum(d * d, axis=-1))


def reference(user_ids, left_items, right_items, prev_item_0, prev_item_1, prev_item_2, item_table, user_table):
    left_embedding = jnp.take(item_table, left_items, axis=0)
    right_embedding = jnp.take(item_table, right_items, axis=0)
    user_input_embedding = jnp.take(user_table, user_ids, axis=0)
    # loop over prev items; torch code overwrites translated_embedding each iteration,
    # so only the LAST prev item matters — replicate faithfully
    translated_embedding = None
    for prev in (prev_item_0, prev_item_1, prev_item_2):
        cur_prev_item_input_embedding = jnp.take(item_table, prev, axis=0)
        post_embedding = cur_prev_item_input_embedding
        translated_embedding = post_embedding + user_input_embedding
    left_output = _pairwise_dist(left_embedding, translated_embedding)
    right_output = _pairwise_dist(right_embedding, translated_embedding)
    return jax.nn.sigmoid(left_output - right_output)

if __name__ == "__main__":
    import jax
    _d = setup_inputs()
    print(jax.jit(kernel)(*tuple(_d.values())))

</pallas_src>

<mosaic_0001>
#map = affine_map<(d0, d1) -> (0)>
#map1 = affine_map<(d0, d1) -> (0, 0)>
module attributes {stable_mosaic.version = 14 : i64} {
  func.func @_sc_body(%arg0: i32, %arg1: i32, %arg2: memref<16384xi32, #tpu.memory_space<hbm>>, %arg3: memref<16384xi32, #tpu.memory_space<hbm>>, %arg4: memref<16384xi32, #tpu.memory_space<hbm>>, %arg5: memref<16384xi32, #tpu.memory_space<hbm>>, %arg6: memref<1000001x32xbf16, #tpu.memory_space<hbm>>, %arg7: memref<1000000x32xbf16, #tpu.memory_space<hbm>>, %arg8: memref<16384xf32, #tpu.memory_space<hbm>>, %arg9: memref<4x128xi32, #tpu.memory_space<vmem>>, %arg10: memref<4x128xi32, #tpu.memory_space<vmem>>, %arg11: memref<4x128xi32, #tpu.memory_space<vmem>>, %arg12: memref<4x128xi32, #tpu.memory_space<vmem>>, %arg13: memref<512x32xbf16, #tpu.memory_space<vmem>>, %arg14: memref<512x32xbf16, #tpu.memory_space<vmem>>, %arg15: memref<512x32xbf16, #tpu.memory_space<vmem>>, %arg16: memref<512x32xbf16, #tpu.memory_space<vmem>>, %arg17: memref<512x32xf32, #tpu.memory_space<vmem>>, %arg18: memref<512x32xf32, #tpu.memory_space<vmem>>, %arg19: memref<512x32xf32, #tpu.memory_space<vmem>>, %arg20: memref<512x32xf32, #tpu.memory_space<vmem>>, %arg21: memref<512xf32, #tpu.memory_space<vmem>>, %arg22: memref<!tpu.dma_semaphore, #tpu.memory_space<semaphore_mem>>) attributes {dimension_semantics = [#tpu.dimension_semantics<core_parallel>, #tpu.dimension_semantics<subcore_parallel>], iteration_bounds = array<i64: 2, 16>, scalar_prefetch = 0 : i64, scratch_operands = 14 : i64, tpu.core_type = #tpu.core_type<sc_vector_subcore>, window_params = [{transform_indices = #map}, {transform_indices = #map}, {transform_indices = #map}, {transform_indices = #map}, {transform_indices = #map1}, {transform_indices = #map1}, {transform_indices = #map}]} {
    %mul3A = arith.constant 2 : i32
    %mul3A_0 = arith.muli %arg1, %mul3A : i32
    %add3A = arith.addi %mul3A_0, %arg0 : i32
    %mul3A_1 = arith.constant 512 : i32
    %mul3A_2 = arith.muli %add3A, %mul3A_1 : i32
    %add3A_3 = arith.constant 0 : i32
    %add3A_4 = arith.addi %mul3A_2, %add3A_3 : i32
    %run_scoped3A = arith.constant 0 : i32
    "tpu.region"() ({
      %run_scoped3A_357 = tpu.sem_alloc : memref<!tpu.dma_semaphore, #tpu.memory_space<semaphore_mem>>
      %dma_start3A_358 = arith.constant 0 : i32
      %dma_start3A_359 = tpu.memref_slice %arg9[%run_scoped3A, %dma_start3A_358] : memref<4x128xi32, #tpu.memory_space<vmem>> -> memref<1x128xi32, #tpu.memory_space<vmem>>
      %dma_start3A_360 = tpu.memref_squeeze %dma_start3A_359 : memref<1x128xi32, #tpu.memory_space<vmem>> -> memref<128xi32, #tpu.memory_space<vmem>>
      %dma_start3A_361 = tpu.memref_slice %arg2[%add3A_4] : memref<16384xi32, #tpu.memory_space<hbm>> -> memref<128xi32, #tpu.memory_space<hbm>>
      %dma_start3A_362 = arith.constant 0 : i32
      %dma_start3A_363 = tpu.memref_slice %arg9[%run_scoped3A, %dma_start3A_362] : memref<4x128xi32, #tpu.memory_space<vmem>> -> memref<1x128xi32, #tpu.memory_space<vmem>>
      %dma_start3A_364 = tpu.memref_squeeze %dma_start3A_363 : memref<1x128xi32, #tpu.memory_space<vmem>> -> memref<128xi32, #tpu.memory_space<vmem>>
      %dma_start3A_365 = tpu.memref_slice %arg2[%add3A_4] : memref<16384xi32, #tpu.memory_space<hbm>> -> memref<128xi32, #tpu.memory_space<hbm>>
      tpu.enqueue_dma source(%dma_start3A_365 : memref<128xi32, #tpu.memory_space<hbm>>) target(%dma_start3A_364 : memref<128xi32, #tpu.memory_space<vmem>>) target_semaphore(%run_scoped3A_357 : memref<!tpu.dma_semaphore, #tpu.memory_space<semaphore_mem>>)
      %dma_wait3A_366 = arith.constant 0 : i32
      %dma_wait3A_367 = tpu.memref_slice %arg9[%run_scoped3A, %dma_wait3A_366] : memref<4x128xi32, #tpu.memory_space<vmem>> -> memref<1x128xi32, #tpu.memory_space<vmem>>
      %dma_wait3A_368 = tpu.memref_squeeze %dma_wait3A_367 : memref<1x128xi32, #tpu.memory_space<vmem>> -> memref<128xi32, #tpu.memory_space<vmem>>
      %dma_wait3A_369 = tpu.memref_slice %arg2[%add3A_4] : memref<16384xi32, #tpu.memory_space<hbm>> -> memref<128xi32, #tpu.memory_space<hbm>>
      %dma_wait3A_370 = arith.constant 0 : i32
      %dma_wait3A_371 = tpu.memref_slice %arg9[%run_scoped3A, %dma_wait3A_370] : memref<4x128xi32, #tpu.memory_space<vmem>> -> memref<1x128xi32, #tpu.memory_space<vmem>>
      %dma_wait3A_372 = tpu.memref_squeeze %dma_wait3A_371 : memref<1x128xi32, #tpu.memory_space<vmem>> -> memref<128xi32, #tpu.memory_space<vmem>>
      %dma_wait3A_373 = tpu.memref_slice %arg2[%add3A_4] : memref<16384xi32, #tpu.memory_space<hbm>> -> memref<128xi32, #tpu.memory_space<hbm>>
      tpu.wait_dma2 semaphore(%run_scoped3A_357 : memref<!tpu.dma_semaphore, #tpu.memory_space<semaphore_mem>>) src(%dma_wait3A_373 : memref<128xi32, #tpu.memory_space<hbm>>) dst(%dma_wait3A_372 : memref<128xi32, #tpu.memory_space<vmem>>)
      tpu.yield
    }) : () -> ()
    %run_scoped3A_5 = arith.constant 0 : i32
    "tpu.region"() ({
      %run_scoped3A_357 = tpu.sem_alloc : memref<!tpu.dma_semaphore, #tpu.memory_space<semaphore_mem>>
      %dma_start3A_358 = arith.constant 0 : i32
      %dma_start3A_359 = tpu.memref_slice %arg10[%run_scoped3A_5, %dma_start3A_358] : memref<4x128xi32, #tpu.memory_space<vmem>> -> memref<1x128xi32, #tpu.memory_space<vmem>>
      %dma_start3A_360 = tpu.memref_squeeze %dma_start3A_359 : memref<1x128xi32, #tpu.memory_space<vmem>> -> memref<128xi32, #tpu.memory_space<vmem>>
      %dma_start3A_361 = tpu.memref_slice %arg3[%add3A_4] : memref<16384xi32, #tpu.memory_space<hbm>> -> memref<128xi32, #tpu.memory_space<hbm>>
      %dma_start3A_362 = arith.constant 0 : i32
      %dma_start3A_363 = tpu.memref_slice %arg10[%run_scoped3A_5, %dma_start3A_362] : memref<4x128xi32, #tpu.memory_space<vmem>> -> memref<1x128xi32, #tpu.memory_space<vmem>>
      %dma_start3A_364 = tpu.memref_squeeze %dma_start3A_363 : memref<1x128xi32, #tpu.memory_space<vmem>> -> memref<128xi32, #tpu.memory_space<vmem>>
      %dma_start3A_365 = tpu.memref_slice %arg3[%add3A_4] : memref<16384xi32, #tpu.memory_space<hbm>> -> memref<128xi32, #tpu.memory_space<hbm>>
      tpu.enqueue_dma source(%dma_start3A_365 : memref<128xi32, #tpu.memory_space<hbm>>) target(%dma_start3A_364 : memref<128xi32, #tpu.memory_space<vmem>>) target_semaphore(%run_scoped3A_357 : memref<!tpu.dma_semaphore, #tpu.memory_space<semaphore_mem>>)
      %dma_wait3A_366 = arith.constant 0 : i32
      %dma_wait3A_367 = tpu.memref_slice %arg10[%run_scoped3A_5, %dma_wait3A_366] : memref<4x128xi32, #tpu.memory_space<vmem>> -> memref<1x128xi32, #tpu.memory_space<vmem>>
      %dma_wait3A_368 = tpu.memref_squeeze %dma_wait3A_367 : memref<1x128xi32, #tpu.memory_space<vmem>> -> memref<128xi32, #tpu.memory_space<vmem>>
      %dma_wait3A_369 = tpu.memref_slice %arg3[%add3A_4] : memref<16384xi32, #tpu.memory_space<hbm>> -> memref<128xi32, #tpu.memory_space<hbm>>
      %dma_wait3A_370 = arith.constant 0 : i32
      %dma_wait3A_371 = tpu.memref_slice %arg10[%run_scoped3A_5, %dma_wait3A_370] : memref<4x128xi32, #tpu.memory_space<vmem>> -> memref<1x128xi32, #tpu.memory_space<vmem>>
      %dma_wait3A_372 = tpu.memref_squeeze %dma_wait3A_371 : memref<1x128xi32, #tpu.memory_space<vmem>> -> memref<128xi32, #tpu.memory_space<vmem>>
      %dma_wait3A_373 = tpu.memref_slice %arg3[%add3A_4] : memref<16384xi32, #tpu.memory_space<hbm>> -> memref<128xi32, #tpu.memory_space<hbm>>
      tpu.wait_dma2 semaphore(%run_scoped3A_357 : memref<!tpu.dma_semaphore, #tpu.memory_space<semaphore_mem>>) src(%dma_wait3A_373 : memref<128xi32, #tpu.memory_space<hbm>>) dst(%dma_wait3A_372 : memref<128xi32, #tpu.memory_space<vmem>>)
      tpu.yield
    }) : () -> ()
    %run_scoped3A_6 = arith.constant 0 : i32
    "tpu.region"() ({
      %run_scoped3A_357 = tpu.sem_alloc : memref<!tpu.dma_semaphore, #tpu.memory_space<semaphore_mem>>
      %dma_start3A_358 = arith.constant 0 : i32
      %dma_start3A_359 = tpu.memref_slice %arg11[%run_scoped3A_6, %dma_start3A_358] : memref<4x128xi32, #tpu.memory_space<vmem>> -> memref<1x128xi32, #tpu.memory_space<vmem>>
      %dma_start3A_360 = tpu.memref_squeeze %dma_start3A_359 : memref<1x128xi32, #tpu.memory_space<vmem>> -> memref<128xi32, #tpu.memory_space<vmem>>
      %dma_start3A_361 = tpu.memref_slice %arg4[%add3A_4] : memref<16384xi32, #tpu.memory_space<hbm>> -> memref<128xi32, #tpu.memory_space<hbm>>
      %dma_start3A_362 = arith.constant 0 : i32
      %dma_start3A_363 = tpu.memref_slice %arg11[%run_scoped3A_6, %dma_start3A_362] : memref<4x128xi32, #tpu.memory_space<vmem>> -> memref<1x128xi32, #tpu.memory_space<vmem>>
      %dma_start3A_364 = tpu.memref_squeeze %dma_start3A_363 : memref<1x128xi32, #tpu.memory_space<vmem>> -> memref<128xi32, #tpu.memory_space<vmem>>
      %dma_start3A_365 = tpu.memref_slice %arg4[%add3A_4] : memref<16384xi32, #tpu.memory_space<hbm>> -> memref<128xi32, #tpu.memory_space<hbm>>
      tpu.enqueue_dma source(%dma_start3A_365 : memref<128xi32, #tpu.memory_space<hbm>>) target(%dma_start3A_364 : memref<128xi32, #tpu.memory_space<vmem>>) target_semaphore(%run_scoped3A_357 : memref<!tpu.dma_semaphore, #tpu.memory_space<semaphore_mem>>)
      %dma_wait3A_366 = arith.constant 0 : i32
      %dma_wait3A_367 = tpu.memref_slice %arg11[%run_scoped3A_6, %dma_wait3A_366] : memref<4x128xi32, #tpu.memory_space<vmem>> -> memref<1x128xi32, #tpu.memory_space<vmem>>
      %dma_wait3A_368 = tpu.memref_squeeze %dma_wait3A_367 : memref<1x128xi32, #tpu.memory_space<vmem>> -> memref<128xi32, #tpu.memory_space<vmem>>
      %dma_wait3A_369 = tpu.memref_slice %arg4[%add3A_4] : memref<16384xi32, #tpu.memory_space<hbm>> -> memref<128xi32, #tpu.memory_space<hbm>>
      %dma_wait3A_370 = arith.constant 0 : i32
      %dma_wait3A_371 = tpu.memref_slice %arg11[%run_scoped3A_6, %dma_wait3A_370] : memref<4x128xi32, #tpu.memory_space<vmem>> -> memref<1x128xi32, #tpu.memory_space<vmem>>
      %dma_wait3A_372 = tpu.memref_squeeze %dma_wait3A_371 : memref<1x128xi32, #tpu.memory_space<vmem>> -> memref<128xi32, #tpu.memory_space<vmem>>
      %dma_wait3A_373 = tpu.memref_slice %arg4[%add3A_4] : memref<16384xi32, #tpu.memory_space<hbm>> -> memref<128xi32, #tpu.memory_space<hbm>>
      tpu.wait_dma2 semaphore(%run_scoped3A_357 : memref<!tpu.dma_semaphore, #tpu.memory_space<semaphore_mem>>) src(%dma_wait3A_373 : memref<128xi32, #tpu.memory_space<hbm>>) dst(%dma_wait3A_372 : memref<128xi32, #tpu.memory_space<vmem>>)
      tpu.yield
    }) : () -> ()
    %run_scoped3A_7 = arith.constant 0 : i32
    "tpu.region"() ({
      %run_scoped3A_357 = tpu.sem_alloc : memref<!tpu.dma_semaphore, #tpu.memory_space<semaphore_mem>>
      %dma_start3A_358 = arith.constant 0 : i32
      %dma_start3A_359 = tpu.memref_slice %arg12[%run_scoped3A_7, %dma_start3A_358] : memref<4x128xi32, #tpu.memory_space<vmem>> -> memref<1x128xi32, #tpu.memory_space<vmem>>
      %dma_start3A_360 = tpu.memref_squeeze %dma_start3A_359 : memref<1x128xi32, #tpu.memory_space<vmem>> -> memref<128xi32, #tpu.memory_space<vmem>>
      %dma_start3A_361 = tpu.memref_slice %arg5[%add3A_4] : memref<16384xi32, #tpu.memory_space<hbm>> -> memref<128xi32, #tpu.memory_space<hbm>>
      %dma_start3A_362 = arith.constant 0 : i32
      %dma_start3A_363 = tpu.memref_slice %arg12[%run_scoped3A_7, %dma_start3A_362] : memref<4x128xi32, #tpu.memory_space<vmem>> -> memref<1x128xi32, #tpu.memory_space<vmem>>
      %dma_start3A_364 = tpu.memref_squeeze %dma_start3A_363 : memref<1x128xi32, #tpu.memory_space<vmem>> -> memref<128xi32, #tpu.memory_space<vmem>>
      %dma_start3A_365 = tpu.memref_slice %arg5[%add3A_4] : memref<16384xi32, #tpu.memory_space<hbm>> -> memref<128xi32, #tpu.memory_space<hbm>>
      tpu.enqueue_dma source(%dma_start3A_365 : memref<128xi32, #tpu.memory_space<hbm>>) target(%dma_start3A_364 : memref<128xi32, #tpu.memory_space<vmem>>) target_semaphore(%run_scoped3A_357 : memref<!tpu.dma_semaphore, #tpu.memory_space<semaphore_mem>>)
      %dma_wait3A_366 = arith.constant 0 : i32
      %dma_wait3A_367 = tpu.memref_slice %arg12[%run_scoped3A_7, %dma_wait3A_366] : memref<4x128xi32, #tpu.memory_space<vmem>> -> memref<1x128xi32, #tpu.memory_space<vmem>>
      %dma_wait3A_368 = tpu.memref_squeeze %dma_wait3A_367 : memref<1x128xi32, #tpu.memory_space<vmem>> -> memref<128xi32, #tpu.memory_space<vmem>>
      %dma_wait3A_369 = tpu.memref_slice %arg5[%add3A_4] : memref<16384xi32, #tpu.memory_space<hbm>> -> memref<128xi32, #tpu.memory_space<hbm>>
      %dma_wait3A_370 = arith.constant 0 : i32
      %dma_wait3A_371 = tpu.memref_slice %arg12[%run_scoped3A_7, %dma_wait3A_370] : memref<4x128xi32, #tpu.memory_space<vmem>> -> memref<1x128xi32, #tpu.memory_space<vmem>>
      %dma_wait3A_372 = tpu.memref_squeeze %dma_wait3A_371 : memref<1x128xi32, #tpu.memory_space<vmem>> -> memref<128xi32, #tpu.memory_space<vmem>>
      %dma_wait3A_373 = tpu.memref_slice %arg5[%add3A_4] : memref<16384xi32, #tpu.memory_space<hbm>> -> memref<128xi32, #tpu.memory_space<hbm>>
      tpu.wait_dma2 semaphore(%run_scoped3A_357 : memref<!tpu.dma_semaphore, #tpu.memory_space<semaphore_mem>>) src(%dma_wait3A_373 : memref<128xi32, #tpu.memory_space<hbm>>) dst(%dma_wait3A_372 : memref<128xi32, #tpu.memory_space<vmem>>)
      tpu.yield
    }) : () -> ()
    %add3A_8 = arith.constant 128 : i32
    %add3A_9 = arith.addi %mul3A_2, %add3A_8 : i32
    %run_scoped3A_10 = arith.constant 1 : i32
    "tpu.region"() ({
      %run_scoped3A_357 = tpu.sem_alloc : memref<!tpu.dma_semaphore, #tpu.memory_space<semaphore_mem>>
      %dma_start3A_358 = arith.constant 0 : i32
      %dma_start3A_359 = tpu.memref_slice %arg9[%run_scoped3A_10, %dma_start3A_358] : memref<4x128xi32, #tpu.memory_space<vmem>> -> memref<1x128xi32, #tpu.memory_space<vmem>>
      %dma_start3A_360 = tpu.memref_squeeze %dma_start3A_359 : memref<1x128xi32, #tpu.memory_space<vmem>> -> memref<128xi32, #tpu.memory_space<vmem>>
      %dma_start3A_361 = tpu.memref_slice %arg2[%add3A_9] : memref<16384xi32, #tpu.memory_space<hbm>> -> memref<128xi32, #tpu.memory_space<hbm>>
      %dma_start3A_362 = arith.constant 0 : i32
      %dma_start3A_363 = tpu.memref_slice %arg9[%run_scoped3A_10, %dma_start3A_362] : memref<4x128xi32, #tpu.memory_space<vmem>> -> memref<1x128xi32, #tpu.memory_space<vmem>>
      %dma_start3A_364 = tpu.memref_squeeze %dma_start3A_363 : memref<1x128xi32, #tpu.memory_space<vmem>> -> memref<128xi32, #tpu.memory_space<vmem>>
      %dma_start3A_365 = tpu.memref_slice %arg2[%add3A_9] : memref<16384xi32, #tpu.memory_space<hbm>> -> memref<128xi32, #tpu.memory_space<hbm>>
      tpu.enqueue_dma source(%dma_start3A_365 : memref<128xi32, #tpu.memory_space<hbm>>) target(%dma_start3A_364 : memref<128xi32, #tpu.memory_space<vmem>>) target_semaphore(%run_scoped3A_357 : memref<!tpu.dma_semaphore, #tpu.memory_space<semaphore_mem>>)
      %dma_wait3A_366 = arith.constant 0 : i32
      %dma_wait3A_367 = tpu.memref_slice %arg9[%run_scoped3A_10, %dma_wait3A_366] : memref<4x128xi32, #tpu.memory_space<vmem>> -> memref<1x128xi32, #tpu.memory_space<vmem>>
      %dma_wait3A_368 = tpu.memref_squeeze %dma_wait3A_367 : memref<1x128xi32, #tpu.memory_space<vmem>> -> memref<128xi32, #tpu.memory_space<vmem>>
      %dma_wait3A_369 = tpu.memref_slice %arg2[%add3A_9] : memref<16384xi32, #tpu.memory_space<hbm>> -> memref<128xi32, #tpu.memory_space<hbm>>
      %dma_wait3A_370 = arith.constant 0 : i32
      %dma_wait3A_371 = tpu.memref_slice %arg9[%run_scoped3A_10, %dma_wait3A_370] : memref<4x128xi32, #tpu.memory_space<vmem>> -> memref<1x128xi32, #tpu.memory_space<vmem>>
      %dma_wait3A_372 = tpu.memref_squeeze %dma_wait3A_371 : memref<1x128xi32, #tpu.memory_space<vmem>> -> memref<128xi32, #tpu.memory_space<vmem>>
      %dma_wait3A_373 = tpu.memref_slice %arg2[%add3A_9] : memref<16384xi32, #tpu.memory_space<hbm>> -> memref<128xi32, #tpu.memory_space<hbm>>
      tpu.wait_dma2 semaphore(%run_scoped3A_357 : memref<!tpu.dma_semaphore, #tpu.memory_space<semaphore_mem>>) src(%dma_wait3A_373 : memref<128xi32, #tpu.memory_space<hbm>>) dst(%dma_wait3A_372 : memref<128xi32, #tpu.memory_space<vmem>>)
      tpu.yield
    }) : () -> ()
    %run_scoped3A_11 = arith.constant 1 : i32
    "tpu.region"() ({
      %run_scoped3A_357 = tpu.sem_alloc : memref<!tpu.dma_semaphore, #tpu.memory_space<semaphore_mem>>
      %dma_start3A_358 = arith.constant 0 : i32
      %dma_start3A_359 = tpu.memref_slice %arg10[%run_scoped3A_11, %dma_start3A_358] : memref<4x128xi32, #tpu.memory_space<vmem>> -> memref<1x128xi32, #tpu.memory_space<vmem>>
      %dma_start3A_360 = tpu.memref_squeeze %dma_start3A_359 : memref<1x128xi32, #tpu.memory_space<vmem>> -> memref<128xi32, #tpu.memory_space<vmem>>
      %dma_start3A_361 = tpu.memref_slice %arg3[%add3A_9] : memref<16384xi32, #tpu.memory_space<hbm>> -> memref<128xi32, #tpu.memory_space<hbm>>
      %dma_start3A_362 = arith.constant 0 : i32
      %dma_start3A_363 = tpu.memref_slice %arg10[%run_scoped3A_11, %dma_start3A_362] : memref<4x128xi32, #tpu.memory_space<vmem>> -> memref<1x128xi32, #tpu.memory_space<vmem>>
      %dma_start3A_364 = tpu.memref_squeeze %dma_start3A_363 : memref<1x128xi32, #tpu.memory_space<vmem>> -> memref<128xi32, #tpu.memory_space<vmem>>
      %dma_start3A_365 = tpu.memref_slice %arg3[%add3A_9] : memref<16384xi32, #tpu.memory_space<hbm>> -> memref<128xi32, #tpu.memory_space<hbm>>
      tpu.enqueue_dma source(%dma_start3A_365 : memref<128xi32, #tpu.memory_space<hbm>>) target(%dma_start3A_364 : memref<128xi32, #tpu.memory_space<vmem>>) target_semaphore(%run_scoped3A_357 : memref<!tpu.dma_semaphore, #tpu.memory_space<semaphore_mem>>)
      %dma_wait3A_366 = arith.constant 0 : i32
      %dma_wait3A_367 = tpu.memref_slice %arg10[%run_scoped3A_11, %dma_wait3A_366] : memref<4x128xi32, #tpu.memory_space<vmem>> -> memref<1x128xi32, #tpu.memory_space<vmem>>
      %dma_wait3A_368 = tpu.memref_squeeze %dma_wait3A_367 : memref<1x128xi32, #tpu.memory_space<vmem>> -> memref<128xi32, #tpu.memory_space<vmem>>
      %dma_wait3A_369 = tpu.memref_slice %arg3[%add3A_9] : memref<16384xi32, #tpu.memory_space<hbm>> -> memref<128xi32, #tpu.memory_space<hbm>>
      %dma_wait3A_370 = arith.constant 0 : i32
      %dma_wait3A_371 = tpu.memref_slice %arg10[%run_scoped3A_11, %dma_wait3A_370] : memref<4x128xi32, #tpu.memory_space<vmem>> -> memref<1x128xi32, #tpu.memory_space<vmem>>
      %dma_wait3A_372 = tpu.memref_squeeze %dma_wait3A_371 : memref<1x128xi32, #tpu.memory_space<vmem>> -> memref<128xi32, #tpu.memory_space<vmem>>
      %dma_wait3A_373 = tpu.memref_slice %arg3[%add3A_9] : memref<16384xi32, #tpu.memory_space<hbm>> -> memref<128xi32, #tpu.memory_space<hbm>>
      tpu.wait_dma2 semaphore(%run_scoped3A_357 : memref<!tpu.dma_semaphore, #tpu.memory_space<semaphore_mem>>) src(%dma_wait3A_373 : memref<128xi32, #tpu.memory_space<hbm>>) dst(%dma_wait3A_372 : memref<128xi32, #tpu.memory_space<vmem>>)
      tpu.yield
    }) : () -> ()
    %run_scoped3A_12 = arith.constant 1 : i32
    "tpu.region"() ({
      %run_scoped3A_357 = tpu.sem_alloc : memref<!tpu.dma_semaphore, #tpu.memory_space<semaphore_mem>>
      %dma_start3A_358 = arith.constant 0 : i32
      %dma_start3A_359 = tpu.memref_slice %arg11[%run_scoped3A_12, %dma_start3A_358] : memref<4x128xi32, #tpu.memory_space<vmem>> -> memref<1x128xi32, #tpu.memory_space<vmem>>
      %dma_start3A_360 = tpu.memref_squeeze %dma_start3A_359 : memref<1x128xi32, #tpu.memory_space<vmem>> -> memref<128xi32, #tpu.memory_space<vmem>>
      %dma_start3A_361 = tpu.memref_slice %arg4[%add3A_9] : memref<16384xi32, #tpu.memory_space<hbm>> -> memref<128xi32, #tpu.memory_space<hbm>>
      %dma_start3A_362 = arith.constant 0 : i32
      %dma_start3A_363 = tpu.memref_slice %arg11[%run_scoped3A_12, %dma_start3A_362] : memref<4x128xi32, #tpu.memory_space<vmem>> -> memref<1x128xi32, #tpu.memory_space<vmem>>
      %dma_start3A_364 = tpu.memref_squeeze %dma_start3A_363 : memref<1x128xi32, #tpu.memory_space<vmem>> -> memref<128xi32, #tpu.memory_space<vmem>>
      %dma_start3A_365 = tpu.memref_slice %arg4[%add3A_9] : memref<16384xi32, #tpu.memory_space<hbm>> -> memref<128xi32, #tpu.memory_space<hbm>>
      tpu.enqueue_dma source(%dma_start3A_365 : memref<128xi32, #tpu.memory_space<hbm>>) target(%dma_start3A_364 : memref<128xi32, #tpu.memory_space<vmem>>) target_semaphore(%run_scoped3A_357 : memref<!tpu.dma_semaphore, #tpu.memory_space<semaphore_mem>>)
      %dma_wait3A_366 = arith.constant 0 : i32
      %dma_wait3A_367 = tpu.memref_slice %arg11[%run_scoped3A_12, %dma_wait3A_366] : memref<4x128xi32, #tpu.memory_space<vmem>> -> memref<1x128xi32, #tpu.memory_space<vmem>>
      %dma_wait3A_368 = tpu.memref_squeeze %dma_wait3A_367 : memref<1x128xi32, #tpu.memory_space<vmem>> -> memref<128xi32, #tpu.memory_space<vmem>>
      %dma_wait3A_369 = tpu.memref_slice %arg4[%add3A_9] : memref<16384xi32, #tpu.memory_space<hbm>> -> memref<128xi32, #tpu.memory_space<hbm>>
      %dma_wait3A_370 = arith.constant 0 : i32
      %dma_wait3A_371 = tpu.memref_slice %arg11[%run_scoped3A_12, %dma_wait3A_370] : memref<4x128xi32, #tpu.memory_space<vmem>> -> memref<1x128xi32, #tpu.memory_space<vmem>>
      %dma_wait3A_372 = tpu.memref_squeeze %dma_wait3A_371 : memref<1x128xi32, #tpu.memory_space<vmem>> -> memref<128xi32, #tpu.memory_space<vmem>>
      %dma_wait3A_373 = tpu.memref_slice %arg4[%add3A_9] : memref<16384xi32, #tpu.memory_space<hbm>> -> memref<128xi32, #tpu.memory_space<hbm>>
      tpu.wait_dma2 semaphore(%run_scoped3A_357 : memref<!tpu.dma_semaphore, #tpu.memory_space<semaphore_mem>>) src(%dma_wait3A_373 : memref<128xi32, #tpu.memory_space<hbm>>) dst(%dma_wait3A_372 : memref<128xi32, #tpu.memory_space<vmem>>)
      tpu.yield
    }) : () -> ()
    %run_scoped3A_13 = arith.constant 1 : i32
    "tpu.region"() ({
      %run_scoped3A_357 = tpu.sem_alloc : memref<!tpu.dma_semaphore, #tpu.memory_space<semaphore_mem>>
      %dma_start3A_358 = arith.constant 0 : i32
      %dma_start3A_359 = tpu.memref_slice %arg12[%run_scoped3A_13, %dma_start3A_358] : memref<4x128xi32, #tpu.memory_space<vmem>> -> memref<1x128xi32, #tpu.memory_space<vmem>>
      %dma_start3A_360 = tpu.memref_squeeze %dma_start3A_359 : memref<1x128xi32, #tpu.memory_space<vmem>> -> memref<128xi32, #tpu.memory_space<vmem>>
      %dma_start3A_361 = tpu.memref_slice %arg5[%add3A_9] : memref<16384xi32, #tpu.memory_space<hbm>> -> memref<128xi32, #tpu.memory_space<hbm>>
      %dma_start3A_362 = arith.constant 0 : i32
      %dma_start3A_363 = tpu.memref_slice %arg12[%run_scoped3A_13, %dma_start3A_362] : memref<4x128xi32, #tpu.memory_space<vmem>> -> memref<1x128xi32, #tpu.memory_space<vmem>>
      %dma_start3A_364 = tpu.memref_squeeze %dma_start3A_363 : memref<1x128xi32, #tpu.memory_space<vmem>> -> memref<128xi32, #tpu.memory_space<vmem>>
      %dma_start3A_365 = tpu.memref_slice %arg5[%add3A_9] : memref<16384xi32, #tpu.memory_space<hbm>> -> memref<128xi32, #tpu.memory_space<hbm>>
      tpu.enqueue_dma source(%dma_start3A_365 : memref<128xi32, #tpu.memory_space<hbm>>) target(%dma_start3A_364 : memref<128xi32, #tpu.memory_space<vmem>>) target_semaphore(%run_scoped3A_357 : memref<!tpu.dma_semaphore, #tpu.memory_space<semaphore_mem>>)
      %dma_wait3A_366 = arith.constant 0 : i32
      %dma_wait3A_367 = tpu.memref_slice %arg12[%run_scoped3A_13, %dma_wait3A_366] : memref<4x128xi32, #tpu.memory_space<vmem>> -> memref<1x128xi32, #tpu.memory_space<vmem>>
      %dma_wait3A_368 = tpu.memref_squeeze %dma_wait3A_367 : memref<1x128xi32, #tpu.memory_space<vmem>> -> memref<128xi32, #tpu.memory_space<vmem>>
      %dma_wait3A_369 = tpu.memref_slice %arg5[%add3A_9] : memref<16384xi32, #tpu.memory_space<hbm>> -> memref<128xi32, #tpu.memory_space<hbm>>
      %dma_wait3A_370 = arith.constant 0 : i32
      %dma_wait3A_371 = tpu.memref_slice %arg12[%run_scoped3A_13, %dma_wait3A_370] : memref<4x128xi32, #tpu.memory_space<vmem>> -> memref<1x128xi32, #tpu.memory_space<vmem>>
      %dma_wait3A_372 = tpu.memref_squeeze %dma_wait3A_371 : memref<1x128xi32, #tpu.memory_space<vmem>> -> memref<128xi32, #tpu.memory_space<vmem>>
      %dma_wait3A_373 = tpu.memref_slice %arg5[%add3A_9] : memref<16384xi32, #tpu.memory_space<hbm>> -> memref<128xi32, #tpu.memory_space<hbm>>
      tpu.wait_dma2 semaphore(%run_scoped3A_357 : memref<!tpu.dma_semaphore, #tpu.memory_space<semaphore_mem>>) src(%dma_wait3A_373 : memref<128xi32, #tpu.memory_space<hbm>>) dst(%dma_wait3A_372 : memref<128xi32, #tpu.memory_space<vmem>>)
      tpu.yield
    }) : () -> ()
    %add3A_14 = arith.constant 256 : i32
    %add3A_15 = arith.addi %mul3A_2, %add3A_14 : i32
    %run_scoped3A_16 = arith.constant 2 : i32
    "tpu.region"() ({
      %run_scoped3A_357 = tpu.sem_alloc : memref<!tpu.dma_semaphore, #tpu.memory_space<semaphore_mem>>
      %dma_start3A_358 = arith.constant 0 : i32
      %dma_start3A_359 = tpu.memref_slice %arg9[%run_scoped3A_16, %dma_start3A_358] : memref<4x128xi32, #tpu.memory_space<vmem>> -> memref<1x128xi32, #tpu.memory_space<vmem>>
      %dma_start3A_360 = tpu.memref_squeeze %dma_start3A_359 : memref<1x128xi32, #tpu.memory_space<vmem>> -> memref<128xi32, #tpu.memory_space<vmem>>
      %dma_start3A_361 = tpu.memref_slice %arg2[%add3A_15] : memref<16384xi32, #tpu.memory_space<hbm>> -> memref<128xi32, #tpu.memory_space<hbm>>
      %dma_start3A_362 = arith.constant 0 : i32
      %dma_start3A_363 = tpu.memref_slice %arg9[%run_scoped3A_16, %dma_start3A_362] : memref<4x128xi32, #tpu.memory_space<vmem>> -> memref<1x128xi32, #tpu.memory_space<vmem>>
      %dma_start3A_364 = tpu.memref_squeeze %dma_start3A_363 : memref<1x128xi32, #tpu.memory_space<vmem>> -> memref<128xi32, #tpu.memory_space<vmem>>
      %dma_start3A_365 = tpu.memref_slice %arg2[%add3A_15] : memref<16384xi32, #tpu.memory_space<hbm>> -> memref<128xi32, #tpu.memory_space<hbm>>
      tpu.enqueue_dma source(%dma_start3A_365 : memref<128xi32, #tpu.memory_space<hbm>>) target(%dma_start3A_364 : memref<128xi32, #tpu.memory_space<vmem>>) target_semaphore(%run_scoped3A_357 : memref<!tpu.dma_semaphore, #tpu.memory_space<semaphore_mem>>)
      %dma_wait3A_366 = arith.constant 0 : i32
      %dma_wait3A_367 = tpu.memref_slice %arg9[%run_scoped3A_16, %dma_wait3A_366] : memref<4x128xi32, #tpu.memory_space<vmem>> -> memref<1x128xi32, #tpu.memory_space<vmem>>
      %dma_wait3A_368 = tpu.memref_squeeze %dma_wait3A_367 : memref<1x128xi32, #tpu.memory_space<vmem>> -> memref<128xi32, #tpu.memory_space<vmem>>
      %dma_wait3A_369 = tpu.memref_slice %arg2[%add3A_15] : memref<16384xi32, #tpu.memory_space<hbm>> -> memref<128xi32, #tpu.memory_space<hbm>>
      %dma_wait3A_370 = arith.constant 0 : i32
      %dma_wait3A_371 = tpu.memref_slice %arg9[%run_scoped3A_16, %dma_wait3A_370] : memref<4x128xi32, #tpu.memory_space<vmem>> -> memref<1x128xi32, #tpu.memory_space<vmem>>
      %dma_wait3A_372 = tpu.memref_squeeze %dma_wait3A_371 : memref<1x128xi32, #tpu.memory_space<vmem>> -> memref<128xi32, #tpu.memory_space<vmem>>
      %dma_wait3A_373 = tpu.memref_slice %arg2[%add3A_15] : memref<16384xi32, #tpu.memory_space<hbm>> -> memref<128xi32, #tpu.memory_space<hbm>>
      tpu.wait_dma2 semaphore(%run_scoped3A_357 : memref<!tpu.dma_semaphore, #tpu.memory_space<semaphore_mem>>) src(%dma_wait3A_373 : memref<128xi32, #tpu.memory_space<hbm>>) dst(%dma_wait3A_372 : memref<128xi32, #tpu.memory_space<vmem>>)
      tpu.yield
    }) : () -> ()
    %run_scoped3A_17 = arith.constant 2 : i32
    "tpu.region"() ({
      %run_scoped3A_357 = tpu.sem_alloc : memref<!tpu.dma_semaphore, #tpu.memory_space<semaphore_mem>>
      %dma_start3A_358 = arith.constant 0 : i32
      %dma_start3A_359 = tpu.memref_slice %arg10[%run_scoped3A_17, %dma_start3A_358] : memref<4x128xi32, #tpu.memory_space<vmem>> -> memref<1x128xi32, #tpu.memory_space<vmem>>
      %dma_start3A_360 = tpu.memref_squeeze %dma_start3A_359 : memref<1x128xi32, #tpu.memory_space<vmem>> -> memref<128xi32, #tpu.memory_space<vmem>>
      %dma_start3A_361 = tpu.memref_slice %arg3[%add3A_15] : memref<16384xi32, #tpu.memory_space<hbm>> -> memref<128xi32, #tpu.memory_space<hbm>>
      %dma_start3A_362 = arith.constant 0 : i32
      %dma_start3A_363 = tpu.memref_slice %arg10[%run_scoped3A_17, %dma_start3A_362] : memref<4x128xi32, #tpu.memory_space<vmem>> -> memref<1x128xi32, #tpu.memory_space<vmem>>
      %dma_start3A_364 = tpu.memref_squeeze %dma_start3A_363 : memref<1x128xi32, #tpu.memory_space<vmem>> -> memref<128xi32, #tpu.memory_space<vmem>>
      %dma_start3A_365 = tpu.memref_slice %arg3[%add3A_15] : memref<16384xi32, #tpu.memory_space<hbm>> -> memref<128xi32, #tpu.memory_space<hbm>>
      tpu.enqueue_dma source(%dma_start3A_365 : memref<128xi32, #tpu.memory_space<hbm>>) target(%dma_start3A_364 : memref<128xi32, #tpu.memory_space<vmem>>) target_semaphore(%run_scoped3A_357 : memref<!tpu.dma_semaphore, #tpu.memory_space<semaphore_mem>>)
      %dma_wait3A_366 = arith.constant 0 : i32
      %dma_wait3A_367 = tpu.memref_slice %arg10[%run_scoped3A_17, %dma_wait3A_366] : memref<4x128xi32, #tpu.memory_space<vmem>> -> memref<1x128xi32, #tpu.memory_space<vmem>>
      %dma_wait3A_368 = tpu.memref_squeeze %dma_wait3A_367 : memref<1x128xi32, #tpu.memory_space<vmem>> -> memref<128xi32, #tpu.memory_space<vmem>>
      %dma_wait3A_369 = tpu.memref_slice %arg3[%add3A_15] : memref<16384xi32, #tpu.memory_space<hbm>> -> memref<128xi32, #tpu.memory_space<hbm>>
      %dma_wait3A_370 = arith.constant 0 : i32
      %dma_wait3A_371 = tpu.memref_slice %arg10[%run_scoped3A_17, %dma_wait3A_370] : memref<4x128xi32, #tpu.memory_space<vmem>> -> memref<1x128xi32, #tpu.memory_space<vmem>>
      %dma_wait3A_372 = tpu.memref_squeeze %dma_wait3A_371 : memref<1x128xi32, #tpu.memory_space<vmem>> -> memref<128xi32, #tpu.memory_space<vmem>>
      %dma_wait3A_373 = tpu.memref_slice %arg3[%add3A_15] : memref<16384xi32, #tpu.memory_space<hbm>> -> memref<128xi32, #tpu.memory_space<hbm>>
      tpu.wait_dma2 semaphore(%run_scoped3A_357 : memref<!tpu.dma_semaphore, #tpu.memory_space<semaphore_mem>>) src(%dma_wait3A_373 : memref<128xi32, #tpu.memory_space<hbm>>) dst(%dma_wait3A_372 : memref<128xi32, #tpu.memory_space<vmem>>)
      tpu.yield
    }) : () -> ()
    %run_scoped3A_18 = arith.constant 2 : i32
    "tpu.region"() ({
      %run_scoped3A_357 = tpu.sem_alloc : memref<!tpu.dma_semaphore, #tpu.memory_space<semaphore_mem>>
      %dma_start3A_358 = arith.constant 0 : i32
      %dma_start3A_359 = tpu.memref_slice %arg11[%run_scoped3A_18, %dma_start3A_358] : memref<4x128xi32, #tpu.memory_space<vmem>> -> memref<1x128xi32, #tpu.memory_space<vmem>>
      %dma_start3A_360 = tpu.memref_squeeze %dma_start3A_359 : memref<1x128xi32, #tpu.memory_space<vmem>> -> memref<128xi32, #tpu.memory_space<vmem>>
      %dma_start3A_361 = tpu.memref_slice %arg4[%add3A_15] : memref<16384xi32, #tpu.memory_space<hbm>> -> memref<128xi32, #tpu.memory_space<hbm>>
      %dma_start3A_362 = arith.constant 0 : i32
      %dma_start3A_363 = tpu.memref_slice %arg11[%run_scoped3A_18, %dma_start3A_362] : memref<4x128xi32, #tpu.memory_space<vmem>> -> memref<1x128xi32, #tpu.memory_space<vmem>>
      %dma_start3A_364 = tpu.memref_squeeze %dma_start3A_363 : memref<1x128xi32, #tpu.memory_space<vmem>> -> memref<128xi32, #tpu.memory_space<vmem>>
      %dma_start3A_365 = tpu.memref_slice %arg4[%add3A_15] : memref<16384xi32, #tpu.memory_space<hbm>> -> memref<128xi32, #tpu.memory_space<hbm>>
      tpu.enqueue_dma source(%dma_start3A_365 : memref<128xi32, #tpu.memory_space<hbm>>) target(%dma_start3A_364 : memref<128xi32, #tpu.memory_space<vmem>>) target_semaphore(%run_scoped3A_357 : memref<!tpu.dma_semaphore, #tpu.memory_space<semaphore_mem>>)
      %dma_wait3A_366 = arith.constant 0 : i32
      %dma_wait3A_367 = tpu.memref_slice %arg11[%run_scoped3A_18, %dma_wait3A_366] : memref<4x128xi32, #tpu.memory_space<vmem>> -> memref<1x128xi32, #tpu.memory_space<vmem>>
      %dma_wait3A_368 = tpu.memref_squeeze %dma_wait3A_367 : memref<1x128xi32, #tpu.memory_space<vmem>> -> memref<128xi32, #tpu.memory_space<vmem>>
      %dma_wait3A_369 = tpu.memref_slice %arg4[%add3A_15] : memref<16384xi32, #tpu.memory_space<hbm>> -> memref<128xi32, #tpu.memory_space<hbm>>
      %dma_wait3A_370 = arith.constant 0 : i32
      %dma_wait3A_371 = tpu.memref_slice %arg11[%run_scoped3A_18, %dma_wait3A_370] : memref<4x128xi32, #tpu.memory_space<vmem>> -> memref<1x128xi32, #tpu.memory_space<vmem>>
      %dma_wait3A_372 = tpu.memref_squeeze %dma_wait3A_371 : memref<1x128xi32, #tpu.memory_space<vmem>> -> memref<128xi32, #tpu.memory_space<vmem>>
      %dma_wait3A_373 = tpu.memref_slice %arg4[%add3A_15] : memref<16384xi32, #tpu.memory_space<hbm>> -> memref<128xi32, #tpu.memory_space<hbm>>
      tpu.wait_dma2 semaphore(%run_scoped3A_357 : memref<!tpu.dma_semaphore, #tpu.memory_space<semaphore_mem>>) src(%dma_wait3A_373 : memref<128xi32, #tpu.memory_space<hbm>>) dst(%dma_wait3A_372 : memref<128xi32, #tpu.memory_space<vmem>>)
      tpu.yield
    }) : () -> ()
    %run_scoped3A_19 = arith.constant 2 : i32
    "tpu.region"() ({
      %run_scoped3A_357 = tpu.sem_alloc : memref<!tpu.dma_semaphore, #tpu.memory_space<semaphore_mem>>
      %dma_start3A_358 = arith.constant 0 : i32
      %dma_start3A_359 = tpu.memref_slice %arg12[%run_scoped3A_19, %dma_start3A_358] : memref<4x128xi32, #tpu.memory_space<vmem>> -> memref<1x128xi32, #tpu.memory_space<vmem>>
      %dma_start3A_360 = tpu.memref_squeeze %dma_start3A_359 : memref<1x128xi32, #tpu.memory_space<vmem>> -> memref<128xi32, #tpu.memory_space<vmem>>
      %dma_start3A_361 = tpu.memref_slice %arg5[%add3A_15] : memref<16384xi32, #tpu.memory_space<hbm>> -> memref<128xi32, #tpu.memory_space<hbm>>
      %dma_start3A_362 = arith.constant 0 : i32
      %dma_start3A_363 = tpu.memref_slice %arg12[%run_scoped3A_19, %dma_start3A_362] : memref<4x128xi32, #tpu.memory_space<vmem>> -> memref<1x128xi32, #tpu.memory_space<vmem>>
      %dma_start3A_364 = tpu.memref_squeeze %dma_start3A_363 : memref<1x128xi32, #tpu.memory_space<vmem>> -> memref<128xi32, #tpu.memory_space<vmem>>
      %dma_start3A_365 = tpu.memref_slice %arg5[%add3A_15] : memref<16384xi32, #tpu.memory_space<hbm>> -> memref<128xi32, #tpu.memory_space<hbm>>
      tpu.enqueue_dma source(%dma_start3A_365 : memref<128xi32, #tpu.memory_space<hbm>>) target(%dma_start3A_364 : memref<128xi32, #tpu.memory_space<vmem>>) target_semaphore(%run_scoped3A_357 : memref<!tpu.dma_semaphore, #tpu.memory_space<semaphore_mem>>)
      %dma_wait3A_366 = arith.constant 0 : i32
      %dma_wait3A_367 = tpu.memref_slice %arg12[%run_scoped3A_19, %dma_wait3A_366] : memref<4x128xi32, #tpu.memory_space<vmem>> -> memref<1x128xi32, #tpu.memory_space<vmem>>
      %dma_wait3A_368 = tpu.memref_squeeze %dma_wait3A_367 : memref<1x128xi32, #tpu.memory_space<vmem>> -> memref<128xi32, #tpu.memory_space<vmem>>
      %dma_wait3A_369 = tpu.memref_slice %arg5[%add3A_15] : memref<16384xi32, #tpu.memory_space<hbm>> -> memref<128xi32, #tpu.memory_space<hbm>>
      %dma_wait3A_370 = arith.constant 0 : i32
      %dma_wait3A_371 = tpu.memref_slice %arg12[%run_scoped3A_19, %dma_wait3A_370] : memref<4x128xi32, #tpu.memory_space<vmem>> -> memref<1x128xi32, #tpu.memory_space<vmem>>
      %dma_wait3A_372 = tpu.memref_squeeze %dma_wait3A_371 : memref<1x128xi32, #tpu.memory_space<vmem>> -> memref<128xi32, #tpu.memory_space<vmem>>
      %dma_wait3A_373 = tpu.memref_slice %arg5[%add3A_15] : memref<16384xi32, #tpu.memory_space<hbm>> -> memref<128xi32, #tpu.memory_space<hbm>>
      tpu.wait_dma2 semaphore(%run_scoped3A_357 : memref<!tpu.dma_semaphore, #tpu.memory_space<semaphore_mem>>) src(%dma_wait3A_373 : memref<128xi32, #tpu.memory_space<hbm>>) dst(%dma_wait3A_372 : memref<128xi32, #tpu.memory_space<vmem>>)
      tpu.yield
    }) : () -> ()
    %add3A_20 = arith.constant 384 : i32
    %add3A_21 = arith.addi %mul3A_2, %add3A_20 : i32
    %run_scoped3A_22 = arith.constant 3 : i32
    "tpu.region"() ({
      %run_scoped3A_357 = tpu.sem_alloc : memref<!tpu.dma_semaphore, #tpu.memory_space<semaphore_mem>>
      %dma_start3A_358 = arith.constant 0 : i32
      %dma_start3A_359 = tpu.memref_slice %arg9[%run_scoped3A_22, %dma_start3A_358] : memref<4x128xi32, #tpu.memory_space<vmem>> -> memref<1x128xi32, #tpu.memory_space<vmem>>
      %dma_start3A_360 = tpu.memref_squeeze %dma_start3A_359 : memref<1x128xi32, #tpu.memory_space<vmem>> -> memref<128xi32, #tpu.memory_space<vmem>>
      %dma_start3A_361 = tpu.memref_slice %arg2[%add3A_21] : memref<16384xi32, #tpu.memory_space<hbm>> -> memref<128xi32, #tpu.memory_space<hbm>>
      %dma_start3A_362 = arith.constant 0 : i32
      %dma_start3A_363 = tpu.memref_slice %arg9[%run_scoped3A_22, %dma_start3A_362] : memref<4x128xi32, #tpu.memory_space<vmem>> -> memref<1x128xi32, #tpu.memory_space<vmem>>
      %dma_start3A_364 = tpu.memref_squeeze %dma_start3A_363 : memref<1x128xi32, #tpu.memory_space<vmem>> -> memref<128xi32, #tpu.memory_space<vmem>>
      %dma_start3A_365 = tpu.memref_slice %arg2[%add3A_21] : memref<16384xi32, #tpu.memory_space<hbm>> -> memref<128xi32, #tpu.memory_space<hbm>>
      tpu.enqueue_dma source(%dma_start3A_365 : memref<128xi32, #tpu.memory_space<hbm>>) target(%dma_start3A_364 : memref<128xi32, #tpu.memory_space<vmem>>) target_semaphore(%run_scoped3A_357 : memref<!tpu.dma_semaphore, #tpu.memory_space<semaphore_mem>>)
      %dma_wait3A_366 = arith.constant 0 : i32
      %dma_wait3A_367 = tpu.memref_slice %arg9[%run_scoped3A_22, %dma_wait3A_366] : memref<4x128xi32, #tpu.memory_space<vmem>> -> memref<1x128xi32, #tpu.memory_space<vmem>>
      %dma_wait3A_368 = tpu.memref_squeeze %dma_wait3A_367 : memref<1x128xi32, #tpu.memory_space<vmem>> -> memref<128xi32, #tpu.memory_space<vmem>>
      %dma_wait3A_369 = tpu.memref_slice %arg2[%add3A_21] : memref<16384xi32, #tpu.memory_space<hbm>> -> memref<128xi32, #tpu.memory_space<hbm>>
      %dma_wait3A_370 = arith.constant 0 : i32
      %dma_wait3A_371 = tpu.memref_slice %arg9[%run_scoped3A_22, %dma_wait3A_370] : memref<4x128xi32, #tpu.memory_space<vmem>> -> memref<1x128xi32, #tpu.memory_space<vmem>>
      %dma_wait3A_372 = tpu.memref_squeeze %dma_wait3A_371 : memref<1x128xi32, #tpu.memory_space<vmem>> -> memref<128xi32, #tpu.memory_space<vmem>>
      %dma_wait3A_373 = tpu.memref_slice %arg2[%add3A_21] : memref<16384xi32, #tpu.memory_space<hbm>> -> memref<128xi32, #tpu.memory_space<hbm>>
      tpu.wait_dma2 semaphore(%run_scoped3A_357 : memref<!tpu.dma_semaphore, #tpu.memory_space<semaphore_mem>>) src(%dma_wait3A_373 : memref<128xi32, #tpu.memory_space<hbm>>) dst(%dma_wait3A_372 : memref<128xi32, #tpu.memory_space<vmem>>)
      tpu.yield
    }) : () -> ()
    %run_scoped3A_23 = arith.constant 3 : i32
    "tpu.region"() ({
      %run_scoped3A_357 = tpu.sem_alloc : memref<!tpu.dma_semaphore, #tpu.memory_space<semaphore_mem>>
      %dma_start3A_358 = arith.constant 0 : i32
      %dma_start3A_359 = tpu.memref_slice %arg10[%run_scoped3A_23, %dma_start3A_358] : memref<4x128xi32, #tpu.memory_space<vmem>> -> memref<1x128xi32, #tpu.memory_space<vmem>>
      %dma_start3A_360 = tpu.memref_squeeze %dma_start3A_359 : memref<1x128xi32, #tpu.memory_space<vmem>> -> memref<128xi32, #tpu.memory_space<vmem>>
      %dma_start3A_361 = tpu.memref_slice %arg3[%add3A_21] : memref<16384xi32, #tpu.memory_space<hbm>> -> memref<128xi32, #tpu.memory_space<hbm>>
      %dma_start3A_362 = arith.constant 0 : i32
      %dma_start3A_363 = tpu.memref_slice %arg10[%run_scoped3A_23, %dma_start3A_362] : memref<4x128xi32, #tpu.memory_space<vmem>> -> memref<1x128xi32, #tpu.memory_space<vmem>>
      %dma_start3A_364 = tpu.memref_squeeze %dma_start3A_363 : memref<1x128xi32, #tpu.memory_space<vmem>> -> memref<128xi32, #tpu.memory_space<vmem>>
      %dma_start3A_365 = tpu.memref_slice %arg3[%add3A_21] : memref<16384xi32, #tpu.memory_space<hbm>> -> memref<128xi32, #tpu.memory_space<hbm>>
      tpu.enqueue_dma source(%dma_start3A_365 : memref<128xi32, #tpu.memory_space<hbm>>) target(%dma_start3A_364 : memref<128xi32, #tpu.memory_space<vmem>>) target_semaphore(%run_scoped3A_357 : memref<!tpu.dma_semaphore, #tpu.memory_space<semaphore_mem>>)
      %dma_wait3A_366 = arith.constant 0 : i32
      %dma_wait3A_367 = tpu.memref_slice %arg10[%run_scoped3A_23, %dma_wait3A_366] : memref<4x128xi32, #tpu.memory_space<vmem>> -> memref<1x128xi32, #tpu.memory_space<vmem>>
      %dma_wait3A_368 = tpu.memref_squeeze %dma_wait3A_367 : memref<1x128xi32, #tpu.memory_space<vmem>> -> memref<128xi32, #tpu.memory_space<vmem>>
      %dma_wait3A_369 = tpu.memref_slice %arg3[%add3A_21] : memref<16384xi32, #tpu.memory_space<hbm>> -> memref<128xi32, #tpu.memory_space<hbm>>
      %dma_wait3A_370 = arith.constant 0 : i32
      %dma_wait3A_371 = tpu.memref_slice %arg10[%run_scoped3A_23, %dma_wait3A_370] : memref<4x128xi32, #tpu.memory_space<vmem>> -> memref<1x128xi32, #tpu.memory_space<vmem>>
      %dma_wait3A_372 = tpu.memref_squeeze %dma_wait3A_371 : memref<1x128xi32, #tpu.memory_space<vmem>> -> memref<128xi32, #tpu.memory_space<vmem>>
      %dma_wait3A_373 = tpu.memref_slice %arg3[%add3A_21] : memref<16384xi32, #tpu.memory_space<hbm>> -> memref<128xi32, #tpu.memory_space<hbm>>
      tpu.wait_dma2 semaphore(%run_scoped3A_357 : memref<!tpu.dma_semaphore, #tpu.memory_space<semaphore_mem>>) src(%dma_wait3A_373 : memref<128xi32, #tpu.memory_space<hbm>>) dst(%dma_wait3A_372 : memref<128xi32, #tpu.memory_space<vmem>>)
      tpu.yield
    }) : () -> ()
    %run_scoped3A_24 = arith.constant 3 : i32
    "tpu.region"() ({
      %run_scoped3A_357 = tpu.sem_alloc : memref<!tpu.dma_semaphore, #tpu.memory_space<semaphore_mem>>
      %dma_start3A_358 = arith.constant 0 : i32
      %dma_start3A_359 = tpu.memref_slice %arg11[%run_scoped3A_24, %dma_start3A_358] : memref<4x128xi32, #tpu.memory_space<vmem>> -> memref<1x128xi32, #tpu.memory_space<vmem>>
      %dma_start3A_360 = tpu.memref_squeeze %dma_start3A_359 : memref<1x128xi32, #tpu.memory_space<vmem>> -> memref<128xi32, #tpu.memory_space<vmem>>
      %dma_start3A_361 = tpu.memref_slice %arg4[%add3A_21] : memref<16384xi32, #tpu.memory_space<hbm>> -> memref<128xi32, #tpu.memory_space<hbm>>
      %dma_start3A_362 = arith.constant 0 : i32
      %dma_start3A_363 = tpu.memref_slice %arg11[%run_scoped3A_24, %dma_start3A_362] : memref<4x128xi32, #tpu.memory_space<vmem>> -> memref<1x128xi32, #tpu.memory_space<vmem>>
      %dma_start3A_364 = tpu.memref_squeeze %dma_start3A_363 : memref<1x128xi32, #tpu.memory_space<vmem>> -> memref<128xi32, #tpu.memory_space<vmem>>
      %dma_start3A_365 = tpu.memref_slice %arg4[%add3A_21] : memref<16384xi32, #tpu.memory_space<hbm>> -> memref<128xi32, #tpu.memory_space<hbm>>
      tpu.enqueue_dma source(%dma_start3A_365 : memref<128xi32, #tpu.memory_space<hbm>>) target(%dma_start3A_364 : memref<128xi32, #tpu.memory_space<vmem>>) target_semaphore(%run_scoped3A_357 : memref<!tpu.dma_semaphore, #tpu.memory_space<semaphore_mem>>)
      %dma_wait3A_366 = arith.constant 0 : i32
      %dma_wait3A_367 = tpu.memref_slice %arg11[%run_scoped3A_24, %dma_wait3A_366] : memref<4x128xi32, #tpu.memory_space<vmem>> -> memref<1x128xi32, #tpu.memory_space<vmem>>
      %dma_wait3A_368 = tpu.memref_squeeze %dma_wait3A_367 : memref<1x128xi32, #tpu.memory_space<vmem>> -> memref<128xi32, #tpu.memory_space<vmem>>
      %dma_wait3A_369 = tpu.memref_slice %arg4[%add3A_21] : memref<16384xi32, #tpu.memory_space<hbm>> -> memref<128xi32, #tpu.memory_space<hbm>>
      %dma_wait3A_370 = arith.constant 0 : i32
      %dma_wait3A_371 = tpu.memref_slice %arg11[%run_scoped3A_24, %dma_wait3A_370] : memref<4x128xi32, #tpu.memory_space<vmem>> -> memref<1x128xi32, #tpu.memory_space<vmem>>
      %dma_wait3A_372 = tpu.memref_squeeze %dma_wait3A_371 : memref<1x128xi32, #tpu.memory_space<vmem>> -> memref<128xi32, #tpu.memory_space<vmem>>
      %dma_wait3A_373 = tpu.memref_slice %arg4[%add3A_21] : memref<16384xi32, #tpu.memory_space<hbm>> -> memref<128xi32, #tpu.memory_space<hbm>>
      tpu.wait_dma2 semaphore(%run_scoped3A_357 : memref<!tpu.dma_semaphore, #tpu.memory_space<semaphore_mem>>) src(%dma_wait3A_373 : memref<128xi32, #tpu.memory_space<hbm>>) dst(%dma_wait3A_372 : memref<128xi32, #tpu.memory_space<vmem>>)
      tpu.yield
    }) : () -> ()
    %run_scoped3A_25 = arith.constant 3 : i32
    "tpu.region"() ({
      %run_scoped3A_357 = tpu.sem_alloc : memref<!tpu.dma_semaphore, #tpu.memory_space<semaphore_mem>>
      %dma_start3A_358 = arith.constant 0 : i32
      %dma_start3A_359 = tpu.memref_slice %arg12[%run_scoped3A_25, %dma_start3A_358] : memref<4x128xi32, #tpu.memory_space<vmem>> -> memref<1x128xi32, #tpu.memory_space<vmem>>
      %dma_start3A_360 = tpu.memref_squeeze %dma_start3A_359 : memref<1x128xi32, #tpu.memory_space<vmem>> -> memref<128xi32, #tpu.memory_space<vmem>>
      %dma_start3A_361 = tpu.memref_slice %arg5[%add3A_21] : memref<16384xi32, #tpu.memory_space<hbm>> -> memref<128xi32, #tpu.memory_space<hbm>>
      %dma_start3A_362 = arith.constant 0 : i32
      %dma_start3A_363 = tpu.memref_slice %arg12[%run_scoped3A_25, %dma_start3A_362] : memref<4x128xi32, #tpu.memory_space<vmem>> -> memref<1x128xi32, #tpu.memory_space<vmem>>
      %dma_start3A_364 = tpu.memref_squeeze %dma_start3A_363 : memref<1x128xi32, #tpu.memory_space<vmem>> -> memref<128xi32, #tpu.memory_space<vmem>>
      %dma_start3A_365 = tpu.memref_slice %arg5[%add3A_21] : memref<16384xi32, #tpu.memory_space<hbm>> -> memref<128xi32, #tpu.memory_space<hbm>>
      tpu.enqueue_dma source(%dma_start3A_365 : memref<128xi32, #tpu.memory_space<hbm>>) target(%dma_start3A_364 : memref<128xi32, #tpu.memory_space<vmem>>) target_semaphore(%run_scoped3A_357 : memref<!tpu.dma_semaphore, #tpu.memory_space<semaphore_mem>>)
      %dma_wait3A_366 = arith.constant 0 : i32
      %dma_wait3A_367 = tpu.memref_slice %arg12[%run_scoped3A_25, %dma_wait3A_366] : memref<4x128xi32, #tpu.memory_space<vmem>> -> memref<1x128xi32, #tpu.memory_space<vmem>>
      %dma_wait3A_368 = tpu.memref_squeeze %dma_wait3A_367 : memref<1x128xi32, #tpu.memory_space<vmem>> -> memref<128xi32, #tpu.memory_space<vmem>>
      %dma_wait3A_369 = tpu.memref_slice %arg5[%add3A_21] : memref<16384xi32, #tpu.memory_space<hbm>> -> memref<128xi32, #tpu.memory_space<hbm>>
      %dma_wait3A_370 = arith.constant 0 : i32
      %dma_wait3A_371 = tpu.memref_slice %arg12[%run_scoped3A_25, %dma_wait3A_370] : memref<4x128xi32, #tpu.memory_space<vmem>> -> memref<1x128xi32, #tpu.memory_space<vmem>>
      %dma_wait3A_372 = tpu.memref_squeeze %dma_wait3A_371 : memref<1x128xi32, #tpu.memory_space<vmem>> -> memref<128xi32, #tpu.memory_space<vmem>>
      %dma_wait3A_373 = tpu.memref_slice %arg5[%add3A_21] : memref<16384xi32, #tpu.memory_space<hbm>> -> memref<128xi32, #tpu.memory_space<hbm>>
      tpu.wait_dma2 semaphore(%run_scoped3A_357 : memref<!tpu.dma_semaphore, #tpu.memory_space<semaphore_mem>>) src(%dma_wait3A_373 : memref<128xi32, #tpu.memory_space<hbm>>) dst(%dma_wait3A_372 : memref<128xi32, #tpu.memory_space<vmem>>)
      tpu.yield
    }) : () -> ()
    %dma_start3A = arith.constant 0 : i32
    %dma_start3A_26 = arith.constant 0 : i32
    %dma_start3A_27 = arith.constant 0 : i32
    %dma_start3A_28 = tpu.memref_slice %arg13[%dma_start3A_26, %dma_start3A_27] : memref<512x32xbf16, #tpu.memory_space<vmem>> -> memref<128x32xbf16, #tpu.memory_space<vmem>>
    %dma_start3A_29 = arith.constant 0 : i32
    %dma_start3A_30 = tpu.memref_slice %arg9[%dma_start3A, %dma_start3A_29] : memref<4x128xi32, #tpu.memory_space<vmem>> -> memref<1x128xi32, #tpu.memory_space<vmem>>
    %dma_start3A_31 = tpu.memref_squeeze %dma_start3A_30 : memref<1x128xi32, #tpu.memory_space<vmem>> -> memref<128xi32, #tpu.memory_space<vmem>>
    %dma_start3A_32 = arith.constant 0 : i32
    %dma_start3A_33 = arith.constant 0 : i32
    %dma_start3A_34 = tpu.memref_slice %arg7[%dma_start3A_32, %dma_start3A_33] : memref<1000000x32xbf16, #tpu.memory_space<hbm>> -> memref<1000000x32xbf16, #tpu.memory_space<hbm>>
    tpu.enqueue_indirect_dma source(%dma_start3A_34 : memref<1000000x32xbf16, #tpu.memory_space<hbm>>) target(%dma_start3A_28 : memref<128x32xbf16, #tpu.memory_space<vmem>>) offsets(%dma_start3A_31 : memref<128xi32, #tpu.memory_space<vmem>>) semaphore(%arg22 : memref<!tpu.dma_semaphore, #tpu.memory_space<semaphore_mem>>)
    %dma_start3A_35 = arith.constant 0 : i32
    %dma_start3A_36 = arith.constant 0 : i32
    %dma_start3A_37 = arith.constant 0 : i32
    %dma_start3A_38 = tpu.memref_slice %arg14[%dma_start3A_36, %dma_start3A_37] : memref<512x32xbf16, #tpu.memory_space<vmem>> -> memref<128x32xbf16, #tpu.memory_space<vmem>>
    %dma_start3A_39 = arith.constant 0 : i32
    %dma_start3A_40 = tpu.memref_slice %arg10[%dma_start3A_35, %dma_start3A_39] : memref<4x128xi32, #tpu.memory_space<vmem>> -> memref<1x128xi32, #tpu.memory_space<vmem>>
    %dma_start3A_41 = tpu.memref_squeeze %dma_start3A_40 : memref<1x128xi32, #tpu.memory_space<vmem>> -> memref<128xi32, #tpu.memory_space<vmem>>
    %dma_start3A_42 = arith.constant 0 : i32
    %dma_start3A_43 = arith.constant 0 : i32
    %dma_start3A_44 = tpu.memref_slice %arg6[%dma_start3A_42, %dma_start3A_43] : memref<1000001x32xbf16, #tpu.memory_space<hbm>> -> memref<1000001x32xbf16, #tpu.memory_space<hbm>>
    tpu.enqueue_indirect_dma source(%dma_start3A_44 : memref<1000001x32xbf16, #tpu.memory_space<hbm>>) target(%dma_start3A_38 : memref<128x32xbf16, #tpu.memory_space<vmem>>) offsets(%dma_start3A_41 : memref<128xi32, #tpu.memory_space<vmem>>) semaphore(%arg22 : memref<!tpu.dma_semaphore, #tpu.memory_space<semaphore_mem>>)
    %dma_start3A_45 = arith.constant 0 : i32
    %dma_start3A_46 = arith.constant 0 : i32
    %dma_start3A_47 = arith.constant 0 : i32
    %dma_start3A_48 = tpu.memref_slice %arg15[%dma_start3A_46, %dma_start3A_47] : memref<512x32xbf16, #tpu.memory_space<vmem>> -> memref<128x32xbf16, #tpu.memory_space<vmem>>
    %dma_start3A_49 = arith.constant 0 : i32
    %dma_start3A_50 = tpu.memref_slice %arg11[%dma_start3A_45, %dma_start3A_49] : memref<4x128xi32, #tpu.memory_space<vmem>> -> memref<1x128xi32, #tpu.memory_space<vmem>>
    %dma_start3A_51 = tpu.memref_squeeze %dma_start3A_50 : memref<1x128xi32, #tpu.memory_space<vmem>> -> memref<128xi32, #tpu.memory_space<vmem>>
    %dma_start3A_52 = arith.constant 0 : i32
    %dma_start3A_53 = arith.constant 0 : i32
    %dma_start3A_54 = tpu.memref_slice %arg6[%dma_start3A_52, %dma_start3A_53] : memref<1000001x32xbf16, #tpu.memory_space<hbm>> -> memref<1000001x32xbf16, #tpu.memory_space<hbm>>
    tpu.enqueue_indirect_dma source(%dma_start3A_54 : memref<1000001x32xbf16, #tpu.memory_space<hbm>>) target(%dma_start3A_48 : memref<128x32xbf16, #tpu.memory_space<vmem>>) offsets(%dma_start3A_51 : memref<128xi32, #tpu.memory_space<vmem>>) semaphore(%arg22 : memref<!tpu.dma_semaphore, #tpu.memory_space<semaphore_mem>>)
    %dma_start3A_55 = arith.constant 0 : i32
    %dma_start3A_56 = arith.constant 0 : i32
    %dma_start3A_57 = arith.constant 0 : i32
    %dma_start3A_58 = tpu.memref_slice %arg16[%dma_start3A_56, %dma_start3A_57] : memref<512x32xbf16, #tpu.memory_space<vmem>> -> memref<128x32xbf16, #tpu.memory_space<vmem>>
    %dma_start3A_59 = arith.constant 0 : i32
    %dma_start3A_60 = tpu.memref_slice %arg12[%dma_start3A_55, %dma_start3A_59] : memref<4x128xi32, #tpu.memory_space<vmem>> -> memref<1x128xi32, #tpu.memory_space<vmem>>
    %dma_start3A_61 = tpu.memref_squeeze %dma_start3A_60 : memref<1x128xi32, #tpu.memory_space<vmem>> -> memref<128xi32, #tpu.memory_space<vmem>>
    %dma_start3A_62 = arith.constant 0 : i32
    %dma_start3A_63 = arith.constant 0 : i32
    %dma_start3A_64 = tpu.memref_slice %arg6[%dma_start3A_62, %dma_start3A_63] : memref<1000001x32xbf16, #tpu.memory_space<hbm>> -> memref<1000001x32xbf16, #tpu.memory_space<hbm>>
    tpu.enqueue_indirect_dma source(%dma_start3A_64 : memref<1000001x32xbf16, #tpu.memory_space<hbm>>) target(%dma_start3A_58 : memref<128x32xbf16, #tpu.memory_space<vmem>>) offsets(%dma_start3A_61 : memref<128xi32, #tpu.memory_space<vmem>>) semaphore(%arg22 : memref<!tpu.dma_semaphore, #tpu.memory_space<semaphore_mem>>)
    %dma_start3A_65 = arith.constant 1 : i32
    %dma_start3A_66 = arith.constant 128 : i32
    %dma_start3A_67 = arith.constant 0 : i32
    %dma_start3A_68 = tpu.memref_slice %arg13[%dma_start3A_66, %dma_start3A_67] : memref<512x32xbf16, #tpu.memory_space<vmem>> -> memref<128x32xbf16, #tpu.memory_space<vmem>>
    %dma_start3A_69 = arith.constant 0 : i32
    %dma_start3A_70 = tpu.memref_slice %arg9[%dma_start3A_65, %dma_start3A_69] : memref<4x128xi32, #tpu.memory_space<vmem>> -> memref<1x128xi32, #tpu.memory_space<vmem>>
    %dma_start3A_71 = tpu.memref_squeeze %dma_start3A_70 : memref<1x128xi32, #tpu.memory_space<vmem>> -> memref<128xi32, #tpu.memory_space<vmem>>
    %dma_start3A_72 = arith.constant 0 : i32
    %dma_start3A_73 = arith.constant 0 : i32
    %dma_start3A_74 = tpu.memref_slice %arg7[%dma_start3A_72, %dma_start3A_73] : memref<1000000x32xbf16, #tpu.memory_space<hbm>> -> memref<1000000x32xbf16, #tpu.memory_space<hbm>>
    tpu.enqueue_indirect_dma source(%dma_start3A_74 : memref<1000000x32xbf16, #tpu.memory_space<hbm>>) target(%dma_start3A_68 : memref<128x32xbf16, #tpu.memory_space<vmem>>) offsets(%dma_start3A_71 : memref<128xi32, #tpu.memory_space<vmem>>) semaphore(%arg22 : memref<!tpu.dma_semaphore, #tpu.memory_space<semaphore_mem>>)
    %dma_start3A_75 = arith.constant 1 : i32
    %dma_start3A_76 = arith.constant 128 : i32
    %dma_start3A_77 = arith.constant 0 : i32
    %dma_start3A_78 = tpu.memref_slice %arg14[%dma_start3A_76, %dma_start3A_77] : memref<512x32xbf16, #tpu.memory_space<vmem>> -> memref<128x32xbf16, #tpu.memory_space<vmem>>
    %dma_start3A_79 = arith.constant 0 : i32
    %dma_start3A_80 = tpu.memref_slice %arg10[%dma_start3A_75, %dma_start3A_79] : memref<4x128xi32, #tpu.memory_space<vmem>> -> memref<1x128xi32, #tpu.memory_space<vmem>>
    %dma_start3A_81 = tpu.memref_squeeze %dma_start3A_80 : memref<1x128xi32, #tpu.memory_space<vmem>> -> memref<128xi32, #tpu.memory_space<vmem>>
    %dma_start3A_82 = arith.constant 0 : i32
    %dma_start3A_83 = arith.constant 0 : i32
    %dma_start3A_84 = tpu.memref_slice %arg6[%dma_start3A_82, %dma_start3A_83] : memref<1000001x32xbf16, #tpu.memory_space<hbm>> -> memref<1000001x32xbf16, #tpu.memory_space<hbm>>
    tpu.enqueue_indirect_dma source(%dma_start3A_84 : memref<1000001x32xbf16, #tpu.memory_space<hbm>>) target(%dma_start3A_78 : memref<128x32xbf16, #tpu.memory_space<vmem>>) offsets(%dma_start3A_81 : memref<128xi32, #tpu.memory_space<vmem>>) semaphore(%arg22 : memref<!tpu.dma_semaphore, #tpu.memory_space<semaphore_mem>>)
    %dma_start3A_85 = arith.constant 1 : i32
    %dma_start3A_86 = arith.constant 128 : i32
    %dma_start3A_87 = arith.constant 0 : i32
    %dma_start3A_88 = tpu.memref_slice %arg15[%dma_start3A_86, %dma_start3A_87] : memref<512x32xbf16, #tpu.memory_space<vmem>> -> memref<128x32xbf16, #tpu.memory_space<vmem>>
    %dma_start3A_89 = arith.constant 0 : i32
    %dma_start3A_90 = tpu.memref_slice %arg11[%dma_start3A_85, %dma_start3A_89] : memref<4x128xi32, #tpu.memory_space<vmem>> -> memref<1x128xi32, #tpu.memory_space<vmem>>
    %dma_start3A_91 = tpu.memref_squeeze %dma_start3A_90 : memref<1x128xi32, #tpu.memory_space<vmem>> -> memref<128xi32, #tpu.memory_space<vmem>>
    %dma_start3A_92 = arith.constant 0 : i32
    %dma_start3A_93 = arith.constant 0 : i32
    %dma_start3A_94 = tpu.memref_slice %arg6[%dma_start3A_92, %dma_start3A_93] : memref<1000001x32xbf16, #tpu.memory_space<hbm>> -> memref<1000001x32xbf16, #tpu.memory_space<hbm>>
    tpu.enqueue_indirect_dma source(%dma_start3A_94 : memref<1000001x32xbf16, #tpu.memory_space<hbm>>) target(%dma_start3A_88 : memref<128x32xbf16, #tpu.memory_space<vmem>>) offsets(%dma_start3A_91 : memref<128xi32, #tpu.memory_space<vmem>>) semaphore(%arg22 : memref<!tpu.dma_semaphore, #tpu.memory_space<semaphore_mem>>)
    %dma_start3A_95 = arith.constant 1 : i32
    %dma_start3A_96 = arith.constant 128 : i32
    %dma_start3A_97 = arith.constant 0 : i32
    %dma_start3A_98 = tpu.memref_slice %arg16[%dma_start3A_96, %dma_start3A_97] : memref<512x32xbf16, #tpu.memory_space<vmem>> -> memref<128x32xbf16, #tpu.memory_space<vmem>>
    %dma_start3A_99 = arith.constant 0 : i32
    %dma_start3A_100 = tpu.memref_slice %arg12[%dma_start3A_95, %dma_start3A_99] : memref<4x128xi32, #tpu.memory_space<vmem>> -> memref<1x128xi32, #tpu.memory_space<vmem>>
    %dma_start3A_101 = tpu.memref_squeeze %dma_start3A_100 : memref<1x128xi32, #tpu.memory_space<vmem>> -> memref<128xi32, #tpu.memory_space<vmem>>
    %dma_start3A_102 = arith.constant 0 : i32
    %dma_start3A_103 = arith.constant 0 : i32
    %dma_start3A_104 = tpu.memref_slice %arg6[%dma_start3A_102, %dma_start3A_103] : memref<1000001x32xbf16, #tpu.memory_space<hbm>> -> memref<1000001x32xbf16, #tpu.memory_space<hbm>>
    tpu.enqueue_indirect_dma source(%dma_start3A_104 : memref<1000001x32xbf16, #tpu.memory_space<hbm>>) target(%dma_start3A_98 : memref<128x32xbf16, #tpu.memory_space<vmem>>) offsets(%dma_start3A_101 : memref<128xi32, #tpu.memory_space<vmem>>) semaphore(%arg22 : memref<!tpu.dma_semaphore, #tpu.memory_space<semaphore_mem>>)
    %dma_start3A_105 = arith.constant 2 : i32
    %dma_start3A_106 = arith.constant 256 : i32
    %dma_start3A_107 = arith.constant 0 : i32
    %dma_start3A_108 = tpu.memref_slice %arg13[%dma_start3A_106, %dma_start3A_107] : memref<512x32xbf16, #tpu.memory_space<vmem>> -> memref<128x32xbf16, #tpu.memory_space<vmem>>
    %dma_start3A_109 = arith.constant 0 : i32
    %dma_start3A_110 = tpu.memref_slice %arg9[%dma_start3A_105, %dma_start3A_109] : memref<4x128xi32, #tpu.memory_space<vmem>> -> memref<1x128xi32, #tpu.memory_space<vmem>>
    %dma_start3A_111 = tpu.memref_squeeze %dma_start3A_110 : memref<1x128xi32, #tpu.memory_space<vmem>> -> memref<128xi32, #tpu.memory_space<vmem>>
    %dma_start3A_112 = arith.constant 0 : i32
    %dma_start3A_113 = arith.constant 0 : i32
    %dma_start3A_114 = tpu.memref_slice %arg7[%dma_start3A_112, %dma_start3A_113] : memref<1000000x32xbf16, #tpu.memory_space<hbm>> -> memref<1000000x32xbf16, #tpu.memory_space<hbm>>
    tpu.enqueue_indirect_dma source(%dma_start3A_114 : memref<1000000x32xbf16, #tpu.memory_space<hbm>>) target(%dma_start3A_108 : memref<128x32xbf16, #tpu.memory_space<vmem>>) offsets(%dma_start3A_111 : memref<128xi32, #tpu.memory_space<vmem>>) semaphore(%arg22 : memref<!tpu.dma_semaphore, #tpu.memory_space<semaphore_mem>>)
    %dma_start3A_115 = arith.constant 2 : i32
    %dma_start3A_116 = arith.constant 256 : i32
    %dma_start3A_117 = arith.constant 0 : i32
    %dma_start3A_118 = tpu.memref_slice %arg14[%dma_start3A_116, %dma_start3A_117] : memref<512x32xbf16, #tpu.memory_space<vmem>> -> memref<128x32xbf16, #tpu.memory_space<vmem>>
    %dma_start3A_119 = arith.constant 0 : i32
    %dma_start3A_120 = tpu.memref_slice %arg10[%dma_start3A_115, %dma_start3A_119] : memref<4x128xi32, #tpu.memory_space<vmem>> -> memref<1x128xi32, #tpu.memory_space<vmem>>
    %dma_start3A_121 = tpu.memref_squeeze %dma_start3A_120 : memref<1x128xi32, #tpu.memory_space<vmem>> -> memref<128xi32, #tpu.memory_space<vmem>>
    %dma_start3A_122 = arith.constant 0 : i32
    %dma_start3A_123 = arith.constant 0 : i32
    %dma_start3A_124 = tpu.memref_slice %arg6[%dma_start3A_122, %dma_start3A_123] : memref<1000001x32xbf16, #tpu.memory_space<hbm>> -> memref<1000001x32xbf16, #tpu.memory_space<hbm>>
    tpu.enqueue_indirect_dma source(%dma_start3A_124 : memref<1000001x32xbf16, #tpu.memory_space<hbm>>) target(%dma_start3A_118 : memref<128x32xbf16, #tpu.memory_space<vmem>>) offsets(%dma_start3A_121 : memref<128xi32, #tpu.memory_space<vmem>>) semaphore(%arg22 : memref<!tpu.dma_semaphore, #tpu.memory_space<semaphore_mem>>)
    %dma_start3A_125 = arith.constant 2 : i32
    %dma_start3A_126 = arith.constant 256 : i32
    %dma_start3A_127 = arith.constant 0 : i32
    %dma_start3A_128 = tpu.memref_slice %arg15[%dma_start3A_126, %dma_start3A_127] : memref<512x32xbf16, #tpu.memory_space<vmem>> -> memref<128x32xbf16, #tpu.memory_space<vmem>>
    %dma_start3A_129 = arith.constant 0 : i32
    %dma_start3A_130 = tpu.memref_slice %arg11[%dma_start3A_125, %dma_start3A_129] : memref<4x128xi32, #tpu.memory_space<vmem>> -> memref<1x128xi32, #tpu.memory_space<vmem>>
    %dma_start3A_131 = tpu.memref_squeeze %dma_start3A_130 : memref<1x128xi32, #tpu.memory_space<vmem>> -> memref<128xi32, #tpu.memory_space<vmem>>
    %dma_start3A_132 = arith.constant 0 : i32
    %dma_start3A_133 = arith.constant 0 : i32
    %dma_start3A_134 = tpu.memref_slice %arg6[%dma_start3A_132, %dma_start3A_133] : memref<1000001x32xbf16, #tpu.memory_space<hbm>> -> memref<1000001x32xbf16, #tpu.memory_space<hbm>>
    tpu.enqueue_indirect_dma source(%dma_start3A_134 : memref<1000001x32xbf16, #tpu.memory_space<hbm>>) target(%dma_start3A_128 : memref<128x32xbf16, #tpu.memory_space<vmem>>) offsets(%dma_start3A_131 : memref<128xi32, #tpu.memory_space<vmem>>) semaphore(%arg22 : memref<!tpu.dma_semaphore, #tpu.memory_space<semaphore_mem>>)
    %dma_start3A_135 = arith.constant 2 : i32
    %dma_start3A_136 = arith.constant 256 : i32
    %dma_start3A_137 = arith.constant 0 : i32
    %dma_start3A_138 = tpu.memref_slice %arg16[%dma_start3A_136, %dma_start3A_137] : memref<512x32xbf16, #tpu.memory_space<vmem>> -> memref<128x32xbf16, #tpu.memory_space<vmem>>
    %dma_start3A_139 = arith.constant 0 : i32
    %dma_start3A_140 = tpu.memref_slice %arg12[%dma_start3A_135, %dma_start3A_139] : memref<4x128xi32, #tpu.memory_space<vmem>> -> memref<1x128xi32, #tpu.memory_space<vmem>>
    %dma_start3A_141 = tpu.memref_squeeze %dma_start3A_140 : memref<1x128xi32, #tpu.memory_space<vmem>> -> memref<128xi32, #tpu.memory_space<vmem>>
    %dma_start3A_142 = arith.constant 0 : i32
    %dma_start3A_143 = arith.constant 0 : i32
    %dma_start3A_144 = tpu.memref_slice %arg6[%dma_start3A_142, %dma_start3A_143] : memref<1000001x32xbf16, #tpu.memory_space<hbm>> -> memref<1000001x32xbf16, #tpu.memory_space<hbm>>
    tpu.enqueue_indirect_dma source(%dma_start3A_144 : memref<1000001x32xbf16, #tpu.memory_space<hbm>>) target(%dma_start3A_138 : memref<128x32xbf16, #tpu.memory_space<vmem>>) offsets(%dma_start3A_141 : memref<128xi32, #tpu.memory_space<vmem>>) semaphore(%arg22 : memref<!tpu.dma_semaphore, #tpu.memory_space<semaphore_mem>>)
    %dma_start3A_145 = arith.constant 3 : i32
    %dma_start3A_146 = arith.constant 384 : i32
    %dma_start3A_147 = arith.constant 0 : i32
    %dma_start3A_148 = tpu.memref_slice %arg13[%dma_start3A_146, %dma_start3A_147] : memref<512x32xbf16, #tpu.memory_space<vmem>> -> memref<128x32xbf16, #tpu.memory_space<vmem>>
    %dma_start3A_149 = arith.constant 0 : i32
    %dma_start3A_150 = tpu.memref_slice %arg9[%dma_start3A_145, %dma_start3A_149] : memref<4x128xi32, #tpu.memory_space<vmem>> -> memref<1x128xi32, #tpu.memory_space<vmem>>
    %dma_start3A_151 = tpu.memref_squeeze %dma_start3A_150 : memref<1x128xi32, #tpu.memory_space<vmem>> -> memref<128xi32, #tpu.memory_space<vmem>>
    %dma_start3A_152 = arith.constant 0 : i32
    %dma_start3A_153 = arith.constant 0 : i32
    %dma_start3A_154 = tpu.memref_slice %arg7[%dma_start3A_152, %dma_start3A_153] : memref<1000000x32xbf16, #tpu.memory_space<hbm>> -> memref<1000000x32xbf16, #tpu.memory_space<hbm>>
    tpu.enqueue_indirect_dma source(%dma_start3A_154 : memref<1000000x32xbf16, #tpu.memory_space<hbm>>) target(%dma_start3A_148 : memref<128x32xbf16, #tpu.memory_space<vmem>>) offsets(%dma_start3A_151 : memref<128xi32, #tpu.memory_space<vmem>>) semaphore(%arg22 : memref<!tpu.dma_semaphore, #tpu.memory_space<semaphore_mem>>)
    %dma_start3A_155 = arith.constant 3 : i32
    %dma_start3A_156 = arith.constant 384 : i32
    %dma_start3A_157 = arith.constant 0 : i32
    %dma_start3A_158 = tpu.memref_slice %arg14[%dma_start3A_156, %dma_start3A_157] : memref<512x32xbf16, #tpu.memory_space<vmem>> -> memref<128x32xbf16, #tpu.memory_space<vmem>>
    %dma_start3A_159 = arith.constant 0 : i32
    %dma_start3A_160 = tpu.memref_slice %arg10[%dma_start3A_155, %dma_start3A_159] : memref<4x128xi32, #tpu.memory_space<vmem>> -> memref<1x128xi32, #tpu.memory_space<vmem>>
    %dma_start3A_161 = tpu.memref_squeeze %dma_start3A_160 : memref<1x128xi32, #tpu.memory_space<vmem>> -> memref<128xi32, #tpu.memory_space<vmem>>
    %dma_start3A_162 = arith.constant 0 : i32
    %dma_start3A_163 = arith.constant 0 : i32
    %dma_start3A_164 = tpu.memref_slice %arg6[%dma_start3A_162, %dma_start3A_163] : memref<1000001x32xbf16, #tpu.memory_space<hbm>> -> memref<1000001x32xbf16, #tpu.memory_space<hbm>>
    tpu.enqueue_indirect_dma source(%dma_start3A_164 : memref<1000001x32xbf16, #tpu.memory_space<hbm>>) target(%dma_start3A_158 : memref<128x32xbf16, #tpu.memory_space<vmem>>) offsets(%dma_start3A_161 : memref<128xi32, #tpu.memory_space<vmem>>) semaphore(%arg22 : memref<!tpu.dma_semaphore, #tpu.memory_space<semaphore_mem>>)
    %dma_start3A_165 = arith.constant 3 : i32
    %dma_start3A_166 = arith.constant 384 : i32
    %dma_start3A_167 = arith.constant 0 : i32
    %dma_start3A_168 = tpu.memref_slice %arg15[%dma_start3A_166, %dma_start3A_167] : memref<512x32xbf16, #tpu.memory_space<vmem>> -> memref<128x32xbf16, #tpu.memory_space<vmem>>
    %dma_start3A_169 = arith.constant 0 : i32
    %dma_start3A_170 = tpu.memref_slice %arg11[%dma_start3A_165, %dma_start3A_169] : memref<4x128xi32, #tpu.memory_space<vmem>> -> memref<1x128xi32, #tpu.memory_space<vmem>>
    %dma_start3A_171 = tpu.memref_squeeze %dma_start3A_170 : memref<1x128xi32, #tpu.memory_space<vmem>> -> memref<128xi32, #tpu.memory_space<vmem>>
    %dma_start3A_172 = arith.constant 0 : i32
    %dma_start3A_173 = arith.constant 0 : i32
    %dma_start3A_174 = tpu.memref_slice %arg6[%dma_start3A_172, %dma_start3A_173] : memref<1000001x32xbf16, #tpu.memory_space<hbm>> -> memref<1000001x32xbf16, #tpu.memory_space<hbm>>
    tpu.enqueue_indirect_dma source(%dma_start3A_174 : memref<1000001x32xbf16, #tpu.memory_space<hbm>>) target(%dma_start3A_168 : memref<128x32xbf16, #tpu.memory_space<vmem>>) offsets(%dma_start3A_171 : memref<128xi32, #tpu.memory_space<vmem>>) semaphore(%arg22 : memref<!tpu.dma_semaphore, #tpu.memory_space<semaphore_mem>>)
    %dma_start3A_175 = arith.constant 3 : i32
    %dma_start3A_176 = arith.constant 384 : i32
    %dma_start3A_177 = arith.constant 0 : i32
    %dma_start3A_178 = tpu.memref_slice %arg16[%dma_start3A_176, %dma_start3A_177] : memref<512x32xbf16, #tpu.memory_space<vmem>> -> memref<128x32xbf16, #tpu.memory_space<vmem>>
    %dma_start3A_179 = arith.constant 0 : i32
    %dma_start3A_180 = tpu.memref_slice %arg12[%dma_start3A_175, %dma_start3A_179] : memref<4x128xi32, #tpu.memory_space<vmem>> -> memref<1x128xi32, #tpu.memory_space<vmem>>
    %dma_start3A_181 = tpu.memref_squeeze %dma_start3A_180 : memref<1x128xi32, #tpu.memory_space<vmem>> -> memref<128xi32, #tpu.memory_space<vmem>>
    %dma_start3A_182 = arith.constant 0 : i32
    %dma_start3A_183 = arith.constant 0 : i32
    %dma_start3A_184 = tpu.memref_slice %arg6[%dma_start3A_182, %dma_start3A_183] : memref<1000001x32xbf16, #tpu.memory_space<hbm>> -> memref<1000001x32xbf16, #tpu.memory_space<hbm>>
    tpu.enqueue_indirect_dma source(%dma_start3A_184 : memref<1000001x32xbf16, #tpu.memory_space<hbm>>) target(%dma_start3A_178 : memref<128x32xbf16, #tpu.memory_space<vmem>>) offsets(%dma_start3A_181 : memref<128xi32, #tpu.memory_space<vmem>>) semaphore(%arg22 : memref<!tpu.dma_semaphore, #tpu.memory_space<semaphore_mem>>)
    %dma_wait3A = arith.constant 0 : i32
    %dma_wait3A_185 = arith.constant 0 : i32
    %dma_wait3A_186 = arith.constant 0 : i32
    %dma_wait3A_187 = tpu.memref_slice %arg13[%dma_wait3A_185, %dma_wait3A_186] : memref<512x32xbf16, #tpu.memory_space<vmem>> -> memref<128x32xbf16, #tpu.memory_space<vmem>>
    %dma_wait3A_188 = arith.constant 0 : i32
    %dma_wait3A_189 = tpu.memref_slice %arg9[%dma_wait3A, %dma_wait3A_188] : memref<4x128xi32, #tpu.memory_space<vmem>> -> memref<1x128xi32, #tpu.memory_space<vmem>>
    %dma_wait3A_190 = tpu.memref_squeeze %dma_wait3A_189 : memref<1x128xi32, #tpu.memory_space<vmem>> -> memref<128xi32, #tpu.memory_space<vmem>>
    %dma_wait3A_191 = arith.constant 0 : i32
    %dma_wait3A_192 = arith.constant 0 : i32
    %dma_wait3A_193 = tpu.memref_slice %arg7[%dma_wait3A_191, %dma_wait3A_192] : memref<1000000x32xbf16, #tpu.memory_space<hbm>> -> memref<1000000x32xbf16, #tpu.memory_space<hbm>>
    tpu.wait_indirect_dma semaphore(%arg22 : memref<!tpu.dma_semaphore, #tpu.memory_space<semaphore_mem>>) src(%dma_wait3A_193 : memref<1000000x32xbf16, #tpu.memory_space<hbm>>) dst(%dma_wait3A_187 : memref<128x32xbf16, #tpu.memory_space<vmem>>)
    %dma_wait3A_194 = arith.constant 0 : i32
    %dma_wait3A_195 = arith.constant 0 : i32
    %dma_wait3A_196 = arith.constant 0 : i32
    %dma_wait3A_197 = tpu.memref_slice %arg14[%dma_wait3A_195, %dma_wait3A_196] : memref<512x32xbf16, #tpu.memory_space<vmem>> -> memref<128x32xbf16, #tpu.memory_space<vmem>>
    %dma_wait3A_198 = arith.constant 0 : i32
    %dma_wait3A_199 = tpu.memref_slice %arg10[%dma_wait3A_194, %dma_wait3A_198] : memref<4x128xi32, #tpu.memory_space<vmem>> -> memref<1x128xi32, #tpu.memory_space<vmem>>
    %dma_wait3A_200 = tpu.memref_squeeze %dma_wait3A_199 : memref<1x128xi32, #tpu.memory_space<vmem>> -> memref<128xi32, #tpu.memory_space<vmem>>
    %dma_wait3A_201 = arith.constant 0 : i32
    %dma_wait3A_202 = arith.constant 0 : i32
    %dma_wait3A_203 = tpu.memref_slice %arg6[%dma_wait3A_201, %dma_wait3A_202] : memref<1000001x32xbf16, #tpu.memory_space<hbm>> -> memref<1000001x32xbf16, #tpu.memory_space<hbm>>
    tpu.wait_indirect_dma semaphore(%arg22 : memref<!tpu.dma_semaphore, #tpu.memory_space<semaphore_mem>>) src(%dma_wait3A_203 : memref<1000001x32xbf16, #tpu.memory_space<hbm>>) dst(%dma_wait3A_197 : memref<128x32xbf16, #tpu.memory_space<vmem>>)
    %dma_wait3A_204 = arith.constant 0 : i32
    %dma_wait3A_205 = arith.constant 0 : i32
    %dma_wait3A_206 = arith.constant 0 : i32
    %dma_wait3A_207 = tpu.memref_slice %arg15[%dma_wait3A_205, %dma_wait3A_206] : memref<512x32xbf16, #tpu.memory_space<vmem>> -> memref<128x32xbf16, #tpu.memory_space<vmem>>
    %dma_wait3A_208 = arith.constant 0 : i32
    %dma_wait3A_209 = tpu.memref_slice %arg11[%dma_wait3A_204, %dma_wait3A_208] : memref<4x128xi32, #tpu.memory_space<vmem>> -> memref<1x128xi32, #tpu.memory_space<vmem>>
    %dma_wait3A_210 = tpu.memref_squeeze %dma_wait3A_209 : memref<1x128xi32, #tpu.memory_space<vmem>> -> memref<128xi32, #tpu.memory_space<vmem>>
    %dma_wait3A_211 = arith.constant 0 : i32
    %dma_wait3A_212 = arith.constant 0 : i32
    %dma_wait3A_213 = tpu.memref_slice %arg6[%dma_wait3A_211, %dma_wait3A_212] : memref<1000001x32xbf16, #tpu.memory_space<hbm>> -> memref<1000001x32xbf16, #tpu.memory_space<hbm>>
    tpu.wait_indirect_dma semaphore(%arg22 : memref<!tpu.dma_semaphore, #tpu.memory_space<semaphore_mem>>) src(%dma_wait3A_213 : memref<1000001x32xbf16, #tpu.memory_space<hbm>>) dst(%dma_wait3A_207 : memref<128x32xbf16, #tpu.memory_space<vmem>>)
    %dma_wait3A_214 = arith.constant 0 : i32
    %dma_wait3A_215 = arith.constant 0 : i32
    %dma_wait3A_216 = arith.constant 0 : i32
    %dma_wait3A_217 = tpu.memref_slice %arg16[%dma_wait3A_215, %dma_wait3A_216] : memref<512x32xbf16, #tpu.memory_space<vmem>> -> memref<128x32xbf16, #tpu.memory_space<vmem>>
    %dma_wait3A_218 = arith.constant 0 : i32
    %dma_wait3A_219 = tpu.memref_slice %arg12[%dma_wait3A_214, %dma_wait3A_218] : memref<4x128xi32, #tpu.memory_space<vmem>> -> memref<1x128xi32, #tpu.memory_space<vmem>>
    %dma_wait3A_220 = tpu.memref_squeeze %dma_wait3A_219 : memref<1x128xi32, #tpu.memory_space<vmem>> -> memref<128xi32, #tpu.memory_space<vmem>>
    %dma_wait3A_221 = arith.constant 0 : i32
    %dma_wait3A_222 = arith.constant 0 : i32
    %dma_wait3A_223 = tpu.memref_slice %arg6[%dma_wait3A_221, %dma_wait3A_222] : memref<1000001x32xbf16, #tpu.memory_space<hbm>> -> memref<1000001x32xbf16, #tpu.memory_space<hbm>>
    tpu.wait_indirect_dma semaphore(%arg22 : memref<!tpu.dma_semaphore, #tpu.memory_space<semaphore_mem>>) src(%dma_wait3A_223 : memref<1000001x32xbf16, #tpu.memory_space<hbm>>) dst(%dma_wait3A_217 : memref<128x32xbf16, #tpu.memory_space<vmem>>)
    %dma_wait3A_224 = arith.constant 1 : i32
    %dma_wait3A_225 = arith.constant 128 : i32
    %dma_wait3A_226 = arith.constant 0 : i32
    %dma_wait3A_227 = tpu.memref_slice %arg13[%dma_wait3A_225, %dma_wait3A_226] : memref<512x32xbf16, #tpu.memory_space<vmem>> -> memref<128x32xbf16, #tpu.memory_space<vmem>>
    %dma_wait3A_228 = arith.constant 0 : i32
    %dma_wait3A_229 = tpu.memref_slice %arg9[%dma_wait3A_224, %dma_wait3A_228] : memref<4x128xi32, #tpu.memory_space<vmem>> -> memref<1x128xi32, #tpu.memory_space<vmem>>
    %dma_wait3A_230 = tpu.memref_squeeze %dma_wait3A_229 : memref<1x128xi32, #tpu.memory_space<vmem>> -> memref<128xi32, #tpu.memory_space<vmem>>
    %dma_wait3A_231 = arith.constant 0 : i32
    %dma_wait3A_232 = arith.constant 0 : i32
    %dma_wait3A_233 = tpu.memref_slice %arg7[%dma_wait3A_231, %dma_wait3A_232] : memref<1000000x32xbf16, #tpu.memory_space<hbm>> -> memref<1000000x32xbf16, #tpu.memory_space<hbm>>
    tpu.wait_indirect_dma semaphore(%arg22 : memref<!tpu.dma_semaphore, #tpu.memory_space<semaphore_mem>>) src(%dma_wait3A_233 : memref<1000000x32xbf16, #tpu.memory_space<hbm>>) dst(%dma_wait3A_227 : memref<128x32xbf16, #tpu.memory_space<vmem>>)
    %dma_wait3A_234 = arith.constant 1 : i32
    %dma_wait3A_235 = arith.constant 128 : i32
    %dma_wait3A_236 = arith.constant 0 : i32
    %dma_wait3A_237 = tpu.memref_slice %arg14[%dma_wait3A_235, %dma_wait3A_236] : memref<512x32xbf16, #tpu.memory_space<vmem>> -> memref<128x32xbf16, #tpu.memory_space<vmem>>
    %dma_wait3A_238 = arith.constant 0 : i32
    %dma_wait3A_239 = tpu.memref_slice %arg10[%dma_wait3A_234, %dma_wait3A_238] : memref<4x128xi32, #tpu.memory_space<vmem>> -> memref<1x128xi32, #tpu.memory_space<vmem>>
    %dma_wait3A_240 = tpu.memref_squeeze %dma_wait3A_239 : memref<1x128xi32, #tpu.memory_space<vmem>> -> memref<128xi32, #tpu.memory_space<vmem>>
    %dma_wait3A_241 = arith.constant 0 : i32
    %dma_wait3A_242 = arith.constant 0 : i32
    %dma_wait3A_243 = tpu.memref_slice %arg6[%dma_wait3A_241, %dma_wait3A_242] : memref<1000001x32xbf16, #tpu.memory_space<hbm>> -> memref<1000001x32xbf16, #tpu.memory_space<hbm>>
    tpu.wait_indirect_dma semaphore(%arg22 : memref<!tpu.dma_semaphore, #tpu.memory_space<semaphore_mem>>) src(%dma_wait3A_243 : memref<1000001x32xbf16, #tpu.memory_space<hbm>>) dst(%dma_wait3A_237 : memref<128x32xbf16, #tpu.memory_space<vmem>>)
    %dma_wait3A_244 = arith.constant 1 : i32
    %dma_wait3A_245 = arith.constant 128 : i32
    %dma_wait3A_246 = arith.constant 0 : i32
    %dma_wait3A_247 = tpu.memref_slice %arg15[%dma_wait3A_245, %dma_wait3A_246] : memref<512x32xbf16, #tpu.memory_space<vmem>> -> memref<128x32xbf16, #tpu.memory_space<vmem>>
    %dma_wait3A_248 = arith.constant 0 : i32
    %dma_wait3A_249 = tpu.memref_slice %arg11[%dma_wait3A_244, %dma_wait3A_248] : memref<4x128xi32, #tpu.memory_space<vmem>> -> memref<1x128xi32, #tpu.memory_space<vmem>>
    %dma_wait3A_250 = tpu.memref_squeeze %dma_wait3A_249 : memref<1x128xi32, #tpu.memory_space<vmem>> -> memref<128xi32, #tpu.memory_space<vmem>>
    %dma_wait3A_251 = arith.constant 0 : i32
    %dma_wait3A_252 = arith.constant 0 : i32
    %dma_wait3A_253 = tpu.memref_slice %arg6[%dma_wait3A_251, %dma_wait3A_252] : memref<1000001x32xbf16, #tpu.memory_space<hbm>> -> memref<1000001x32xbf16, #tpu.memory_space<hbm>>
    tpu.wait_indirect_dma semaphore(%arg22 : memref<!tpu.dma_semaphore, #tpu.memory_space<semaphore_mem>>) src(%dma_wait3A_253 : memref<1000001x32xbf16, #tpu.memory_space<hbm>>) dst(%dma_wait3A_247 : memref<128x32xbf16, #tpu.memory_space<vmem>>)
    %dma_wait3A_254 = arith.constant 1 : i32
    %dma_wait3A_255 = arith.constant 128 : i32
    %dma_wait3A_256 = arith.constant 0 : i32
    %dma_wait3A_257 = tpu.memref_slice %arg16[%dma_wait3A_255, %dma_wait3A_256] : memref<512x32xbf16, #tpu.memory_space<vmem>> -> memref<128x32xbf16, #tpu.memory_space<vmem>>
    %dma_wait3A_258 = arith.constant 0 : i32
    %dma_wait3A_259 = tpu.memref_slice %arg12[%dma_wait3A_254, %dma_wait3A_258] : memref<4x128xi32, #tpu.memory_space<vmem>> -> memref<1x128xi32, #tpu.memory_space<vmem>>
    %dma_wait3A_260 = tpu.memref_squeeze %dma_wait3A_259 : memref<1x128xi32, #tpu.memory_space<vmem>> -> memref<128xi32, #tpu.memory_space<vmem>>
    %dma_wait3A_261 = arith.constant 0 : i32
    %dma_wait3A_262 = arith.constant 0 : i32
    %dma_wait3A_263 = tpu.memref_slice %arg6[%dma_wait3A_261, %dma_wait3A_262] : memref<1000001x32xbf16, #tpu.memory_space<hbm>> -> memref<1000001x32xbf16, #tpu.memory_space<hbm>>
    tpu.wait_indirect_dma semaphore(%arg22 : memref<!tpu.dma_semaphore, #tpu.memory_space<semaphore_mem>>) src(%dma_wait3A_263 : memref<1000001x32xbf16, #tpu.memory_space<hbm>>) dst(%dma_wait3A_257 : memref<128x32xbf16, #tpu.memory_space<vmem>>)
    %dma_wait3A_264 = arith.constant 2 : i32
    %dma_wait3A_265 = arith.constant 256 : i32
    %dma_wait3A_266 = arith.constant 0 : i32
    %dma_wait3A_267 = tpu.memref_slice %arg13[%dma_wait3A_265, %dma_wait3A_266] : memref<512x32xbf16, #tpu.memory_space<vmem>> -> memref<128x32xbf16, #tpu.memory_space<vmem>>
    %dma_wait3A_268 = arith.constant 0 : i32
    %dma_wait3A_269 = tpu.memref_slice %arg9[%dma_wait3A_264, %dma_wait3A_268] : memref<4x128xi32, #tpu.memory_space<vmem>> -> memref<1x128xi32, #tpu.memory_space<vmem>>
    %dma_wait3A_270 = tpu.memref_squeeze %dma_wait3A_269 : memref<1x128xi32, #tpu.memory_space<vmem>> -> memref<128xi32, #tpu.memory_space<vmem>>
    %dma_wait3A_271 = arith.constant 0 : i32
    %dma_wait3A_272 = arith.constant 0 : i32
    %dma_wait3A_273 = tpu.memref_slice %arg7[%dma_wait3A_271, %dma_wait3A_272] : memref<1000000x32xbf16, #tpu.memory_space<hbm>> -> memref<1000000x32xbf16, #tpu.memory_space<hbm>>
    tpu.wait_indirect_dma semaphore(%arg22 : memref<!tpu.dma_semaphore, #tpu.memory_space<semaphore_mem>>) src(%dma_wait3A_273 : memref<1000000x32xbf16, #tpu.memory_space<hbm>>) dst(%dma_wait3A_267 : memref<128x32xbf16, #tpu.memory_space<vmem>>)
    %dma_wait3A_274 = arith.constant 2 : i32
    %dma_wait3A_275 = arith.constant 256 : i32
    %dma_wait3A_276 = arith.constant 0 : i32
    %dma_wait3A_277 = tpu.memref_slice %arg14[%dma_wait3A_275, %dma_wait3A_276] : memref<512x32xbf16, #tpu.memory_space<vmem>> -> memref<128x32xbf16, #tpu.memory_space<vmem>>
    %dma_wait3A_278 = arith.constant 0 : i32
    %dma_wait3A_279 = tpu.memref_slice %arg10[%dma_wait3A_274, %dma_wait3A_278] : memref<4x128xi32, #tpu.memory_space<vmem>> -> memref<1x128xi32, #tpu.memory_space<vmem>>
    %dma_wait3A_280 = tpu.memref_squeeze %dma_wait3A_279 : memref<1x128xi32, #tpu.memory_space<vmem>> -> memref<128xi32, #tpu.memory_space<vmem>>
    %dma_wait3A_281 = arith.constant 0 : i32
    %dma_wait3A_282 = arith.constant 0 : i32
    %dma_wait3A_283 = tpu.memref_slice %arg6[%dma_wait3A_281, %dma_wait3A_282] : memref<1000001x32xbf16, #tpu.memory_space<hbm>> -> memref<1000001x32xbf16, #tpu.memory_space<hbm>>
    tpu.wait_indirect_dma semaphore(%arg22 : memref<!tpu.dma_semaphore, #tpu.memory_space<semaphore_mem>>) src(%dma_wait3A_283 : memref<1000001x32xbf16, #tpu.memory_space<hbm>>) dst(%dma_wait3A_277 : memref<128x32xbf16, #tpu.memory_space<vmem>>)
    %dma_wait3A_284 = arith.constant 2 : i32
    %dma_wait3A_285 = arith.constant 256 : i32
    %dma_wait3A_286 = arith.constant 0 : i32
    %dma_wait3A_287 = tpu.memref_slice %arg15[%dma_wait3A_285, %dma_wait3A_286] : memref<512x32xbf16, #tpu.memory_space<vmem>> -> memref<128x32xbf16, #tpu.memory_space<vmem>>
    %dma_wait3A_288 = arith.constant 0 : i32
    %dma_wait3A_289 = tpu.memref_slice %arg11[%dma_wait3A_284, %dma_wait3A_288] : memref<4x128xi32, #tpu.memory_space<vmem>> -> memref<1x128xi32, #tpu.memory_space<vmem>>
    %dma_wait3A_290 = tpu.memref_squeeze %dma_wait3A_289 : memref<1x128xi32, #tpu.memory_space<vmem>> -> memref<128xi32, #tpu.memory_space<vmem>>
    %dma_wait3A_291 = arith.constant 0 : i32
    %dma_wait3A_292 = arith.constant 0 : i32
    %dma_wait3A_293 = tpu.memref_slice %arg6[%dma_wait3A_291, %dma_wait3A_292] : memref<1000001x32xbf16, #tpu.memory_space<hbm>> -> memref<1000001x32xbf16, #tpu.memory_space<hbm>>
    tpu.wait_indirect_dma semaphore(%arg22 : memref<!tpu.dma_semaphore, #tpu.memory_space<semaphore_mem>>) src(%dma_wait3A_293 : memref<1000001x32xbf16, #tpu.memory_space<hbm>>) dst(%dma_wait3A_287 : memref<128x32xbf16, #tpu.memory_space<vmem>>)
    %dma_wait3A_294 = arith.constant 2 : i32
    %dma_wait3A_295 = arith.constant 256 : i32
    %dma_wait3A_296 = arith.constant 0 : i32
    %dma_wait3A_297 = tpu.memref_slice %arg16[%dma_wait3A_295, %dma_wait3A_296] : memref<512x32xbf16, #tpu.memory_space<vmem>> -> memref<128x32xbf16, #tpu.memory_space<vmem>>
    %dma_wait3A_298 = arith.constant 0 : i32
    %dma_wait3A_299 = tpu.memref_slice %arg12[%dma_wait3A_294, %dma_wait3A_298] : memref<4x128xi32, #tpu.memory_space<vmem>> -> memref<1x128xi32, #tpu.memory_space<vmem>>
    %dma_wait3A_300 = tpu.memref_squeeze %dma_wait3A_299 : memref<1x128xi32, #tpu.memory_space<vmem>> -> memref<128xi32, #tpu.memory_space<vmem>>
    %dma_wait3A_301 = arith.constant 0 : i32
    %dma_wait3A_302 = arith.constant 0 : i32
    %dma_wait3A_303 = tpu.memref_slice %arg6[%dma_wait3A_301, %dma_wait3A_302] : memref<1000001x32xbf16, #tpu.memory_space<hbm>> -> memref<1000001x32xbf16, #tpu.memory_space<hbm>>
    tpu.wait_indirect_dma semaphore(%arg22 : memref<!tpu.dma_semaphore, #tpu.memory_space<semaphore_mem>>) src(%dma_wait3A_303 : memref<1000001x32xbf16, #tpu.memory_space<hbm>>) dst(%dma_wait3A_297 : memref<128x32xbf16, #tpu.memory_space<vmem>>)
    %dma_wait3A_304 = arith.constant 3 : i32
    %dma_wait3A_305 = arith.constant 384 : i32
    %dma_wait3A_306 = arith.constant 0 : i32
    %dma_wait3A_307 = tpu.memref_slice %arg13[%dma_wait3A_305, %dma_wait3A_306] : memref<512x32xbf16, #tpu.memory_space<vmem>> -> memref<128x32xbf16, #tpu.memory_space<vmem>>
    %dma_wait3A_308 = arith.constant 0 : i32
    %dma_wait3A_309 = tpu.memref_slice %arg9[%dma_wait3A_304, %dma_wait3A_308] : memref<4x128xi32, #tpu.memory_space<vmem>> -> memref<1x128xi32, #tpu.memory_space<vmem>>
    %dma_wait3A_310 = tpu.memref_squeeze %dma_wait3A_309 : memref<1x128xi32, #tpu.memory_space<vmem>> -> memref<128xi32, #tpu.memory_space<vmem>>
    %dma_wait3A_311 = arith.constant 0 : i32
    %dma_wait3A_312 = arith.constant 0 : i32
    %dma_wait3A_313 = tpu.memref_slice %arg7[%dma_wait3A_311, %dma_wait3A_312] : memref<1000000x32xbf16, #tpu.memory_space<hbm>> -> memref<1000000x32xbf16, #tpu.memory_space<hbm>>
    tpu.wait_indirect_dma semaphore(%arg22 : memref<!tpu.dma_semaphore, #tpu.memory_space<semaphore_mem>>) src(%dma_wait3A_313 : memref<1000000x32xbf16, #tpu.memory_space<hbm>>) dst(%dma_wait3A_307 : memref<128x32xbf16, #tpu.memory_space<vmem>>)
    %dma_wait3A_314 = arith.constant 3 : i32
    %dma_wait3A_315 = arith.constant 384 : i32
    %dma_wait3A_316 = arith.constant 0 : i32
    %dma_wait3A_317 = tpu.memref_slice %arg14[%dma_wait3A_315, %dma_wait3A_316] : memref<512x32xbf16, #tpu.memory_space<vmem>> -> memref<128x32xbf16, #tpu.memory_space<vmem>>
    %dma_wait3A_318 = arith.constant 0 : i32
    %dma_wait3A_319 = tpu.memref_slice %arg10[%dma_wait3A_314, %dma_wait3A_318] : memref<4x128xi32, #tpu.memory_space<vmem>> -> memref<1x128xi32, #tpu.memory_space<vmem>>
    %dma_wait3A_320 = tpu.memref_squeeze %dma_wait3A_319 : memref<1x128xi32, #tpu.memory_space<vmem>> -> memref<128xi32, #tpu.memory_space<vmem>>
    %dma_wait3A_321 = arith.constant 0 : i32
    %dma_wait3A_322 = arith.constant 0 : i32
    %dma_wait3A_323 = tpu.memref_slice %arg6[%dma_wait3A_321, %dma_wait3A_322] : memref<1000001x32xbf16, #tpu.memory_space<hbm>> -> memref<1000001x32xbf16, #tpu.memory_space<hbm>>
    tpu.wait_indirect_dma semaphore(%arg22 : memref<!tpu.dma_semaphore, #tpu.memory_space<semaphore_mem>>) src(%dma_wait3A_323 : memref<1000001x32xbf16, #tpu.memory_space<hbm>>) dst(%dma_wait3A_317 : memref<128x32xbf16, #tpu.memory_space<vmem>>)
    %dma_wait3A_324 = arith.constant 3 : i32
    %dma_wait3A_325 = arith.constant 384 : i32
    %dma_wait3A_326 = arith.constant 0 : i32
    %dma_wait3A_327 = tpu.memref_slice %arg15[%dma_wait3A_325, %dma_wait3A_326] : memref<512x32xbf16, #tpu.memory_space<vmem>> -> memref<128x32xbf16, #tpu.memory_space<vmem>>
    %dma_wait3A_328 = arith.constant 0 : i32
    %dma_wait3A_329 = tpu.memref_slice %arg11[%dma_wait3A_324, %dma_wait3A_328] : memref<4x128xi32, #tpu.memory_space<vmem>> -> memref<1x128xi32, #tpu.memory_space<vmem>>
    %dma_wait3A_330 = tpu.memref_squeeze %dma_wait3A_329 : memref<1x128xi32, #tpu.memory_space<vmem>> -> memref<128xi32, #tpu.memory_space<vmem>>
    %dma_wait3A_331 = arith.constant 0 : i32
    %dma_wait3A_332 = arith.constant 0 : i32
    %dma_wait3A_333 = tpu.memref_slice %arg6[%dma_wait3A_331, %dma_wait3A_332] : memref<1000001x32xbf16, #tpu.memory_space<hbm>> -> memref<1000001x32xbf16, #tpu.memory_space<hbm>>
    tpu.wait_indirect_dma semaphore(%arg22 : memref<!tpu.dma_semaphore, #tpu.memory_space<semaphore_mem>>) src(%dma_wait3A_333 : memref<1000001x32xbf16, #tpu.memory_space<hbm>>) dst(%dma_wait3A_327 : memref<128x32xbf16, #tpu.memory_space<vmem>>)
    %dma_wait3A_334 = arith.constant 3 : i32
    %dma_wait3A_335 = arith.constant 384 : i32
    %dma_wait3A_336 = arith.constant 0 : i32
    %dma_wait3A_337 = tpu.memref_slice %arg16[%dma_wait3A_335, %dma_wait3A_336] : memref<512x32xbf16, #tpu.memory_space<vmem>> -> memref<128x32xbf16, #tpu.memory_space<vmem>>
    %dma_wait3A_338 = arith.constant 0 : i32
    %dma_wait3A_339 = tpu.memref_slice %arg12[%dma_wait3A_334, %dma_wait3A_338] : memref<4x128xi32, #tpu.memory_space<vmem>> -> memref<1x128xi32, #tpu.memory_space<vmem>>
    %dma_wait3A_340 = tpu.memref_squeeze %dma_wait3A_339 : memref<1x128xi32, #tpu.memory_space<vmem>> -> memref<128xi32, #tpu.memory_space<vmem>>
    %dma_wait3A_341 = arith.constant 0 : i32
    %dma_wait3A_342 = arith.constant 0 : i32
    %dma_wait3A_343 = tpu.memref_slice %arg6[%dma_wait3A_341, %dma_wait3A_342] : memref<1000001x32xbf16, #tpu.memory_space<hbm>> -> memref<1000001x32xbf16, #tpu.memory_space<hbm>>
    tpu.wait_indirect_dma semaphore(%arg22 : memref<!tpu.dma_semaphore, #tpu.memory_space<semaphore_mem>>) src(%dma_wait3A_343 : memref<1000001x32xbf16, #tpu.memory_space<hbm>>) dst(%dma_wait3A_337 : memref<128x32xbf16, #tpu.memory_space<vmem>>)
    %scan3A = arith.constant 0 : i32
    %scan3A_344 = arith.constant 0 : i32
    %scan3A_345 = arith.constant 512 : i32
    %scan3A_346 = arith.addi %scan3A_344, %scan3A_345 : i32
    %scan3A_347 = arith.constant 1 : i32
    %scan3A_348 = scf.for %scan3A_357 = %scan3A_344 to %scan3A_346 step %scan3A_347 iter_args(%scan3A_358 = %scan3A) -> (i32)  : i32 {
      %get3A = arith.index_cast %scan3A_357 : i32 to index
      %get3A_359 = arith.constant 0 : index
      %get3A_360 = tpu.vector_load %arg13[%get3A, %get3A_359] {strides = array<i32>} : memref<512x32xbf16, #tpu.memory_space<vmem>>, vector<32xbf16>,
      %bitcast3A = vector.bitcast %get3A_360 : vector<32xbf16> to vector<16xi32>
      %shift_left3A = arith.constant 16 : i32
      %shift_left3A_361 = vector.broadcast %shift_left3A : i32 to vector<16xi32>
      %shift_left3A_362 = arith.shli %bitcast3A, %shift_left3A_361 : vector<16xi32>
      %bitcast_convert_type3A = tpu.bitcast %shift_left3A_362 : vector<16xi32> -> vector<16xf32>
      %shift_right_logical3A = arith.constant 16 : i32
      %shift_right_logical3A_363 = vector.broadcast %shift_right_logical3A : i32 to vector<16xi32>
      %shift_right_logical3A_364 = arith.shrui %bitcast3A, %shift_right_logical3A_363 : vector<16xi32>
      %shift_left3A_365 = arith.constant 16 : i32
      %shift_left3A_366 = vector.broadcast %shift_left3A_365 : i32 to vector<16xi32>
      %shift_left3A_367 = arith.shli %shift_right_logical3A_364, %shift_left3A_366 : vector<16xi32>
      %bitcast_convert_type3A_368 = tpu.bitcast %shift_left3A_367 : vector<16xi32> -> vector<16xf32>
      %swap3A = arith.index_cast %scan3A_357 : i32 to index
      %swap3A_369 = arith.constant 0 : index
      %swap3A_370 = tpu.vector_load %arg17[%swap3A, %swap3A_369] {strides = array<i32>} : memref<512x32xf32, #tpu.memory_space<vmem>>, vector<16xf32>,
      tpu.vector_store %arg17[%swap3A, %swap3A_369], %bitcast_convert_type3A {strides = array<i32>} : memref<512x32xf32, #tpu.memory_space<vmem>>, vector<16xf32>,
      %swap3A_371 = arith.index_cast %scan3A_357 : i32 to index
      %swap3A_372 = arith.constant 16 : index
      %swap3A_373 = tpu.vector_load %arg17[%swap3A_371, %swap3A_372] {strides = array<i32>} : memref<512x32xf32, #tpu.memory_space<vmem>>, vector<16xf32>,
      tpu.vector_store %arg17[%swap3A_371, %swap3A_372], %bitcast_convert_type3A_368 {strides = array<i32>} : memref<512x32xf32, #tpu.memory_space<vmem>>, vector<16xf32>,
      %get3A_374 = arith.index_cast %scan3A_357 : i32 to index
      %get3A_375 = arith.constant 0 : index
      %get3A_376 = tpu.vector_load %arg14[%get3A_374, %get3A_375] {strides = array<i32>} : memref<512x32xbf16, #tpu.memory_space<vmem>>, vector<32xbf16>,
      %bitcast3A_377 = vector.bitcast %get3A_376 : vector<32xbf16> to vector<16xi32>
      %shift_left3A_378 = arith.constant 16 : i32
      %shift_left3A_379 = vector.broadcast %shift_left3A_378 : i32 to vector<16xi32>
      %shift_left3A_380 = arith.shli %bitcast3A_377, %shift_left3A_379 : vector<16xi32>
      %bitcast_convert_type3A_381 = tpu.bitcast %shift_left3A_380 : vector<16xi32> -> vector<16xf32>
      %shift_right_logical3A_382 = arith.constant 16 : i32
      %shift_right_logical3A_383 = vector.broadcast %shift_right_logical3A_382 : i32 to vector<16xi32>
      %shift_right_logical3A_384 = arith.shrui %bitcast3A_377, %shift_right_logical3A_383 : vector<16xi32>
      %shift_left3A_385 = arith.constant 16 : i32
      %shift_left3A_386 = vector.broadcast %shift_left3A_385 : i32 to vector<16xi32>
      %shift_left3A_387 = arith.shli %shift_right_logical3A_384, %shift_left3A_386 : vector<16xi32>
      %bitcast_convert_type3A_388 = tpu.bitcast %shift_left3A_387 : vector<16xi32> -> vector<16xf32>
      %swap3A_389 = arith.index_cast %scan3A_357 : i32 to index
      %swap3A_390 = arith.constant 0 : index
      %swap3A_391 = tpu.vector_load %arg18[%swap3A_389, %swap3A_390] {strides = array<i32>} : memref<512x32xf32, #tpu.memory_space<vmem>>, vector<16xf32>,
      tpu.vector_store %arg18[%swap3A_389, %swap3A_390], %bitcast_convert_type3A_381 {strides = array<i32>} : memref<512x32xf32, #tpu.memory_space<vmem>>, vector<16xf32>,
      %swap3A_392 = arith.index_cast %scan3A_357 : i32 to index
      %swap3A_393 = arith.constant 16 : index
      %swap3A_394 = tpu.vector_load %arg18[%swap3A_392, %swap3A_393] {strides = array<i32>} : memref<512x32xf32, #tpu.memory_space<vmem>>, vector<16xf32>,
      tpu.vector_store %arg18[%swap3A_392, %swap3A_393], %bitcast_convert_type3A_388 {strides = array<i32>} : memref<512x32xf32, #tpu.memory_space<vmem>>, vector<16xf32>,
      %get3A_395 = arith.index_cast %scan3A_357 : i32 to index
      %get3A_396 = arith.constant 0 : index
      %get3A_397 = tpu.vector_load %arg15[%get3A_395, %get3A_396] {strides = array<i32>} : memref<512x32xbf16, #tpu.memory_space<vmem>>, vector<32xbf16>,
      %bitcast3A_398 = vector.bitcast %get3A_397 : vector<32xbf16> to vector<16xi32>
      %shift_left3A_399 = arith.constant 16 : i32
      %shift_left3A_400 = vector.broadcast %shift_left3A_399 : i32 to vector<16xi32>
      %shift_left3A_401 = arith.shli %bitcast3A_398, %shift_left3A_400 : vector<16xi32>
      %bitcast_convert_type3A_402 = tpu.bitcast %shift_left3A_401 : vector<16xi32> -> vector<16xf32>
      %shift_right_logical3A_403 = arith.constant 16 : i32
      %shift_right_logical3A_404 = vector.broadcast %shift_right_logical3A_403 : i32 to vector<16xi32>
      %shift_right_logical3A_405 = arith.shrui %bitcast3A_398, %shift_right_logical3A_404 : vector<16xi32>
      %shift_left3A_406 = arith.constant 16 : i32
      %shift_left3A_407 = vector.broadcast %shift_left3A_406 : i32 to vector<16xi32>
      %shift_left3A_408 = arith.shli %shift_right_logical3A_405, %shift_left3A_407 : vector<16xi32>
      %bitcast_convert_type3A_409 = tpu.bitcast %shift_left3A_408 : vector<16xi32> -> vector<16xf32>
      %swap3A_410 = arith.index_cast %scan3A_357 : i32 to index
      %swap3A_411 = arith.constant 0 : index
      %swap3A_412 = tpu.vector_load %arg19[%swap3A_410, %swap3A_411] {strides = array<i32>} : memref<512x32xf32, #tpu.memory_space<vmem>>, vector<16xf32>,
      tpu.vector_store %arg19[%swap3A_410, %swap3A_411], %bitcast_convert_type3A_402 {strides = array<i32>} : memref<512x32xf32, #tpu.memory_space<vmem>>, vector<16xf32>,
      %swap3A_413 = arith.index_cast %scan3A_357 : i32 to index
      %swap3A_414 = arith.constant 16 : index
      %swap3A_415 = tpu.vector_load %arg19[%swap3A_413, %swap3A_414] {strides = array<i32>} : memref<512x32xf32, #tpu.memory_space<vmem>>, vector<16xf32>,
      tpu.vector_store %arg19[%swap3A_413, %swap3A_414], %bitcast_convert_type3A_409 {strides = array<i32>} : memref<512x32xf32, #tpu.memory_space<vmem>>, vector<16xf32>,
      %get3A_416 = arith.index_cast %scan3A_357 : i32 to index
      %get3A_417 = arith.constant 0 : index
      %get3A_418 = tpu.vector_load %arg16[%get3A_416, %get3A_417] {strides = array<i32>} : memref<512x32xbf16, #tpu.memory_space<vmem>>, vector<32xbf16>,
      %bitcast3A_419 = vector.bitcast %get3A_418 : vector<32xbf16> to vector<16xi32>
      %shift_left3A_420 = arith.constant 16 : i32
      %shift_left3A_421 = vector.broadcast %shift_left3A_420 : i32 to vector<16xi32>
      %shift_left3A_422 = arith.shli %bitcast3A_419, %shift_left3A_421 : vector<16xi32>
      %bitcast_convert_type3A_423 = tpu.bitcast %shift_left3A_422 : vector<16xi32> -> vector<16xf32>
      %shift_right_logical3A_424 = arith.constant 16 : i32
      %shift_right_logical3A_425 = vector.broadcast %shift_right_logical3A_424 : i32 to vector<16xi32>
      %shift_right_logical3A_426 = arith.shrui %bitcast3A_419, %shift_right_logical3A_425 : vector<16xi32>
      %shift_left3A_427 = arith.constant 16 : i32
      %shift_left3A_428 = vector.broadcast %shift_left3A_427 : i32 to vector<16xi32>
      %shift_left3A_429 = arith.shli %shift_right_logical3A_426, %shift_left3A_428 : vector<16xi32>
      %bitcast_convert_type3A_430 = tpu.bitcast %shift_left3A_429 : vector<16xi32> -> vector<16xf32>
      %swap3A_431 = arith.index_cast %scan3A_357 : i32 to index
      %swap3A_432 = arith.constant 0 : index
      %swap3A_433 = tpu.vector_load %arg20[%swap3A_431, %swap3A_432] {strides = array<i32>} : memref<512x32xf32, #tpu.memory_space<vmem>>, vector<16xf32>,
      tpu.vector_store %arg20[%swap3A_431, %swap3A_432], %bitcast_convert_type3A_423 {strides = array<i32>} : memref<512x32xf32, #tpu.memory_space<vmem>>, vector<16xf32>,
      %swap3A_434 = arith.index_cast %scan3A_357 : i32 to index
      %swap3A_435 = arith.constant 16 : index
      %swap3A_436 = tpu.vector_load %arg20[%swap3A_434, %swap3A_435] {strides = array<i32>} : memref<512x32xf32, #tpu.memory_space<vmem>>, vector<16xf32>,
      tpu.vector_store %arg20[%swap3A_434, %swap3A_435], %bitcast_convert_type3A_430 {strides = array<i32>} : memref<512x32xf32, #tpu.memory_space<vmem>>, vector<16xf32>,
      %scan3A_437 = arith.constant 0 : i32
      scf.yield %scan3A_437 : i32
    }
    %scan3A_349 = arith.constant 512 : i32
    %iota3A = tpu.iota {dimensions = array<i32: 0>} : vector<16xi32>
    %scan3A_350 = arith.constant 0 : i32
    %scan3A_351 = arith.constant 0 : i32
    %scan3A_352 = arith.constant 32 : i32
    %scan3A_353 = arith.addi %scan3A_351, %scan3A_352 : i32
    %scan3A_354 = arith.constant 1 : i32
    %scan3A_355 = scf.for %scan3A_357 = %scan3A_351 to %scan3A_353 step %scan3A_354 iter_args(%scan3A_358 = %scan3A_350) -> (i32)  : i32 {
      %mul3A_359 = arith.constant 16 : i32
      %mul3A_360 = arith.muli %scan3A_357, %mul3A_359 : i32
      %add3A_361 = vector.broadcast %mul3A_360 : i32 to vector<16xi32>
      %add3A_362 = arith.addi %add3A_361, %iota3A : vector<16xi32>
      %broadcast_in_dim3A = arith.constant 0.000000e+00 : f32
      %broadcast_in_dim3A_363 = vector.broadcast %broadcast_in_dim3A : f32 to vector<16xf32>
      %broadcast_in_dim3A_364 = arith.constant 0.000000e+00 : f32
      %broadcast_in_dim3A_365 = vector.broadcast %broadcast_in_dim3A_364 : f32 to vector<16xf32>
      %broadcast_in_dim3A_366 = arith.constant 0 : i32
      %broadcast_in_dim3A_367 = vector.broadcast %broadcast_in_dim3A_366 : i32 to vector<16xi32>
      %gather3A = tpu.vector_load_idx %arg18[%add3A_362, %broadcast_in_dim3A_367] : memref<512x32xf32, #tpu.memory_space<vmem>>[vector<16xi32>, vector<16xi32>], vector<16xf32>,
      %gather3A_368 = tpu.vector_load_idx %arg19[%add3A_362, %broadcast_in_dim3A_367] : memref<512x32xf32, #tpu.memory_space<vmem>>[vector<16xi32>, vector<16xi32>], vector<16xf32>,
      %gather3A_369 = tpu.vector_load_idx %arg20[%add3A_362, %broadcast_in_dim3A_367] : memref<512x32xf32, #tpu.memory_space<vmem>>[vector<16xi32>, vector<16xi32>], vector<16xf32>,
      %gather3A_370 = tpu.vector_load_idx %arg17[%add3A_362, %broadcast_in_dim3A_367] : memref<512x32xf32, #tpu.memory_space<vmem>>[vector<16xi32>, vector<16xi32>], vector<16xf32>,
      %add3A_371 = arith.addf %gather3A_369, %gather3A_370 : vector<16xf32>
      %sub3A = arith.constant 9.99999997E-7 : f32
      %sub3A_372 = vector.broadcast %sub3A : f32 to vector<16xf32>
      %sub3A_373 = arith.subf %add3A_371, %sub3A_372 : vector<16xf32>
      %sub3A_374 = arith.subf %gather3A, %sub3A_373 : vector<16xf32>
      %sub3A_375 = arith.subf %gather3A_368, %sub3A_373 : vector<16xf32>
      %mul3A_376 = arith.mulf %sub3A_374, %sub3A_374 : vector<16xf32>
      %add3A_377 = arith.addf %broadcast_in_dim3A_363, %mul3A_376 : vector<16xf32>
      %mul3A_378 = arith.mulf %sub3A_375, %sub3A_375 : vector<16xf32>
      %add3A_379 = arith.addf %broadcast_in_dim3A_365, %mul3A_378 : vector<16xf32>
      %broadcast_in_dim3A_380 = arith.constant 1 : i32
      %broadcast_in_dim3A_381 = vector.broadcast %broadcast_in_dim3A_380 : i32 to vector<16xi32>
      %gather3A_382 = tpu.vector_load_idx %arg18[%add3A_362, %broadcast_in_dim3A_381] : memref<512x32xf32, #tpu.memory_space<vmem>>[vector<16xi32>, vector<16xi32>], vector<16xf32>,
      %gather3A_383 = tpu.vector_load_idx %arg19[%add3A_362, %broadcast_in_dim3A_381] : memref<512x32xf32, #tpu.memory_space<vmem>>[vector<16xi32>, vector<16xi32>], vector<16xf32>,
      %gather3A_384 = tpu.vector_load_idx %arg20[%add3A_362, %broadcast_in_dim3A_381] : memref<512x32xf32, #tpu.memory_space<vmem>>[vector<16xi32>, vector<16xi32>], vector<16xf32>,
      %gather3A_385 = tpu.vector_load_idx %arg17[%add3A_362, %broadcast_in_dim3A_381] : memref<512x32xf32, #tpu.memory_space<vmem>>[vector<16xi32>, vector<16xi32>], vector<16xf32>,
      %add3A_386 = arith.addf %gather3A_384, %gather3A_385 : vector<16xf32>
      %sub3A_387 = arith.constant 9.99999997E-7 : f32
      %sub3A_388 = vector.broadcast %sub3A_387 : f32 to vector<16xf32>
      %sub3A_389 = arith.subf %add3A_386, %sub3A_388 : vector<16xf32>
      %sub3A_390 = arith.subf %gather3A_382, %sub3A_389 : vector<16xf32>
      %sub3A_391 = arith.subf %gather3A_383, %sub3A_389 : vector<16xf32>
      %mul3A_392 = arith.mulf %sub3A_390, %sub3A_390 : vector<16xf32>
      %add3A_393 = arith.addf %add3A_377, %mul3A_392 : vector<16xf32>
      %mul3A_394 = arith.mulf %sub3A_391, %sub3A_391 : vector<16xf32>
      %add3A_395 = arith.addf %add3A_379, %mul3A_394 : vector<16xf32>
      %broadcast_in_dim3A_396 = arith.constant 2 : i32
      %broadcast_in_dim3A_397 = vector.broadcast %broadcast_in_dim3A_396 : i32 to vector<16xi32>
      %gather3A_398 = tpu.vector_load_idx %arg18[%add3A_362, %broadcast_in_dim3A_397] : memref<512x32xf32, #tpu.memory_space<vmem>>[vector<16xi32>, vector<16xi32>], vector<16xf32>,
      %gather3A_399 = tpu.vector_load_idx %arg19[%add3A_362, %broadcast_in_dim3A_397] : memref<512x32xf32, #tpu.memory_space<vmem>>[vector<16xi32>, vector<16xi32>], vector<16xf32>,
      %gather3A_400 = tpu.vector_load_idx %arg20[%add3A_362, %broadcast_in_dim3A_397] : memref<512x32xf32, #tpu.memory_space<vmem>>[vector<16xi32>, vector<16xi32>], vector<16xf32>,
      %gather3A_401 = tpu.vector_load_idx %arg17[%add3A_362, %broadcast_in_dim3A_397] : memref<512x32xf32, #tpu.memory_space<vmem>>[vector<16xi32>, vector<16xi32>], vector<16xf32>,
      %add3A_402 = arith.addf %gather3A_400, %gather3A_401 : vector<16xf32>
      %sub3A_403 = arith.constant 9.99999997E-7 : f32
      %sub3A_404 = vector.broadcast %sub3A_403 : f32 to vector<16xf32>
      %sub3A_405 = arith.subf %add3A_402, %sub3A_404 : vector<16xf32>
      %sub3A_406 = arith.subf %gather3A_398, %sub3A_405 : vector<16xf32>
      %sub3A_407 = arith.subf %gather3A_399, %sub3A_405 : vector<16xf32>
      %mul3A_408 = arith.mulf %sub3A_406, %sub3A_406 : vector<16xf32>
      %add3A_409 = arith.addf %add3A_393, %mul3A_408 : vector<16xf32>
      %mul3A_410 = arith.mulf %sub3A_407, %sub3A_407 : vector<16xf32>
      %add3A_411 = arith.addf %add3A_395, %mul3A_410 : vector<16xf32>
      %broadcast_in_dim3A_412 = arith.constant 3 : i32
      %broadcast_in_dim3A_413 = vector.broadcast %broadcast_in_dim3A_412 : i32 to vector<16xi32>
      %gather3A_414 = tpu.vector_load_idx %arg18[%add3A_362, %broadcast_in_dim3A_413] : memref<512x32xf32, #tpu.memory_space<vmem>>[vector<16xi32>, vector<16xi32>], vector<16xf32>,
      %gather3A_415 = tpu.vector_load_idx %arg19[%add3A_362, %broadcast_in_dim3A_413] : memref<512x32xf32, #tpu.memory_space<vmem>>[vector<16xi32>, vector<16xi32>], vector<16xf32>,
      %gather3A_416 = tpu.vector_load_idx %arg20[%add3A_362, %broadcast_in_dim3A_413] : memref<512x32xf32, #tpu.memory_space<vmem>>[vector<16xi32>, vector<16xi32>], vector<16xf32>,
      %gather3A_417 = tpu.vector_load_idx %arg17[%add3A_362, %broadcast_in_dim3A_413] : memref<512x32xf32, #tpu.memory_space<vmem>>[vector<16xi32>, vector<16xi32>], vector<16xf32>,
      %add3A_418 = arith.addf %gather3A_416, %gather3A_417 : vector<16xf32>
      %sub3A_419 = arith.constant 9.99999997E-7 : f32
      %sub3A_420 = vector.broadcast %sub3A_419 : f32 to vector<16xf32>
      %sub3A_421 = arith.subf %add3A_418, %sub3A_420 : vector<16xf32>
      %sub3A_422 = arith.subf %gather3A_414, %sub3A_421 : vector<16xf32>
      %sub3A_423 = arith.subf %gather3A_415, %sub3A_421 : vector<16xf32>
      %mul3A_424 = arith.mulf %sub3A_422, %sub3A_422 : vector<16xf32>
      %add3A_425 = arith.addf %add3A_409, %mul3A_424 : vector<16xf32>
      %mul3A_426 = arith.mulf %sub3A_423, %sub3A_423 : vector<16xf32>
      %add3A_427 = arith.addf %add3A_411, %mul3A_426 : vector<16xf32>
      %broadcast_in_dim3A_428 = arith.constant 4 : i32
      %broadcast_in_dim3A_429 = vector.broadcast %broadcast_in_dim3A_428 : i32 to vector<16xi32>
      %gather3A_430 = tpu.vector_load_idx %arg18[%add3A_362, %broadcast_in_dim3A_429] : memref<512x32xf32, #tpu.memory_space<vmem>>[vector<16xi32>, vector<16xi32>], vector<16xf32>,
      %gather3A_431 = tpu.vector_load_idx %arg19[%add3A_362, %broadcast_in_dim3A_429] : memref<512x32xf32, #tpu.memory_space<vmem>>[vector<16xi32>, vector<16xi32>], vector<16xf32>,
      %gather3A_432 = tpu.vector_load_idx %arg20[%add3A_362, %broadcast_in_dim3A_429] : memref<512x32xf32, #tpu.memory_space<vmem>>[vector<16xi32>, vector<16xi32>], vector<16xf32>,
      %gather3A_433 = tpu.vector_load_idx %arg17[%add3A_362, %broadcast_in_dim3A_429] : memref<512x32xf32, #tpu.memory_space<vmem>>[vector<16xi32>, vector<16xi32>], vector<16xf32>,
      %add3A_434 = arith.addf %gather3A_432, %gather3A_433 : vector<16xf32>
      %sub3A_435 = arith.constant 9.99999997E-7 : f32
      %sub3A_436 = vector.broadcast %sub3A_435 : f32 to vector<16xf32>
      %sub3A_437 = arith.subf %add3A_434, %sub3A_436 : vector<16xf32>
      %sub3A_438 = arith.subf %gather3A_430, %sub3A_437 : vector<16xf32>
      %sub3A_439 = arith.subf %gather3A_431, %sub3A_437 : vector<16xf32>
      %mul3A_440 = arith.mulf %sub3A_438, %sub3A_438 : vector<16xf32>
      %add3A_441 = arith.addf %add3A_425, %mul3A_440 : vector<16xf32>
      %mul3A_442 = arith.mulf %sub3A_439, %sub3A_439 : vector<16xf32>
      %add3A_443 = arith.addf %add3A_427, %mul3A_442 : vector<16xf32>
      %broadcast_in_dim3A_444 = arith.constant 5 : i32
      %broadcast_in_dim3A_445 = vector.broadcast %broadcast_in_dim3A_444 : i32 to vector<16xi32>
      %gather3A_446 = tpu.vector_load_idx %arg18[%add3A_362, %broadcast_in_dim3A_445] : memref<512x32xf32, #tpu.memory_space<vmem>>[vector<16xi32>, vector<16xi32>], vector<16xf32>,
      %gather3A_447 = tpu.vector_load_idx %arg19[%add3A_362, %broadcast_in_dim3A_445] : memref<512x32xf32, #tpu.memory_space<vmem>>[vector<16xi32>, vector<16xi32>], vector<16xf32>,
      %gather3A_448 = tpu.vector_load_idx %arg20[%add3A_362, %broadcast_in_dim3A_445] : memref<512x32xf32, #tpu.memory_space<vmem>>[vector<16xi32>, vector<16xi32>], vector<16xf32>,
      %gather3A_449 = tpu.vector_load_idx %arg17[%add3A_362, %broadcast_in_dim3A_445] : memref<512x32xf32, #tpu.memory_space<vmem>>[vector<16xi32>, vector<16xi32>], vector<16xf32>,
      %add3A_450 = arith.addf %gather3A_448, %gather3A_449 : vector<16xf32>
      %sub3A_451 = arith.constant 9.99999997E-7 : f32
      %sub3A_452 = vector.broadcast %sub3A_451 : f32 to vector<16xf32>
      %sub3A_453 = arith.subf %add3A_450, %sub3A_452 : vector<16xf32>
      %sub3A_454 = arith.subf %gather3A_446, %sub3A_453 : vector<16xf32>
      %sub3A_455 = arith.subf %gather3A_447, %sub3A_453 : vector<16xf32>
      %mul3A_456 = arith.mulf %sub3A_454, %sub3A_454 : vector<16xf32>
      %add3A_457 = arith.addf %add3A_441, %mul3A_456 : vector<16xf32>
      %mul3A_458 = arith.mulf %sub3A_455, %sub3A_455 : vector<16xf32>
      %add3A_459 = arith.addf %add3A_443, %mul3A_458 : vector<16xf32>
      %broadcast_in_dim3A_460 = arith.constant 6 : i32
      %broadcast_in_dim3A_461 = vector.broadcast %broadcast_in_dim3A_460 : i32 to vector<16xi32>
      %gather3A_462 = tpu.vector_load_idx %arg18[%add3A_362, %broadcast_in_dim3A_461] : memref<512x32xf32, #tpu.memory_space<vmem>>[vector<16xi32>, vector<16xi32>], vector<16xf32>,
      %gather3A_463 = tpu.vector_load_idx %arg19[%add3A_362, %broadcast_in_dim3A_461] : memref<512x32xf32, #tpu.memory_space<vmem>>[vector<16xi32>, vector<16xi32>], vector<16xf32>,
      %gather3A_464 = tpu.vector_load_idx %arg20[%add3A_362, %broadcast_in_dim3A_461] : memref<512x32xf32, #tpu.memory_space<vmem>>[vector<16xi32>, vector<16xi32>], vector<16xf32>,
      %gather3A_465 = tpu.vector_load_idx %arg17[%add3A_362, %broadcast_in_dim3A_461] : memref<512x32xf32, #tpu.memory_space<vmem>>[vector<16xi32>, vector<16xi32>], vector<16xf32>,
      %add3A_466 = arith.addf %gather3A_464, %gather3A_465 : vector<16xf32>
      %sub3A_467 = arith.constant 9.99999997E-7 : f32
      %sub3A_468 = vector.broadcast %sub3A_467 : f32 to vector<16xf32>
      %sub3A_469 = arith.subf %add3A_466, %sub3A_468 : vector<16xf32>
      %sub3A_470 = arith.subf %gather3A_462, %sub3A_469 : vector<16xf32>
      %sub3A_471 = arith.subf %gather3A_463, %sub3A_469 : vector<16xf32>
      %mul3A_472 = arith.mulf %sub3A_470, %sub3A_470 : vector<16xf32>
      %add3A_473 = arith.addf %add3A_457, %mul3A_472 : vector<16xf32>
      %mul3A_474 = arith.mulf %sub3A_471, %sub3A_471 : vector<16xf32>
      %add3A_475 = arith.addf %add3A_459, %mul3A_474 : vector<16xf32>
      %broadcast_in_dim3A_476 = arith.constant 7 : i32
      %broadcast_in_dim3A_477 = vector.broadcast %broadcast_in_dim3A_476 : i32 to vector<16xi32>
      %gather3A_478 = tpu.vector_load_idx %arg18[%add3A_362, %broadcast_in_dim3A_477] : memref<512x32xf32, #tpu.memory_space<vmem>>[vector<16xi32>, vector<16xi32>], vector<16xf32>,
      %gather3A_479 = tpu.vector_load_idx %arg19[%add3A_362, %broadcast_in_dim3A_477] : memref<512x32xf32, #tpu.memory_space<vmem>>[vector<16xi32>, vector<16xi32>], vector<16xf32>,
      %gather3A_480 = tpu.vector_load_idx %arg20[%add3A_362, %broadcast_in_dim3A_477] : memref<512x32xf32, #tpu.memory_space<vmem>>[vector<16xi32>, vector<16xi32>], vector<16xf32>,
      %gather3A_481 = tpu.vector_load_idx %arg17[%add3A_362, %broadcast_in_dim3A_477] : memref<512x32xf32, #tpu.memory_space<vmem>>[vector<16xi32>, vector<16xi32>], vector<16xf32>,
      %add3A_482 = arith.addf %gather3A_480, %gather3A_481 : vector<16xf32>
      %sub3A_483 = arith.constant 9.99999997E-7 : f32
      %sub3A_484 = vector.broadcast %sub3A_483 : f32 to vector<16xf32>
      %sub3A_485 = arith.subf %add3A_482, %sub3A_484 : vector<16xf32>
      %sub3A_486 = arith.subf %gather3A_478, %sub3A_485 : vector<16xf32>
      %sub3A_487 = arith.subf %gather3A_479, %sub3A_485 : vector<16xf32>
      %mul3A_488 = arith.mulf %sub3A_486, %sub3A_486 : vector<16xf32>
      %add3A_489 = arith.addf %add3A_473, %mul3A_488 : vector<16xf32>
      %mul3A_490 = arith.mulf %sub3A_487, %sub3A_487 : vector<16xf32>
      %add3A_491 = arith.addf %add3A_475, %mul3A_490 : vector<16xf32>
      %broadcast_in_dim3A_492 = arith.constant 8 : i32
      %broadcast_in_dim3A_493 = vector.broadcast %broadcast_in_dim3A_492 : i32 to vector<16xi32>
      %gather3A_494 = tpu.vector_load_idx %arg18[%add3A_362, %broadcast_in_dim3A_493] : memref<512x32xf32, #tpu.memory_space<vmem>>[vector<16xi32>, vector<16xi32>], vector<16xf32>,
      %gather3A_495 = tpu.vector_load_idx %arg19[%add3A_362, %broadcast_in_dim3A_493] : memref<512x32xf32, #tpu.memory_space<vmem>>[vector<16xi32>, vector<16xi32>], vector<16xf32>,
      %gather3A_496 = tpu.vector_load_idx %arg20[%add3A_362, %broadcast_in_dim3A_493] : memref<512x32xf32, #tpu.memory_space<vmem>>[vector<16xi32>, vector<16xi32>], vector<16xf32>,
      %gather3A_497 = tpu.vector_load_idx %arg17[%add3A_362, %broadcast_in_dim3A_493] : memref<512x32xf32, #tpu.memory_space<vmem>>[vector<16xi32>, vector<16xi32>], vector<16xf32>,
      %add3A_498 = arith.addf %gather3A_496, %gather3A_497 : vector<16xf32>
      %sub3A_499 = arith.constant 9.99999997E-7 : f32
      %sub3A_500 = vector.broadcast %sub3A_499 : f32 to vector<16xf32>
      %sub3A_501 = arith.subf %add3A_498, %sub3A_500 : vector<16xf32>
      %sub3A_502 = arith.subf %gather3A_494, %sub3A_501 : vector<16xf32>
      %sub3A_503 = arith.subf %gather3A_495, %sub3A_501 : vector<16xf32>
      %mul3A_504 = arith.mulf %sub3A_502, %sub3A_502 : vector<16xf32>
      %add3A_505 = arith.addf %add3A_489, %mul3A_504 : vector<16xf32>
      %mul3A_506 = arith.mulf %sub3A_503, %sub3A_503 : vector<16xf32>
      %add3A_507 = arith.addf %add3A_491, %mul3A_506 : vector<16xf32>
      %broadcast_in_dim3A_508 = arith.constant 9 : i32
      %broadcast_in_dim3A_509 = vector.broadcast %broadcast_in_dim3A_508 : i32 to vector<16xi32>
      %gather3A_510 = tpu.vector_load_idx %arg18[%add3A_362, %broadcast_in_dim3A_509] : memref<512x32xf32, #tpu.memory_space<vmem>>[vector<16xi32>, vector<16xi32>], vector<16xf32>,
      %gather3A_511 = tpu.vector_load_idx %arg19[%add3A_362, %broadcast_in_dim3A_509] : memref<512x32xf32, #tpu.memory_space<vmem>>[vector<16xi32>, vector<16xi32>], vector<16xf32>,
      %gather3A_512 = tpu.vector_load_idx %arg20[%add3A_362, %broadcast_in_dim3A_509] : memref<512x32xf32, #tpu.memory_space<vmem>>[vector<16xi32>, vector<16xi32>], vector<16xf32>,
      %gather3A_513 = tpu.vector_load_idx %arg17[%add3A_362, %broadcast_in_dim3A_509] : memref<512x32xf32, #tpu.memory_space<vmem>>[vector<16xi32>, vector<16xi32>], vector<16xf32>,
      %add3A_514 = arith.addf %gather3A_512, %gather3A_513 : vector<16xf32>
      %sub3A_515 = arith.constant 9.99999997E-7 : f32
      %sub3A_516 = vector.broadcast %sub3A_515 : f32 to vector<16xf32>
      %sub3A_517 = arith.subf %add3A_514, %sub3A_516 : vector<16xf32>
      %sub3A_518 = arith.subf %gather3A_510, %sub3A_517 : vector<16xf32>
      %sub3A_519 = arith.subf %gather3A_511, %sub3A_517 : vector<16xf32>
      %mul3A_520 = arith.mulf %sub3A_518, %sub3A_518 : vector<16xf32>
      %add3A_521 = arith.addf %add3A_505, %mul3A_520 : vector<16xf32>
      %mul3A_522 = arith.mulf %sub3A_519, %sub3A_519 : vector<16xf32>
      %add3A_523 = arith.addf %add3A_507, %mul3A_522 : vector<16xf32>
      %broadcast_in_dim3A_524 = arith.constant 10 : i32
      %broadcast_in_dim3A_525 = vector.broadcast %broadcast_in_dim3A_524 : i32 to vector<16xi32>
      %gather3A_526 = tpu.vector_load_idx %arg18[%add3A_362, %broadcast_in_dim3A_525] : memref<512x32xf32, #tpu.memory_space<vmem>>[vector<16xi32>, vector<16xi32>], vector<16xf32>,
      %gather3A_527 = tpu.vector_load_idx %arg19[%add3A_362, %broadcast_in_dim3A_525] : memref<512x32xf32, #tpu.memory_space<vmem>>[vector<16xi32>, vector<16xi32>], vector<16xf32>,
      %gather3A_528 = tpu.vector_load_idx %arg20[%add3A_362, %broadcast_in_dim3A_525] : memref<512x32xf32, #tpu.memory_space<vmem>>[vector<16xi32>, vector<16xi32>], vector<16xf32>,
      %gather3A_529 = tpu.vector_load_idx %arg17[%add3A_362, %broadcast_in_dim3A_525] : memref<512x32xf32, #tpu.memory_space<vmem>>[vector<16xi32>, vector<16xi32>], vector<16xf32>,
      %add3A_530 = arith.addf %gather3A_528, %gather3A_529 : vector<16xf32>
      %sub3A_531 = arith.constant 9.99999997E-7 : f32
      %sub3A_532 = vector.broadcast %sub3A_531 : f32 to vector<16xf32>
      %sub3A_533 = arith.subf %add3A_530, %sub3A_532 : vector<16xf32>
      %sub3A_534 = arith.subf %gather3A_526, %sub3A_533 : vector<16xf32>
      %sub3A_535 = arith.subf %gather3A_527, %sub3A_533 : vector<16xf32>
      %mul3A_536 = arith.mulf %sub3A_534, %sub3A_534 : vector<16xf32>
      %add3A_537 = arith.addf %add3A_521, %mul3A_536 : vector<16xf32>
      %mul3A_538 = arith.mulf %sub3A_535, %sub3A_535 : vector<16xf32>
      %add3A_539 = arith.addf %add3A_523, %mul3A_538 : vector<16xf32>
      %broadcast_in_dim3A_540 = arith.constant 11 : i32
      %broadcast_in_dim3A_541 = vector.broadcast %broadcast_in_dim3A_540 : i32 to vector<16xi32>
      %gather3A_542 = tpu.vector_load_idx %arg18[%add3A_362, %broadcast_in_dim3A_541] : memref<512x32xf32, #tpu.memory_space<vmem>>[vector<16xi32>, vector<16xi32>], vector<16xf32>,
      %gather3A_543 = tpu.vector_load_idx %arg19[%add3A_362, %broadcast_in_dim3A_541] : memref<512x32xf32, #tpu.memory_space<vmem>>[vector<16xi32>, vector<16xi32>], vector<16xf32>,
      %gather3A_544 = tpu.vector_load_idx %arg20[%add3A_362, %broadcast_in_dim3A_541] : memref<512x32xf32, #tpu.memory_space<vmem>>[vector<16xi32>, vector<16xi32>], vector<16xf32>,
      %gather3A_545 = tpu.vector_load_idx %arg17[%add3A_362, %broadcast_in_dim3A_541] : memref<512x32xf32, #tpu.memory_space<vmem>>[vector<16xi32>, vector<16xi32>], vector<16xf32>,
      %add3A_546 = arith.addf %gather3A_544, %gather3A_545 : vector<16xf32>
      %sub3A_547 = arith.constant 9.99999997E-7 : f32
      %sub3A_548 = vector.broadcast %sub3A_547 : f32 to vector<16xf32>
      %sub3A_549 = arith.subf %add3A_546, %sub3A_548 : vector<16xf32>
      %sub3A_550 = arith.subf %gather3A_542, %sub3A_549 : vector<16xf32>
      %sub3A_551 = arith.subf %gather3A_543, %sub3A_549 : vector<16xf32>
      %mul3A_552 = arith.mulf %sub3A_550, %sub3A_550 : vector<16xf32>
      %add3A_553 = arith.addf %add3A_537, %mul3A_552 : vector<16xf32>
      %mul3A_554 = arith.mulf %sub3A_551, %sub3A_551 : vector<16xf32>
      %add3A_555 = arith.addf %add3A_539, %mul3A_554 : vector<16xf32>
      %broadcast_in_dim3A_556 = arith.constant 12 : i32
      %broadcast_in_dim3A_557 = vector.broadcast %broadcast_in_dim3A_556 : i32 to vector<16xi32>
      %gather3A_558 = tpu.vector_load_idx %arg18[%add3A_362, %broadcast_in_dim3A_557] : memref<512x32xf32, #tpu.memory_space<vmem>>[vector<16xi32>, vector<16xi32>], vector<16xf32>,
      %gather3A_559 = tpu.vector_load_idx %arg19[%add3A_362, %broadcast_in_dim3A_557] : memref<512x32xf32, #tpu.memory_space<vmem>>[vector<16xi32>, vector<16xi32>], vector<16xf32>,
      %gather3A_560 = tpu.vector_load_idx %arg20[%add3A_362, %broadcast_in_dim3A_557] : memref<512x32xf32, #tpu.memory_space<vmem>>[vector<16xi32>, vector<16xi32>], vector<16xf32>,
      %gather3A_561 = tpu.vector_load_idx %arg17[%add3A_362, %broadcast_in_dim3A_557] : memref<512x32xf32, #tpu.memory_space<vmem>>[vector<16xi32>, vector<16xi32>], vector<16xf32>,
      %add3A_562 = arith.addf %gather3A_560, %gather3A_561 : vector<16xf32>
      %sub3A_563 = arith.constant 9.99999997E-7 : f32
      %sub3A_564 = vector.broadcast %sub3A_563 : f32 to vector<16xf32>
      %sub3A_565 = arith.subf %add3A_562, %sub3A_564 : vector<16xf32>
      %sub3A_566 = arith.subf %gather3A_558, %sub3A_565 : vector<16xf32>
      %sub3A_567 = arith.subf %gather3A_559, %sub3A_565 : vector<16xf32>
      %mul3A_568 = arith.mulf %sub3A_566, %sub3A_566 : vector<16xf32>
      %add3A_569 = arith.addf %add3A_553, %mul3A_568 : vector<16xf32>
      %mul3A_570 = arith.mulf %sub3A_567, %sub3A_567 : vector<16xf32>
      %add3A_571 = arith.addf %add3A_555, %mul3A_570 : vector<16xf32>
      %broadcast_in_dim3A_572 = arith.constant 13 : i32
      %broadcast_in_dim3A_573 = vector.broadcast %broadcast_in_dim3A_572 : i32 to vector<16xi32>
      %gather3A_574 = tpu.vector_load_idx %arg18[%add3A_362, %broadcast_in_dim3A_573] : memref<512x32xf32, #tpu.memory_space<vmem>>[vector<16xi32>, vector<16xi32>], vector<16xf32>,
      %gather3A_575 = tpu.vector_load_idx %arg19[%add3A_362, %broadcast_in_dim3A_573] : memref<512x32xf32, #tpu.memory_space<vmem>>[vector<16xi32>, vector<16xi32>], vector<16xf32>,
      %gather3A_576 = tpu.vector_load_idx %arg20[%add3A_362, %broadcast_in_dim3A_573] : memref<512x32xf32, #tpu.memory_space<vmem>>[vector<16xi32>, vector<16xi32>], vector<16xf32>,
      %gather3A_577 = tpu.vector_load_idx %arg17[%add3A_362, %broadcast_in_dim3A_573] : memref<512x32xf32, #tpu.memory_space<vmem>>[vector<16xi32>, vector<16xi32>], vector<16xf32>,
      %add3A_578 = arith.addf %gather3A_576, %gather3A_577 : vector<16xf32>
      %sub3A_579 = arith.constant 9.99999997E-7 : f32
      %sub3A_580 = vector.broadcast %sub3A_579 : f32 to vector<16xf32>
      %sub3A_581 = arith.subf %add3A_578, %sub3A_580 : vector<16xf32>
      %sub3A_582 = arith.subf %gather3A_574, %sub3A_581 : vector<16xf32>
      %sub3A_583 = arith.subf %gather3A_575, %sub3A_581 : vector<16xf32>
      %mul3A_584 = arith.mulf %sub3A_582, %sub3A_582 : vector<16xf32>
      %add3A_585 = arith.addf %add3A_569, %mul3A_584 : vector<16xf32>
      %mul3A_586 = arith.mulf %sub3A_583, %sub3A_583 : vector<16xf32>
      %add3A_587 = arith.addf %add3A_571, %mul3A_586 : vector<16xf32>
      %broadcast_in_dim3A_588 = arith.constant 14 : i32
      %broadcast_in_dim3A_589 = vector.broadcast %broadcast_in_dim3A_588 : i32 to vector<16xi32>
      %gather3A_590 = tpu.vector_load_idx %arg18[%add3A_362, %broadcast_in_dim3A_589] : memref<512x32xf32, #tpu.memory_space<vmem>>[vector<16xi32>, vector<16xi32>], vector<16xf32>,
      %gather3A_591 = tpu.vector_load_idx %arg19[%add3A_362, %broadcast_in_dim3A_589] : memref<512x32xf32, #tpu.memory_space<vmem>>[vector<16xi32>, vector<16xi32>], vector<16xf32>,
      %gather3A_592 = tpu.vector_load_idx %arg20[%add3A_362, %broadcast_in_dim3A_589] : memref<512x32xf32, #tpu.memory_space<vmem>>[vector<16xi32>, vector<16xi32>], vector<16xf32>,
      %gather3A_593 = tpu.vector_load_idx %arg17[%add3A_362, %broadcast_in_dim3A_589] : memref<512x32xf32, #tpu.memory_space<vmem>>[vector<16xi32>, vector<16xi32>], vector<16xf32>,
      %add3A_594 = arith.addf %gather3A_592, %gather3A_593 : vector<16xf32>
      %sub3A_595 = arith.constant 9.99999997E-7 : f32
      %sub3A_596 = vector.broadcast %sub3A_595 : f32 to vector<16xf32>
      %sub3A_597 = arith.subf %add3A_594, %sub3A_596 : vector<16xf32>
      %sub3A_598 = arith.subf %gather3A_590, %sub3A_597 : vector<16xf32>
      %sub3A_599 = arith.subf %gather3A_591, %sub3A_597 : vector<16xf32>
      %mul3A_600 = arith.mulf %sub3A_598, %sub3A_598 : vector<16xf32>
      %add3A_601 = arith.addf %add3A_585, %mul3A_600 : vector<16xf32>
      %mul3A_602 = arith.mulf %sub3A_599, %sub3A_599 : vector<16xf32>
      %add3A_603 = arith.addf %add3A_587, %mul3A_602 : vector<16xf32>
      %broadcast_in_dim3A_604 = arith.constant 15 : i32
      %broadcast_in_dim3A_605 = vector.broadcast %broadcast_in_dim3A_604 : i32 to vector<16xi32>
      %gather3A_606 = tpu.vector_load_idx %arg18[%add3A_362, %broadcast_in_dim3A_605] : memref<512x32xf32, #tpu.memory_space<vmem>>[vector<16xi32>, vector<16xi32>], vector<16xf32>,
      %gather3A_607 = tpu.vector_load_idx %arg19[%add3A_362, %broadcast_in_dim3A_605] : memref<512x32xf32, #tpu.memory_space<vmem>>[vector<16xi32>, vector<16xi32>], vector<16xf32>,
      %gather3A_608 = tpu.vector_load_idx %arg20[%add3A_362, %broadcast_in_dim3A_605] : memref<512x32xf32, #tpu.memory_space<vmem>>[vector<16xi32>, vector<16xi32>], vector<16xf32>,
      %gather3A_609 = tpu.vector_load_idx %arg17[%add3A_362, %broadcast_in_dim3A_605] : memref<512x32xf32, #tpu.memory_space<vmem>>[vector<16xi32>, vector<16xi32>], vector<16xf32>,
      %add3A_610 = arith.addf %gather3A_608, %gather3A_609 : vector<16xf32>
      %sub3A_611 = arith.constant 9.99999997E-7 : f32
      %sub3A_612 = vector.broadcast %sub3A_611 : f32 to vector<16xf32>
      %sub3A_613 = arith.subf %add3A_610, %sub3A_612 : vector<16xf32>
      %sub3A_614 = arith.subf %gather3A_606, %sub3A_613 : vector<16xf32>
      %sub3A_615 = arith.subf %gather3A_607, %sub3A_613 : vector<16xf32>
      %mul3A_616 = arith.mulf %sub3A_614, %sub3A_614 : vector<16xf32>
      %add3A_617 = arith.addf %add3A_601, %mul3A_616 : vector<16xf32>
      %mul3A_618 = arith.mulf %sub3A_615, %sub3A_615 : vector<16xf32>
      %add3A_619 = arith.addf %add3A_603, %mul3A_618 : vector<16xf32>
      %broadcast_in_dim3A_620 = arith.constant 16 : i32
      %broadcast_in_dim3A_621 = vector.broadcast %broadcast_in_dim3A_620 : i32 to vector<16xi32>
      %gather3A_622 = tpu.vector_load_idx %arg18[%add3A_362, %broadcast_in_dim3A_621] : memref<512x32xf32, #tpu.memory_space<vmem>>[vector<16xi32>, vector<16xi32>], vector<16xf32>,
      %gather3A_623 = tpu.vector_load_idx %arg19[%add3A_362, %broadcast_in_dim3A_621] : memref<512x32xf32, #tpu.memory_space<vmem>>[vector<16xi32>, vector<16xi32>], vector<16xf32>,
      %gather3A_624 = tpu.vector_load_idx %arg20[%add3A_362, %broadcast_in_dim3A_621] : memref<512x32xf32, #tpu.memory_space<vmem>>[vector<16xi32>, vector<16xi32>], vector<16xf32>,
      %gather3A_625 = tpu.vector_load_idx %arg17[%add3A_362, %broadcast_in_dim3A_621] : memref<512x32xf32, #tpu.memory_space<vmem>>[vector<16xi32>, vector<16xi32>], vector<16xf32>,
      %add3A_626 = arith.addf %gather3A_624, %gather3A_625 : vector<16xf32>
      %sub3A_627 = arith.constant 9.99999997E-7 : f32
      %sub3A_628 = vector.broadcast %sub3A_627 : f32 to vector<16xf32>
      %sub3A_629 = arith.subf %add3A_626, %sub3A_628 : vector<16xf32>
      %sub3A_630 = arith.subf %gather3A_622, %sub3A_629 : vector<16xf32>
      %sub3A_631 = arith.subf %gather3A_623, %sub3A_629 : vector<16xf32>
      %mul3A_632 = arith.mulf %sub3A_630, %sub3A_630 : vector<16xf32>
      %add3A_633 = arith.addf %add3A_617, %mul3A_632 : vector<16xf32>
      %mul3A_634 = arith.mulf %sub3A_631, %sub3A_631 : vector<16xf32>
      %add3A_635 = arith.addf %add3A_619, %mul3A_634 : vector<16xf32>
      %broadcast_in_dim3A_636 = arith.constant 17 : i32
      %broadcast_in_dim3A_637 = vector.broadcast %broadcast_in_dim3A_636 : i32 to vector<16xi32>
      %gather3A_638 = tpu.vector_load_idx %arg18[%add3A_362, %broadcast_in_dim3A_637] : memref<512x32xf32, #tpu.memory_space<vmem>>[vector<16xi32>, vector<16xi32>], vector<16xf32>,
      %gather3A_639 = tpu.vector_load_idx %arg19[%add3A_362, %broadcast_in_dim3A_637] : memref<512x32xf32, #tpu.memory_space<vmem>>[vector<16xi32>, vector<16xi32>], vector<16xf32>,
      %gather3A_640 = tpu.vector_load_idx %arg20[%add3A_362, %broadcast_in_dim3A_637] : memref<512x32xf32, #tpu.memory_space<vmem>>[vector<16xi32>, vector<16xi32>], vector<16xf32>,
      %gather3A_641 = tpu.vector_load_idx %arg17[%add3A_362, %broadcast_in_dim3A_637] : memref<512x32xf32, #tpu.memory_space<vmem>>[vector<16xi32>, vector<16xi32>], vector<16xf32>,
      %add3A_642 = arith.addf %gather3A_640, %gather3A_641 : vector<16xf32>
      %sub3A_643 = arith.constant 9.99999997E-7 : f32
      %sub3A_644 = vector.broadcast %sub3A_643 : f32 to vector<16xf32>
      %sub3A_645 = arith.subf %add3A_642, %sub3A_644 : vector<16xf32>
      %sub3A_646 = arith.subf %gather3A_638, %sub3A_645 : vector<16xf32>
      %sub3A_647 = arith.subf %gather3A_639, %sub3A_645 : vector<16xf32>
      %mul3A_648 = arith.mulf %sub3A_646, %sub3A_646 : vector<16xf32>
      %add3A_649 = arith.addf %add3A_633, %mul3A_648 : vector<16xf32>
      %mul3A_650 = arith.mulf %sub3A_647, %sub3A_647 : vector<16xf32>
      %add3A_651 = arith.addf %add3A_635, %mul3A_650 : vector<16xf32>
      %broadcast_in_dim3A_652 = arith.constant 18 : i32
      %broadcast_in_dim3A_653 = vector.broadcast %broadcast_in_dim3A_652 : i32 to vector<16xi32>
      %gather3A_654 = tpu.vector_load_idx %arg18[%add3A_362, %broadcast_in_dim3A_653] : memref<512x32xf32, #tpu.memory_space<vmem>>[vector<16xi32>, vector<16xi32>], vector<16xf32>,
      %gather3A_655 = tpu.vector_load_idx %arg19[%add3A_362, %broadcast_in_dim3A_653] : memref<512x32xf32, #tpu.memory_space<vmem>>[vector<16xi32>, vector<16xi32>], vector<16xf32>,
      %gather3A_656 = tpu.vector_load_idx %arg20[%add3A_362, %broadcast_in_dim3A_653] : memref<512x32xf32, #tpu.memory_space<vmem>>[vector<16xi32>, vector<16xi32>], vector<16xf32>,
      %gather3A_657 = tpu.vector_load_idx %arg17[%add3A_362, %broadcast_in_dim3A_653] : memref<512x32xf32, #tpu.memory_space<vmem>>[vector<16xi32>, vector<16xi32>], vector<16xf32>,
      %add3A_658 = arith.addf %gather3A_656, %gather3A_657 : vector<16xf32>
      %sub3A_659 = arith.constant 9.99999997E-7 : f32
      %sub3A_660 = vector.broadcast %sub3A_659 : f32 to vector<16xf32>
      %sub3A_661 = arith.subf %add3A_658, %sub3A_660 : vector<16xf32>
      %sub3A_662 = arith.subf %gather3A_654, %sub3A_661 : vector<16xf32>
      %sub3A_663 = arith.subf %gather3A_655, %sub3A_661 : vector<16xf32>
      %mul3A_664 = arith.mulf %sub3A_662, %sub3A_662 : vector<16xf32>
      %add3A_665 = arith.addf %add3A_649, %mul3A_664 : vector<16xf32>
      %mul3A_666 = arith.mulf %sub3A_663, %sub3A_663 : vector<16xf32>
      %add3A_667 = arith.addf %add3A_651, %mul3A_666 : vector<16xf32>
      %broadcast_in_dim3A_668 = arith.constant 19 : i32
      %broadcast_in_dim3A_669 = vector.broadcast %broadcast_in_dim3A_668 : i32 to vector<16xi32>
      %gather3A_670 = tpu.vector_load_idx %arg18[%add3A_362, %broadcast_in_dim3A_669] : memref<512x32xf32, #tpu.memory_space<vmem>>[vector<16xi32>, vector<16xi32>], vector<16xf32>,
      %gather3A_671 = tpu.vector_load_idx %arg19[%add3A_362, %broadcast_in_dim3A_669] : memref<512x32xf32, #tpu.memory_space<vmem>>[vector<16xi32>, vector<16xi32>], vector<16xf32>,
      %gather3A_672 = tpu.vector_load_idx %arg20[%add3A_362, %broadcast_in_dim3A_669] : memref<512x32xf32, #tpu.memory_space<vmem>>[vector<16xi32>, vector<16xi32>], vector<16xf32>,
      %gather3A_673 = tpu.vector_load_idx %arg17[%add3A_362, %broadcast_in_dim3A_669] : memref<512x32xf32, #tpu.memory_space<vmem>>[vector<16xi32>, vector<16xi32>], vector<16xf32>,
      %add3A_674 = arith.addf %gather3A_672, %gather3A_673 : vector<16xf32>
      %sub3A_675 = arith.constant 9.99999997E-7 : f32
      %sub3A_676 = vector.broadcast %sub3A_675 : f32 to vector<16xf32>
      %sub3A_677 = arith.subf %add3A_674, %sub3A_676 : vector<16xf32>
      %sub3A_678 = arith.subf %gather3A_670, %sub3A_677 : vector<16xf32>
      %sub3A_679 = arith.subf %gather3A_671, %sub3A_677 : vector<16xf32>
      %mul3A_680 = arith.mulf %sub3A_678, %sub3A_678 : vector<16xf32>
      %add3A_681 = arith.addf %add3A_665, %mul3A_680 : vector<16xf32>
      %mul3A_682 = arith.mulf %sub3A_679, %sub3A_679 : vector<16xf32>
      %add3A_683 = arith.addf %add3A_667, %mul3A_682 : vector<16xf32>
      %broadcast_in_dim3A_684 = arith.constant 20 : i32
      %broadcast_in_dim3A_685 = vector.broadcast %broadcast_in_dim3A_684 : i32 to vector<16xi32>
      %gather3A_686 = tpu.vector_load_idx %arg18[%add3A_362, %broadcast_in_dim3A_685] : memref<512x32xf32, #tpu.memory_space<vmem>>[vector<16xi32>, vector<16xi32>], vector<16xf32>,
      %gather3A_687 = tpu.vector_load_idx %arg19[%add3A_362, %broadcast_in_dim3A_685] : memref<512x32xf32, #tpu.memory_space<vmem>>[vector<16xi32>, vector<16xi32>], vector<16xf32>,
      %gather3A_688 = tpu.vector_load_idx %arg20[%add3A_362, %broadcast_in_dim3A_685] : memref<512x32xf32, #tpu.memory_space<vmem>>[vector<16xi32>, vector<16xi32>], vector<16xf32>,
      %gather3A_689 = tpu.vector_load_idx %arg17[%add3A_362, %broadcast_in_dim3A_685] : memref<512x32xf32, #tpu.memory_space<vmem>>[vector<16xi32>, vector<16xi32>], vector<16xf32>,
      %add3A_690 = arith.addf %gather3A_688, %gather3A_689 : vector<16xf32>
      %sub3A_691 = arith.constant 9.99999997E-7 : f32
      %sub3A_692 = vector.broadcast %sub3A_691 : f32 to vector<16xf32>
      %sub3A_693 = arith.subf %add3A_690, %sub3A_692 : vector<16xf32>
      %sub3A_694 = arith.subf %gather3A_686, %sub3A_693 : vector<16xf32>
      %sub3A_695 = arith.subf %gather3A_687, %sub3A_693 : vector<16xf32>
      %mul3A_696 = arith.mulf %sub3A_694, %sub3A_694 : vector<16xf32>
      %add3A_697 = arith.addf %add3A_681, %mul3A_696 : vector<16xf32>
      %mul3A_698 = arith.mulf %sub3A_695, %sub3A_695 : vector<16xf32>
      %add3A_699 = arith.addf %add3A_683, %mul3A_698 : vector<16xf32>
      %broadcast_in_dim3A_700 = arith.constant 21 : i32
      %broadcast_in_dim3A_701 = vector.broadcast %broadcast_in_dim3A_700 : i32 to vector<16xi32>
      %gather3A_702 = tpu.vector_load_idx %arg18[%add3A_362, %broadcast_in_dim3A_701] : memref<512x32xf32, #tpu.memory_space<vmem>>[vector<16xi32>, vector<16xi32>], vector<16xf32>,
      %gather3A_703 = tpu.vector_load_idx %arg19[%add3A_362, %broadcast_in_dim3A_701] : memref<512x32xf32, #tpu.memory_space<vmem>>[vector<16xi32>, vector<16xi32>], vector<16xf32>,
      %gather3A_704 = tpu.vector_load_idx %arg20[%add3A_362, %broadcast_in_dim3A_701] : memref<512x32xf32, #tpu.memory_space<vmem>>[vector<16xi32>, vector<16xi32>], vector<16xf32>,
      %gather3A_705 = tpu.vector_load_idx %arg17[%add3A_362, %broadcast_in_dim3A_701] : memref<512x32xf32, #tpu.memory_space<vmem>>[vector<16xi32>, vector<16xi32>], vector<16xf32>,
      %add3A_706 = arith.addf %gather3A_704, %gather3A_705 : vector<16xf32>
      %sub3A_707 = arith.constant 9.99999997E-7 : f32
      %sub3A_708 = vector.broadcast %sub3A_707 : f32 to vector<16xf32>
      %sub3A_709 = arith.subf %add3A_706, %sub3A_708 : vector<16xf32>
      %sub3A_710 = arith.subf %gather3A_702, %sub3A_709 : vector<16xf32>
      %sub3A_711 = arith.subf %gather3A_703, %sub3A_709 : vector<16xf32>
      %mul3A_712 = arith.mulf %sub3A_710, %sub3A_710 : vector<16xf32>
      %add3A_713 = arith.addf %add3A_697, %mul3A_712 : vector<16xf32>
      %mul3A_714 = arith.mulf %sub3A_711, %sub3A_711 : vector<16xf32>
      %add3A_715 = arith.addf %add3A_699, %mul3A_714 : vector<16xf32>
      %broadcast_in_dim3A_716 = arith.constant 22 : i32
      %broadcast_in_dim3A_717 = vector.broadcast %broadcast_in_dim3A_716 : i32 to vector<16xi32>
      %gather3A_718 = tpu.vector_load_idx %arg18[%add3A_362, %broadcast_in_dim3A_717] : memref<512x32xf32, #tpu.memory_space<vmem>>[vector<16xi32>, vector<16xi32>], vector<16xf32>,
      %gather3A_719 = tpu.vector_load_idx %arg19[%add3A_362, %broadcast_in_dim3A_717] : memref<512x32xf32, #tpu.memory_space<vmem>>[vector<16xi32>, vector<16xi32>], vector<16xf32>,
      %gather3A_720 = tpu.vector_load_idx %arg20[%add3A_362, %broadcast_in_dim3A_717] : memref<512x32xf32, #tpu.memory_space<vmem>>[vector<16xi32>, vector<16xi32>], vector<16xf32>,
      %gather3A_721 = tpu.vector_load_idx %arg17[%add3A_362, %broadcast_in_dim3A_717] : memref<512x32xf32, #tpu.memory_space<vmem>>[vector<16xi32>, vector<16xi32>], vector<16xf32>,
      %add3A_722 = arith.addf %gather3A_720, %gather3A_721 : vector<16xf32>
      %sub3A_723 = arith.constant 9.99999997E-7 : f32
      %sub3A_724 = vector.broadcast %sub3A_723 : f32 to vector<16xf32>
      %sub3A_725 = arith.subf %add3A_722, %sub3A_724 : vector<16xf32>
      %sub3A_726 = arith.subf %gather3A_718, %sub3A_725 : vector<16xf32>
      %sub3A_727 = arith.subf %gather3A_719, %sub3A_725 : vector<16xf32>
      %mul3A_728 = arith.mulf %sub3A_726, %sub3A_726 : vector<16xf32>
      %add3A_729 = arith.addf %add3A_713, %mul3A_728 : vector<16xf32>
      %mul3A_730 = arith.mulf %sub3A_727, %sub3A_727 : vector<16xf32>
      %add3A_731 = arith.addf %add3A_715, %mul3A_730 : vector<16xf32>
      %broadcast_in_dim3A_732 = arith.constant 23 : i32
      %broadcast_in_dim3A_733 = vector.broadcast %broadcast_in_dim3A_732 : i32 to vector<16xi32>
      %gather3A_734 = tpu.vector_load_idx %arg18[%add3A_362, %broadcast_in_dim3A_733] : memref<512x32xf32, #tpu.memory_space<vmem>>[vector<16xi32>, vector<16xi32>], vector<16xf32>,
      %gather3A_735 = tpu.vector_load_idx %arg19[%add3A_362, %broadcast_in_dim3A_733] : memref<512x32xf32, #tpu.memory_space<vmem>>[vector<16xi32>, vector<16xi32>], vector<16xf32>,
      %gather3A_736 = tpu.vector_load_idx %arg20[%add3A_362, %broadcast_in_dim3A_733] : memref<512x32xf32, #tpu.memory_space<vmem>>[vector<16xi32>, vector<16xi32>], vector<16xf32>,
      %gather3A_737 = tpu.vector_load_idx %arg17[%add3A_362, %broadcast_in_dim3A_733] : memref<512x32xf32, #tpu.memory_space<vmem>>[vector<16xi32>, vector<16xi32>], vector<16xf32>,
      %add3A_738 = arith.addf %gather3A_736, %gather3A_737 : vector<16xf32>
      %sub3A_739 = arith.constant 9.99999997E-7 : f32
      %sub3A_740 = vector.broadcast %sub3A_739 : f32 to vector<16xf32>
      %sub3A_741 = arith.subf %add3A_738, %sub3A_740 : vector<16xf32>
      %sub3A_742 = arith.subf %gather3A_734, %sub3A_741 : vector<16xf32>
      %sub3A_743 = arith.subf %gather3A_735, %sub3A_741 : vector<16xf32>
      %mul3A_744 = arith.mulf %sub3A_742, %sub3A_742 : vector<16xf32>
      %add3A_745 = arith.addf %add3A_729, %mul3A_744 : vector<16xf32>
      %mul3A_746 = arith.mulf %sub3A_743, %sub3A_743 : vector<16xf32>
      %add3A_747 = arith.addf %add3A_731, %mul3A_746 : vector<16xf32>
      %broadcast_in_dim3A_748 = arith.constant 24 : i32
      %broadcast_in_dim3A_749 = vector.broadcast %broadcast_in_dim3A_748 : i32 to vector<16xi32>
      %gather3A_750 = tpu.vector_load_idx %arg18[%add3A_362, %broadcast_in_dim3A_749] : memref<512x32xf32, #tpu.memory_space<vmem>>[vector<16xi32>, vector<16xi32>], vector<16xf32>,
      %gather3A_751 = tpu.vector_load_idx %arg19[%add3A_362, %broadcast_in_dim3A_749] : memref<512x32xf32, #tpu.memory_space<vmem>>[vector<16xi32>, vector<16xi32>], vector<16xf32>,
      %gather3A_752 = tpu.vector_load_idx %arg20[%add3A_362, %broadcast_in_dim3A_749] : memref<512x32xf32, #tpu.memory_space<vmem>>[vector<16xi32>, vector<16xi32>], vector<16xf32>,
      %gather3A_753 = tpu.vector_load_idx %arg17[%add3A_362, %broadcast_in_dim3A_749] : memref<512x32xf32, #tpu.memory_space<vmem>>[vector<16xi32>, vector<16xi32>], vector<16xf32>,
      %add3A_754 = arith.addf %gather3A_752, %gather3A_753 : vector<16xf32>
      %sub3A_755 = arith.constant 9.99999997E-7 : f32
      %sub3A_756 = vector.broadcast %sub3A_755 : f32 to vector<16xf32>
      %sub3A_757 = arith.subf %add3A_754, %sub3A_756 : vector<16xf32>
      %sub3A_758 = arith.subf %gather3A_750, %sub3A_757 : vector<16xf32>
      %sub3A_759 = arith.subf %gather3A_751, %sub3A_757 : vector<16xf32>
      %mul3A_760 = arith.mulf %sub3A_758, %sub3A_758 : vector<16xf32>
      %add3A_761 = arith.addf %add3A_745, %mul3A_760 : vector<16xf32>
      %mul3A_762 = arith.mulf %sub3A_759, %sub3A_759 : vector<16xf32>
      %add3A_763 = arith.addf %add3A_747, %mul3A_762 : vector<16xf32>
      %broadcast_in_dim3A_764 = arith.constant 25 : i32
      %broadcast_in_dim3A_765 = vector.broadcast %broadcast_in_dim3A_764 : i32 to vector<16xi32>
      %gather3A_766 = tpu.vector_load_idx %arg18[%add3A_362, %broadcast_in_dim3A_765] : memref<512x32xf32, #tpu.memory_space<vmem>>[vector<16xi32>, vector<16xi32>], vector<16xf32>,
      %gather3A_767 = tpu.vector_load_idx %arg19[%add3A_362, %broadcast_in_dim3A_765] : memref<512x32xf32, #tpu.memory_space<vmem>>[vector<16xi32>, vector<16xi32>], vector<16xf32>,
      %gather3A_768 = tpu.vector_load_idx %arg20[%add3A_362, %broadcast_in_dim3A_765] : memref<512x32xf32, #tpu.memory_space<vmem>>[vector<16xi32>, vector<16xi32>], vector<16xf32>,
      %gather3A_769 = tpu.vector_load_idx %arg17[%add3A_362, %broadcast_in_dim3A_765] : memref<512x32xf32, #tpu.memory_space<vmem>>[vector<16xi32>, vector<16xi32>], vector<16xf32>,
      %add3A_770 = arith.addf %gather3A_768, %gather3A_769 : vector<16xf32>
      %sub3A_771 = arith.constant 9.99999997E-7 : f32
      %sub3A_772 = vector.broadcast %sub3A_771 : f32 to vector<16xf32>
      %sub3A_773 = arith.subf %add3A_770, %sub3A_772 : vector<16xf32>
      %sub3A_774 = arith.subf %gather3A_766, %sub3A_773 : vector<16xf32>
      %sub3A_775 = arith.subf %gather3A_767, %sub3A_773 : vector<16xf32>
      %mul3A_776 = arith.mulf %sub3A_774, %sub3A_774 : vector<16xf32>
      %add3A_777 = arith.addf %add3A_761, %mul3A_776 : vector<16xf32>
      %mul3A_778 = arith.mulf %sub3A_775, %sub3A_775 : vector<16xf32>
      %add3A_779 = arith.addf %add3A_763, %mul3A_778 : vector<16xf32>
      %broadcast_in_dim3A_780 = arith.constant 26 : i32
      %broadcast_in_dim3A_781 = vector.broadcast %broadcast_in_dim3A_780 : i32 to vector<16xi32>
      %gather3A_782 = tpu.vector_load_idx %arg18[%add3A_362, %broadcast_in_dim3A_781] : memref<512x32xf32, #tpu.memory_space<vmem>>[vector<16xi32>, vector<16xi32>], vector<16xf32>,
      %gather3A_783 = tpu.vector_load_idx %arg19[%add3A_362, %broadcast_in_dim3A_781] : memref<512x32xf32, #tpu.memory_space<vmem>>[vector<16xi32>, vector<16xi32>], vector<16xf32>,
      %gather3A_784 = tpu.vector_load_idx %arg20[%add3A_362, %broadcast_in_dim3A_781] : memref<512x32xf32, #tpu.memory_space<vmem>>[vector<16xi32>, vector<16xi32>], vector<16xf32>,
      %gather3A_785 = tpu.vector_load_idx %arg17[%add3A_362, %broadcast_in_dim3A_781] : memref<512x32xf32, #tpu.memory_space<vmem>>[vector<16xi32>, vector<16xi32>], vector<16xf32>,
      %add3A_786 = arith.addf %gather3A_784, %gather3A_785 : vector<16xf32>
      %sub3A_787 = arith.constant 9.99999997E-7 : f32
      %sub3A_788 = vector.broadcast %sub3A_787 : f32 to vector<16xf32>
      %sub3A_789 = arith.subf %add3A_786, %sub3A_788 : vector<16xf32>
      %sub3A_790 = arith.subf %gather3A_782, %sub3A_789 : vector<16xf32>
      %sub3A_791 = arith.subf %gather3A_783, %sub3A_789 : vector<16xf32>
      %mul3A_792 = arith.mulf %sub3A_790, %sub3A_790 : vector<16xf32>
      %add3A_793 = arith.addf %add3A_777, %mul3A_792 : vector<16xf32>
      %mul3A_794 = arith.mulf %sub3A_791, %sub3A_791 : vector<16xf32>
      %add3A_795 = arith.addf %add3A_779, %mul3A_794 : vector<16xf32>
      %broadcast_in_dim3A_796 = arith.constant 27 : i32
      %broadcast_in_dim3A_797 = vector.broadcast %broadcast_in_dim3A_796 : i32 to vector<16xi32>
      %gather3A_798 = tpu.vector_load_idx %arg18[%add3A_362, %broadcast_in_dim3A_797] : memref<512x32xf32, #tpu.memory_space<vmem>>[vector<16xi32>, vector<16xi32>], vector<16xf32>,
      %gather3A_799 = tpu.vector_load_idx %arg19[%add3A_362, %broadcast_in_dim3A_797] : memref<512x32xf32, #tpu.memory_space<vmem>>[vector<16xi32>, vector<16xi32>], vector<16xf32>,
      %gather3A_800 = tpu.vector_load_idx %arg20[%add3A_362, %broadcast_in_dim3A_797] : memref<512x32xf32, #tpu.memory_space<vmem>>[vector<16xi32>, vector<16xi32>], vector<16xf32>,
      %gather3A_801 = tpu.vector_load_idx %arg17[%add3A_362, %broadcast_in_dim3A_797] : memref<512x32xf32, #tpu.memory_space<vmem>>[vector<16xi32>, vector<16xi32>], vector<16xf32>,
      %add3A_802 = arith.addf %gather3A_800, %gather3A_801 : vector<16xf32>
      %sub3A_803 = arith.constant 9.99999997E-7 : f32
      %sub3A_804 = vector.broadcast %sub3A_803 : f32 to vector<16xf32>
      %sub3A_805 = arith.subf %add3A_802, %sub3A_804 : vector<16xf32>
      %sub3A_806 = arith.subf %gather3A_798, %sub3A_805 : vector<16xf32>
      %sub3A_807 = arith.subf %gather3A_799, %sub3A_805 : vector<16xf32>
      %mul3A_808 = arith.mulf %sub3A_806, %sub3A_806 : vector<16xf32>
      %add3A_809 = arith.addf %add3A_793, %mul3A_808 : vector<16xf32>
      %mul3A_810 = arith.mulf %sub3A_807, %sub3A_807 : vector<16xf32>
      %add3A_811 = arith.addf %add3A_795, %mul3A_810 : vector<16xf32>
      %broadcast_in_dim3A_812 = arith.constant 28 : i32
      %broadcast_in_dim3A_813 = vector.broadcast %broadcast_in_dim3A_812 : i32 to vector<16xi32>
      %gather3A_814 = tpu.vector_load_idx %arg18[%add3A_362, %broadcast_in_dim3A_813] : memref<512x32xf32, #tpu.memory_space<vmem>>[vector<16xi32>, vector<16xi32>], vector<16xf32>,
      %gather3A_815 = tpu.vector_load_idx %arg19[%add3A_362, %broadcast_in_dim3A_813] : memref<512x32xf32, #tpu.memory_space<vmem>>[vector<16xi32>, vector<16xi32>], vector<16xf32>,
      %gather3A_816 = tpu.vector_load_idx %arg20[%add3A_362, %broadcast_in_dim3A_813] : memref<512x32xf32, #tpu.memory_space<vmem>>[vector<16xi32>, vector<16xi32>], vector<16xf32>,
      %gather3A_817 = tpu.vector_load_idx %arg17[%add3A_362, %broadcast_in_dim3A_813] : memref<512x32xf32, #tpu.memory_space<vmem>>[vector<16xi32>, vector<16xi32>], vector<16xf32>,
      %add3A_818 = arith.addf %gather3A_816, %gather3A_817 : vector<16xf32>
      %sub3A_819 = arith.constant 9.99999997E-7 : f32
      %sub3A_820 = vector.broadcast %sub3A_819 : f32 to vector<16xf32>
      %sub3A_821 = arith.subf %add3A_818, %sub3A_820 : vector<16xf32>
      %sub3A_822 = arith.subf %gather3A_814, %sub3A_821 : vector<16xf32>
      %sub3A_823 = arith.subf %gather3A_815, %sub3A_821 : vector<16xf32>
      %mul3A_824 = arith.mulf %sub3A_822, %sub3A_822 : vector<16xf32>
      %add3A_825 = arith.addf %add3A_809, %mul3A_824 : vector<16xf32>
      %mul3A_826 = arith.mulf %sub3A_823, %sub3A_823 : vector<16xf32>
      %add3A_827 = arith.addf %add3A_811, %mul3A_826 : vector<16xf32>
      %broadcast_in_dim3A_828 = arith.constant 29 : i32
      %broadcast_in_dim3A_829 = vector.broadcast %broadcast_in_dim3A_828 : i32 to vector<16xi32>
      %gather3A_830 = tpu.vector_load_idx %arg18[%add3A_362, %broadcast_in_dim3A_829] : memref<512x32xf32, #tpu.memory_space<vmem>>[vector<16xi32>, vector<16xi32>], vector<16xf32>,
      %gather3A_831 = tpu.vector_load_idx %arg19[%add3A_362, %broadcast_in_dim3A_829] : memref<512x32xf32, #tpu.memory_space<vmem>>[vector<16xi32>, vector<16xi32>], vector<16xf32>,
      %gather3A_832 = tpu.vector_load_idx %arg20[%add3A_362, %broadcast_in_dim3A_829] : memref<512x32xf32, #tpu.memory_space<vmem>>[vector<16xi32>, vector<16xi32>], vector<16xf32>,
      %gather3A_833 = tpu.vector_load_idx %arg17[%add3A_362, %broadcast_in_dim3A_829] : memref<512x32xf32, #tpu.memory_space<vmem>>[vector<16xi32>, vector<16xi32>], vector<16xf32>,
      %add3A_834 = arith.addf %gather3A_832, %gather3A_833 : vector<16xf32>
      %sub3A_835 = arith.constant 9.99999997E-7 : f32
      %sub3A_836 = vector.broadcast %sub3A_835 : f32 to vector<16xf32>
      %sub3A_837 = arith.subf %add3A_834, %sub3A_836 : vector<16xf32>
      %sub3A_838 = arith.subf %gather3A_830, %sub3A_837 : vector<16xf32>
      %sub3A_839 = arith.subf %gather3A_831, %sub3A_837 : vector<16xf32>
      %mul3A_840 = arith.mulf %sub3A_838, %sub3A_838 : vector<16xf32>
      %add3A_841 = arith.addf %add3A_825, %mul3A_840 : vector<16xf32>
      %mul3A_842 = arith.mulf %sub3A_839, %sub3A_839 : vector<16xf32>
      %add3A_843 = arith.addf %add3A_827, %mul3A_842 : vector<16xf32>
      %broadcast_in_dim3A_844 = arith.constant 30 : i32
      %broadcast_in_dim3A_845 = vector.broadcast %broadcast_in_dim3A_844 : i32 to vector<16xi32>
      %gather3A_846 = tpu.vector_load_idx %arg18[%add3A_362, %broadcast_in_dim3A_845] : memref<512x32xf32, #tpu.memory_space<vmem>>[vector<16xi32>, vector<16xi32>], vector<16xf32>,
      %gather3A_847 = tpu.vector_load_idx %arg19[%add3A_362, %broadcast_in_dim3A_845] : memref<512x32xf32, #tpu.memory_space<vmem>>[vector<16xi32>, vector<16xi32>], vector<16xf32>,
      %gather3A_848 = tpu.vector_load_idx %arg20[%add3A_362, %broadcast_in_dim3A_845] : memref<512x32xf32, #tpu.memory_space<vmem>>[vector<16xi32>, vector<16xi32>], vector<16xf32>,
      %gather3A_849 = tpu.vector_load_idx %arg17[%add3A_362, %broadcast_in_dim3A_845] : memref<512x32xf32, #tpu.memory_space<vmem>>[vector<16xi32>, vector<16xi32>], vector<16xf32>,
      %add3A_850 = arith.addf %gather3A_848, %gather3A_849 : vector<16xf32>
      %sub3A_851 = arith.constant 9.99999997E-7 : f32
      %sub3A_852 = vector.broadcast %sub3A_851 : f32 to vector<16xf32>
      %sub3A_853 = arith.subf %add3A_850, %sub3A_852 : vector<16xf32>
      %sub3A_854 = arith.subf %gather3A_846, %sub3A_853 : vector<16xf32>
      %sub3A_855 = arith.subf %gather3A_847, %sub3A_853 : vector<16xf32>
      %mul3A_856 = arith.mulf %sub3A_854, %sub3A_854 : vector<16xf32>
      %add3A_857 = arith.addf %add3A_841, %mul3A_856 : vector<16xf32>
      %mul3A_858 = arith.mulf %sub3A_855, %sub3A_855 : vector<16xf32>
      %add3A_859 = arith.addf %add3A_843, %mul3A_858 : vector<16xf32>
      %broadcast_in_dim3A_860 = arith.constant 31 : i32
      %broadcast_in_dim3A_861 = vector.broadcast %broadcast_in_dim3A_860 : i32 to vector<16xi32>
      %gather3A_862 = tpu.vector_load_idx %arg18[%add3A_362, %broadcast_in_dim3A_861] : memref<512x32xf32, #tpu.memory_space<vmem>>[vector<16xi32>, vector<16xi32>], vector<16xf32>,
      %gather3A_863 = tpu.vector_load_idx %arg19[%add3A_362, %broadcast_in_dim3A_861] : memref<512x32xf32, #tpu.memory_space<vmem>>[vector<16xi32>, vector<16xi32>], vector<16xf32>,
      %gather3A_864 = tpu.vector_load_idx %arg20[%add3A_362, %broadcast_in_dim3A_861] : memref<512x32xf32, #tpu.memory_space<vmem>>[vector<16xi32>, vector<16xi32>], vector<16xf32>,
      %gather3A_865 = tpu.vector_load_idx %arg17[%add3A_362, %broadcast_in_dim3A_861] : memref<512x32xf32, #tpu.memory_space<vmem>>[vector<16xi32>, vector<16xi32>], vector<16xf32>,
      %add3A_866 = arith.addf %gather3A_864, %gather3A_865 : vector<16xf32>
      %sub3A_867 = arith.constant 9.99999997E-7 : f32
      %sub3A_868 = vector.broadcast %sub3A_867 : f32 to vector<16xf32>
      %sub3A_869 = arith.subf %add3A_866, %sub3A_868 : vector<16xf32>
      %sub3A_870 = arith.subf %gather3A_862, %sub3A_869 : vector<16xf32>
      %sub3A_871 = arith.subf %gather3A_863, %sub3A_869 : vector<16xf32>
      %mul3A_872 = arith.mulf %sub3A_870, %sub3A_870 : vector<16xf32>
      %add3A_873 = arith.addf %add3A_857, %mul3A_872 : vector<16xf32>
      %mul3A_874 = arith.mulf %sub3A_871, %sub3A_871 : vector<16xf32>
      %add3A_875 = arith.addf %add3A_859, %mul3A_874 : vector<16xf32>
      %bitcast_convert_type3A = tpu.bitcast %add3A_873 : vector<16xf32> -> vector<16xi32>
      %shift_right_logical3A = arith.constant 1 : i32
      %shift_right_logical3A_876 = vector.broadcast %shift_right_logical3A : i32 to vector<16xi32>
      %shift_right_logical3A_877 = arith.shrui %bitcast_convert_type3A, %shift_right_logical3A_876 : vector<16xi32>
      %sub3A_878 = arith.constant 1597463007 : i32
      %sub3A_879 = vector.broadcast %sub3A_878 : i32 to vector<16xi32>
      %sub3A_880 = arith.subi %sub3A_879, %shift_right_logical3A_877 : vector<16xi32>
      %bitcast_convert_type3A_881 = tpu.bitcast %sub3A_880 : vector<16xi32> -> vector<16xf32>
      %mul3A_882 = arith.constant 5.000000e-01 : f32
      %mul3A_883 = vector.broadcast %mul3A_882 : f32 to vector<16xf32>
      %mul3A_884 = arith.mulf %mul3A_883, %add3A_873 : vector<16xf32>
      %mul3A_885 = arith.mulf %mul3A_884, %bitcast_convert_type3A_881 : vector<16xf32>
      %mul3A_886 = arith.mulf %mul3A_885, %bitcast_convert_type3A_881 : vector<16xf32>
      %sub3A_887 = arith.constant 1.500000e+00 : f32
      %sub3A_888 = vector.broadcast %sub3A_887 : f32 to vector<16xf32>
      %sub3A_889 = arith.subf %sub3A_888, %mul3A_886 : vector<16xf32>
      %mul3A_890 = arith.mulf %bitcast_convert_type3A_881, %sub3A_889 : vector<16xf32>
      %mul3A_891 = arith.constant 5.000000e-01 : f32
      %mul3A_892 = vector.broadcast %mul3A_891 : f32 to vector<16xf32>
      %mul3A_893 = arith.mulf %mul3A_892, %add3A_873 : vector<16xf32>
      %mul3A_894 = arith.mulf %mul3A_893, %mul3A_890 : vector<16xf32>
      %mul3A_895 = arith.mulf %mul3A_894, %mul3A_890 : vector<16xf32>
      %sub3A_896 = arith.constant 1.500000e+00 : f32
      %sub3A_897 = vector.broadcast %sub3A_896 : f32 to vector<16xf32>
      %sub3A_898 = arith.subf %sub3A_897, %mul3A_895 : vector<16xf32>
      %mul3A_899 = arith.mulf %mul3A_890, %sub3A_898 : vector<16xf32>
      %mul3A_900 = arith.constant 5.000000e-01 : f32
      %mul3A_901 = vector.broadcast %mul3A_900 : f32 to vector<16xf32>
      %mul3A_902 = arith.mulf %mul3A_901, %add3A_873 : vector<16xf32>
      %mul3A_903 = arith.mulf %mul3A_902, %mul3A_899 : vector<16xf32>
      %mul3A_904 = arith.mulf %mul3A_903, %mul3A_899 : vector<16xf32>
      %sub3A_905 = arith.constant 1.500000e+00 : f32
      %sub3A_906 = vector.broadcast %sub3A_905 : f32 to vector<16xf32>
      %sub3A_907 = arith.subf %sub3A_906, %mul3A_904 : vector<16xf32>
      %mul3A_908 = arith.mulf %mul3A_899, %sub3A_907 : vector<16xf32>
      %mul3A_909 = arith.mulf %add3A_873, %mul3A_908 : vector<16xf32>
      %bitcast_convert_type3A_910 = tpu.bitcast %add3A_875 : vector<16xf32> -> vector<16xi32>
      %shift_right_logical3A_911 = arith.constant 1 : i32
      %shift_right_logical3A_912 = vector.broadcast %shift_right_logical3A_911 : i32 to vector<16xi32>
      %shift_right_logical3A_913 = arith.shrui %bitcast_convert_type3A_910, %shift_right_logical3A_912 : vector<16xi32>
      %sub3A_914 = arith.constant 1597463007 : i32
      %sub3A_915 = vector.broadcast %sub3A_914 : i32 to vector<16xi32>
      %sub3A_916 = arith.subi %sub3A_915, %shift_right_logical3A_913 : vector<16xi32>
      %bitcast_convert_type3A_917 = tpu.bitcast %sub3A_916 : vector<16xi32> -> vector<16xf32>
      %mul3A_918 = arith.constant 5.000000e-01 : f32
      %mul3A_919 = vector.broadcast %mul3A_918 : f32 to vector<16xf32>
      %mul3A_920 = arith.mulf %mul3A_919, %add3A_875 : vector<16xf32>
      %mul3A_921 = arith.mulf %mul3A_920, %bitcast_convert_type3A_917 : vector<16xf32>
      %mul3A_922 = arith.mulf %mul3A_921, %bitcast_convert_type3A_917 : vector<16xf32>
      %sub3A_923 = arith.constant 1.500000e+00 : f32
      %sub3A_924 = vector.broadcast %sub3A_923 : f32 to vector<16xf32>
      %sub3A_925 = arith.subf %sub3A_924, %mul3A_922 : vector<16xf32>
      %mul3A_926 = arith.mulf %bitcast_convert_type3A_917, %sub3A_925 : vector<16xf32>
      %mul3A_927 = arith.constant 5.000000e-01 : f32
      %mul3A_928 = vector.broadcast %mul3A_927 : f32 to vector<16xf32>
      %mul3A_929 = arith.mulf %mul3A_928, %add3A_875 : vector<16xf32>
      %mul3A_930 = arith.mulf %mul3A_929, %mul3A_926 : vector<16xf32>
      %mul3A_931 = arith.mulf %mul3A_930, %mul3A_926 : vector<16xf32>
      %sub3A_932 = arith.constant 1.500000e+00 : f32
      %sub3A_933 = vector.broadcast %sub3A_932 : f32 to vector<16xf32>
      %sub3A_934 = arith.subf %sub3A_933, %mul3A_931 : vector<16xf32>
      %mul3A_935 = arith.mulf %mul3A_926, %sub3A_934 : vector<16xf32>
      %mul3A_936 = arith.constant 5.000000e-01 : f32
      %mul3A_937 = vector.broadcast %mul3A_936 : f32 to vector<16xf32>
      %mul3A_938 = arith.mulf %mul3A_937, %add3A_875 : vector<16xf32>
      %mul3A_939 = arith.mulf %mul3A_938, %mul3A_935 : vector<16xf32>
      %mul3A_940 = arith.mulf %mul3A_939, %mul3A_935 : vector<16xf32>
      %sub3A_941 = arith.constant 1.500000e+00 : f32
      %sub3A_942 = vector.broadcast %sub3A_941 : f32 to vector<16xf32>
      %sub3A_943 = arith.subf %sub3A_942, %mul3A_940 : vector<16xf32>
      %mul3A_944 = arith.mulf %mul3A_935, %sub3A_943 : vector<16xf32>
      %mul3A_945 = arith.mulf %add3A_875, %mul3A_944 : vector<16xf32>
      %sub3A_946 = arith.subf %mul3A_909, %mul3A_945 : vector<16xf32>
      %neg3A = arith.constant 0.000000e+00 : f32
      %neg3A_947 = vector.broadcast %neg3A : f32 to vector<16xf32>
      %neg3A_948 = arith.subf %neg3A_947, %sub3A_946 : vector<16xf32>
      %exp3A = math.exp %neg3A_948 : vector<16xf32>
      %add3A_949 = arith.constant 1.000000e+00 : f32
      %add3A_950 = vector.broadcast %add3A_949 : f32 to vector<16xf32>
      %add3A_951 = arith.addf %add3A_950, %exp3A : vector<16xf32>
      %div3A = arith.constant 1.000000e+00 : f32
      %div3A_952 = vector.broadcast %div3A : f32 to vector<16xf32>
      %div3A_953 = arith.divf %div3A_952, %add3A_951 : vector<16xf32>
      %mul3A_954 = arith.constant 16 : i32
      %mul3A_955 = arith.muli %scan3A_357, %mul3A_954 : i32
      %swap3A = arith.index_cast %mul3A_955 : i32 to index
      %swap3A_956 = tpu.vector_load %arg21[%swap3A] {strides = array<i32>} : memref<512xf32, #tpu.memory_space<vmem>>, vector<16xf32>,
      tpu.vector_store %arg21[%swap3A], %div3A_953 {strides = array<i32>} : memref<512xf32, #tpu.memory_space<vmem>>, vector<16xf32>,
      %scan3A_957 = arith.constant 0 : i32
      scf.yield %scan3A_957 : i32
    }
    %scan3A_356 = arith.constant 32 : i32
    "tpu.region"() ({
      %run_scoped3A_357 = tpu.sem_alloc : memref<!tpu.dma_semaphore, #tpu.memory_space<semaphore_mem>>
      %dma_start3A_358 = tpu.memref_slice %arg8[%mul3A_2] : memref<16384xf32, #tpu.memory_space<hbm>> -> memref<512xf32, #tpu.memory_space<hbm>>
      %dma_start3A_359 = tpu.memref_slice %arg8[%mul3A_2] : memref<16384xf32, #tpu.memory_space<hbm>> -> memref<512xf32, #tpu.memory_space<hbm>>
      tpu.enqueue_dma source(%arg21 : memref<512xf32, #tpu.memory_space<vmem>>) target(%dma_start3A_359 : memref<512xf32, #tpu.memory_space<hbm>>) target_semaphore(%run_scoped3A_357 : memref<!tpu.dma_semaphore, #tpu.memory_space<semaphore_mem>>)
      %dma_wait3A_360 = tpu.memref_slice %arg8[%mul3A_2] : memref<16384xf32, #tpu.memory_space<hbm>> -> memref<512xf32, #tpu.memory_space<hbm>>
      %dma_wait3A_361 = tpu.memref_slice %arg8[%mul3A_2] : memref<16384xf32, #tpu.memory_space<hbm>> -> memref<512xf32, #tpu.memory_space<hbm>>
      tpu.wait_dma2 semaphore(%run_scoped3A_357 : memref<!tpu.dma_semaphore, #tpu.memory_space<semaphore_mem>>) src(%arg21 : memref<512xf32, #tpu.memory_space<vmem>>) dst(%dma_wait3A_361 : memref<512xf32, #tpu.memory_space<hbm>>)
      tpu.yield
    }) : () -> ()
    return
  }
}

</mosaic_0001>

<sc_bundles>
// kernel: _run.3.cloned.1.call-start
scs
__scs_entry_jumppad:
0x0: {  	(pc) =	sbr.rel $0x88, $3  }
0x1: {  	(tag) =	ssettag $0x0;
	lr =	simm.s32 $0x1  }
0x2: {  	[smem:$0x3F9B] =	sst lr;
	_ =	strace $0xD0000000  }
0x3: {  	_ = 	snop  }
0x4: {  	_ = 	snop  }
0x5: {  	_ = 	snop  }
0x6: {  	_ = 	snop  }
0x7: {  	_ = 	snop  }
__scs_overlays_trampoline_lowered:
0x8: {  	[smem:$0x3FAA] =	sst s0  }
0x9: {  	[smem:$0x3FAB] =	sst s1  }
0xa: {  	[smem:$0x3FAC] =	sst s2  }
0xb: {  	[smem:$0x3FAD] =	sst s3  }
0xc: {  	[smem:$0x3FAE] =	sst s4  }
0xd: {  	[smem:$0x3FAF] =	sst s5  }
0xe: {  	[smem:$0x3FB0] =	sst s6  }
0xf: {  	[smem:$0x3FB1] =	sst s7  }
0x10: {  	[smem:$0x3FB2] =	sst s8  }
0x11: {  	[smem:$0x3FB3] =	sst s9;
	s0 =	simm.s32 @!p0 $0x0  }
0x12: {  	s1 =	sld [smem:$0x3F99];
	s0 =	simm.s32 @p0 $0x1  }
0x13: {  	[smem:$0x3FB4] =	sst s0;
	s0 =	simm.s32 @!p1 $0x0  }
0x14: {  	s2 =	sld [smem:$0x3F98];
	s0 =	simm.s32 @p1 $0x1  }
0x15: {  	[smem:$0x3FB5] =	sst s0;
	s0 =	simm.s32 @!p2 $0x0  }
0x16: {  	s3 =	sld [smem:$0x3FDB];
	s0 =	simm.s32 @p2 $0x1  }
0x17: {  	s4 =	simm.s32 $0x1BF5;
	[smem:$0x3FB7] =	sst s0  }
0x18: {  	s0 =	sld [smem:$0x3F9A];
	_ =	swait.ge [sflag:s4], $0x0  }
0x19: {  	s7 =	sld [smem:$0x3F9B]  }
0x1a: {  	s8 =	sadd.s32 $0xFFFFE003, lr  }
0x1b: {  	s9 =	sadd.s32 $0xFFFFFEF7, lr;
	s5 =	simm.s32 $0xFFFFFFFF;
	p2 =	slt.u32 s8, $0xFFFFF086  }
0x1c: {  	p1 =	slt.u32 s9, $0xF7A;
	s5 =	simm.s32 @!p2 $0x0  }
0x1d: {  	s5 =	simm.s32 @p1 $0x1;
	p0 =	seq.s32 s7, s2  }
0x1e: {  	s7 =	smul.u32 @!p0 $0xF7A, s2;
	p2 =	seq.s32 @!p0 s5, $0x0  }
0x1f: {  	s9 =	smul.u32 $0xF7A, s1;
	s8 =	simm.s32 @!p0 $0x1BF5;
	p2 =	por !p2, p0  }
0x20: {  	[sflag:s8] =	ssyncset.s32 @!p0 $0xFFFFF086;
	s6 =	sadd.s32 @!p0 s3, s7;
	s7 =	simm.s32 @!p0 $0x108  }
0x21: {  	s3 =	sadd.s32 s3, s9;
	s6 =	sadd.s32 @!p0 $0x88, s6;
	s7 =	simm.s32 @p2 $0x1082  }
0x22: {  	[simem:s7], [sflag:s8] =	dma.local @!p0 [hbm:s6], $0xF7A  }
0x23: {  	s9 =	sor.u32 $0xD0000000, s2;
	s6 =	simm.s32 $0x108;
	_ =	swait.ge @!p0 [sflag:s8], $0x0  }
0x24: {  	s3 =	sadd.s32 $0x88, s3;
	s6 =	simm.s32 @!p1 $0x1082;
	[sflag:s4] =	ssyncset.s32 $0xFFFFF086  }
0x25: {  	[simem:s6], [sflag:s4] =	dma.local [hbm:s3], $0xF7A  }
0x26: {  	[smem:$0x3F9B] =	sst s1;
	(tag) =	ssettag s2;
	_ =	strace s9  }
0x27: {  	s1 =	sld [smem:$0x3FAB]  }
0x28: {  	s2 =	sld [smem:$0x3FAC]  }
0x29: {  	s4 =	sld [smem:$0x3FAE]  }
0x2a: {  	p0 =	seq.s32 s5, $0x0;
	s5 =	sld [smem:$0x3FAF]  }
0x2b: {  	s6 =	sld [smem:$0x3FB0]  }
0x2c: {  	s7 =	sld [smem:$0x3FB1]  }
0x2d: {  	s3 =	simm.s32 $0x108;
	s8 =	sld [smem:$0x3FB2]  }
0x2e: {  	s3 =	simm.s32 @!p0 $0x1082;
	s9 =	sld [smem:$0x3FB3]  }
0x2f: {  	lr =	sadd.s32 s0, s3;
	s0 =	sld [smem:$0x3FAA]  }
0x30: {  	s3 =	sld [smem:$0x3FAD]  }
0x31: {  	[smem:$0x3FB6] =	sst s10  }
0x32: {  	s10 =	sld [smem:$0x3FB4];
	_ =	sdelay $0x3  }
0x33: {  	p0 =	seq.s32 s10, $0x1;
	s10 =	sld [smem:$0x3FB6];
	_ =	sdelay $0x3  }
0x34: {  	[smem:$0x3FB6] =	sst s10  }
0x35: {  	s10 =	sld [smem:$0x3FB5];
	_ =	sdelay $0x3  }
0x36: {  	p1 =	seq.s32 s10, $0x1;
	s10 =	sld [smem:$0x3FB6];
	_ =	sdelay $0x3  }
0x37: {  	[smem:$0x3FB6] =	sst s10  }
0x38: {  	s10 =	sld [smem:$0x3FB7]  }
0x39: {  	_ = 	snop;
	(pc) =	sbr.ind lr, $3  }
0x3a: {  	_ = 	snop  }
0x3b: {  	_ = 	snop  }
0x3c: {  	p2 =	seq.s32 s10, $0x1;
	s10 =	sld [smem:$0x3FB6]  }
0x3d: {  	_ =	shalt  }
0x3e: {  	_ =	shalt  }
0x3f: {  	_ =	shalt  }
0x40: {  	_ =	shalt  }
0x41: {  	_ =	shalt  }
0x42: {  	_ =	shalt  }
0x43: {  	_ =	shalt  }
0x44: {  	_ =	shalt  }
0x45: {  	_ =	shalt  }
0x46: {  	_ =	shalt  }
0x47: {  	_ =	shalt  }
0x48: {  	_ =	shalt  }
0x49: {  	_ =	shalt  }
0x4a: {  	_ =	shalt  }
0x4b: {  	_ =	shalt  }
0x4c: {  	_ =	shalt  }
0x4d: {  	_ =	shalt  }
0x4e: {  	_ =	shalt  }
0x4f: {  	_ =	shalt  }
0x50: {  	_ =	shalt  }
0x51: {  	_ =	shalt  }
0x52: {  	_ =	shalt  }
0x53: {  	_ =	shalt  }
0x54: {  	_ =	shalt  }
0x55: {  	_ =	shalt  }
0x56: {  	_ =	shalt  }
0x57: {  	_ =	shalt  }
0x58: {  	_ =	shalt  }
0x59: {  	_ =	shalt  }
0x5a: {  	_ =	shalt  }
0x5b: {  	_ =	shalt  }
0x5c: {  	_ =	shalt  }
0x5d: {  	_ =	shalt  }
0x5e: {  	_ =	shalt  }
0x5f: {  	_ =	shalt  }
0x60: {  	_ =	shalt  }
0x61: {  	_ =	shalt  }
0x62: {  	_ =	shalt  }
0x63: {  	_ =	shalt  }
0x64: {  	_ =	shalt  }
0x65: {  	_ =	shalt  }
0x66: {  	_ =	shalt  }
0x67: {  	_ =	shalt  }
0x68: {  	_ =	shalt  }
0x69: {  	_ =	shalt  }
0x6a: {  	_ =	shalt  }
0x6b: {  	_ =	shalt  }
0x6c: {  	_ =	shalt  }
0x6d: {  	_ =	shalt  }
0x6e: {  	_ =	shalt  }
0x6f: {  	_ =	shalt  }
0x70: {  	_ =	shalt  }
0x71: {  	_ =	shalt  }
0x72: {  	_ =	shalt  }
0x73: {  	_ =	shalt  }
0x74: {  	_ =	shalt  }
0x75: {  	_ =	shalt  }
0x76: {  	_ =	shalt  }
0x77: {  	_ =	shalt  }
0x78: {  	_ =	shalt  }
0x79: {  	_ =	shalt  }
0x7a: {  	_ =	shalt  }
0x7b: {  	_ =	shalt  }
0x7c: {  	_ =	shalt  }
0x7d: {  	_ =	shalt  }
0x7e: {  	_ =	shalt  }
0x7f: {  	_ =	shalt  }
0x80: {  	_ =	shalt  }
0x81: {  	_ =	shalt  }
0x82: {  	_ =	shalt  }
0x83: {  	_ =	shalt  }
0x84: {  	_ =	shalt  }
0x85: {  	_ =	shalt  }
0x86: {  	_ =	shalt  }
0x87: {  	_ =	shalt  }
.Lfunc_end0:
.L_simem_size_0:
called_computation.1_lowered:
.L_overlay_start_0:
0x88: {  	s2 =	sld [smem:$0x3FD9]  }
0x89: {  	s3 =	sld [smem:$0x3FFE];
	_ =	sdelay $0x1  }
0x8a: {  	s1 =	srdreg.scid  }
0x8b: {  	s0 =	sand.u32 $0x1, s1  }
0x8c: {  	s17 =	sshll.u32 s0, $0xA;
	s2 =	sadd.s32 s3, s2  }
0x8d: {  	s2 =	sadd.s32 s2, s17  }
0x8e: {  	[smem:$0x3FC2] =	sst s2  }
0x8f: {  	_ = 	snop  }
0x90: {  	s2 =	sld [smem:$0x3FC9]  }
0x91: {  	s18 =	sld [smem:$0x3FC8]  }
0x92: {  	s4 =	sld [smem:$0x3FC7]  }
0x93: {  	s5 =	sld [smem:$0x3FC6]  }
0x94: {  	s6 =	sld [smem:$0x3FD0];
	(tm) =	ssettm $0x1  }
0x95: {  	s7 =	sld [smem:$0x3FFB];
	_ =	sdelay $0x3  }
0x96: {  	_ =	strace s7  }
0x97: {  	s7 =	sld [smem:$0x3FFC];
	_ =	sdelay $0x3  }
0x98: {  	_ =	strace s7  }
0x99: {  	s7 =	sld [smem:$0x3FFD];
	_ =	sdelay $0x3  }
0x9a: {  	_ =	strace s7  }
0x9b: {  	_ =	strace $0x8FFFFFFF  }
0x9c: {  	s19 =	sld [smem:$0x3FDB];
	_ =	sdelay $0x1  }
0x9d: {  	s8 =	simm.s32 $_scs_section_size  }
0x9e: {  	s9 =	simm.s32 $_size__tile_overlayer_lowered;
	s10 =	simm.s32 $_tile_overlayer_lowered  }
0x9f: {  	s22 =	simm.s32 $0x1BFF;
	s21 =	sshll.u32 s10, $0x1;
	s7 =	sadd.s32 s8, s19  }
0xa0: {  	s11 =	simm.s32 $0x0;
	s20 =	sshll.u32 s9, $0x1;
	s9 =	sadd.s32 s21, s7  }
0xa1: {  	[timem:s11], [sflag:s22] =	dma.local [hbm:s9], s20  }
0xa2: {  	_ =	swait.ge [sflag:s22], s20  }
0xa3: {  	s8 =	ssub.s32 $0x0, s20;
	[sflag:s22] =	ssyncset.done $0x0  }
0xa4: {  	[sflag:s22] =	ssyncadd.s32 s8;
	_ =	sdelay $0x1  }
0xa5: {  	s23 =	simm.s32 $0x1B8B  }
0xa6: {  	_ =	swait.ge [sflag:s23], $0x1  }
0xa7: {  	[sflag:s23] =	ssyncset.done $0x0  }
0xa8: {  	s25 =	simm.s32 $0x1B8E;
	s24 =	sld [smem:$0x3FFE];
	[sflag:s23] =	ssyncadd.s32 $0xFFFFFFFF  }
0xa9: {  	s26 =	simm.s32 $execute0_lowered;
	[smem:$0x3FD2] =	sst s25  }
0xaa: {  	s9 =	sshll.u32 s26, $0x1;
	_ =	strace $0x80000049;
	[dreg:$0x1] =	wrdreg $0xFFFFFFFF  }
0xab: {  	s28 =	simm.s32 $_size_execute0_lowered;
	s7 =	sadd.s32 s7, s9;
	[dreg:$0x0] =	wrdreg $0x0  }
0xac: {  	s9 =	sshll.u32 s28, $0x1;
	[dreg:$0x2] =	wrdreg s7  }
0xad: {  	[dreg:$0x3] =	wrdreg s9  }
0xae: {  	[dreg:$0x4] =	wrdreg $0xC0  }
0xaf: {  	_ =	task [dreg:s11], $0x5FFFF  }
0xb0: {  	[dreg:$0x1] =	wrdreg $0xFFFFFFFF  }
0xb1: {  	[dreg:$0x0] =	wrdreg $0x60  }
0xb2: {  	[dreg:$0x2] =	wrdreg s2  }
0xb3: {  	[dreg:$0x3] =	wrdreg s18  }
0xb4: {  	[dreg:$0x4] =	wrdreg s4  }
0xb5: {  	[dreg:$0x5] =	wrdreg s5  }
0xb6: {  	[dreg:$0x6] =	wrdreg s24  }
0xb7: {  	[dreg:$0x7] =	wrdreg s6  }
0xb8: {  	[dreg:$0x8] =	wrdreg $0x9  }
0xb9: {  	_ =	task.clear_ibuf [dreg:s11], $0x9FFFF;
	_ =	strace $0x90000049  }
0xba: {  	s29 =	simm.s32 $0x9;
	_ =	strace $0x8000004B  }
0xbb: {  	_ =	swait.ge [sflag:s29], $0x1  }
0xbc: {  	[sflag:s29] =	ssyncadd.s32 $0xFFFFFFFF  }
0xbd: {  	_ =	strace $0x9000004B  }
0xbe: {  	_ =	sfence  }
0xbf: {  	s30 =	sld [smem:$0x0];
	_ =	sdelay $0x2  }
0xc0: {  	s31 =	sshll.u32 s1, $0xD;
	s1 =	sshrl.u32 s1, $0x2  }
0xc1: {  	s3 =	sand.u32 $0x4000, s31;
	s1 =	sadd.s32 s1, s30  }
0xc2: {  	s0 =	sor.u32 s3, s0;
	s1 =	sshll.u32 s1, $0x11  }
0xc3: {  	s0 =	sor.u32 s1, s0  }
0xc4: {  	s0 =	sadd.s32 $0x8F2B, s0  }
0xc5: {  	[sflag:s0] =	ssyncadd.remote.s32 $0x1  }
0xc6: {  	_ =	sfence.sel $0xFFFF  }
0xc7: {  	[dreg:$0x0] =	wrdreg $0xFFFFFFFF;
	(pc) =	sbr.abs _section_cstart, $3  }
0xc8: {  	[dreg:$0x1] =	wrdreg $0xFFFFFFFF  }
0xc9: {  	_ =	task.clear_ibuf [dreg:s11], $0x2FFFF;
	_ =	strace $0x9FFFFFFF  }
0xca: {  	(tm) =	ssettm $0x7FFFFFFF  }
0xcb: {  	_ =	shalt  }
tec
execute0_lowered:
.L_overlay_start_1:
0x0: {  	(tag) =	ssettag $0x1  }
0x1: {  	s0 =	rddreg [dreg:$0x0]  }
0x2: {  	s2 =	rddreg [dreg:$0x1]  }
0x3: {  	s5 =	rddreg [dreg:$0x2]  }
0x4: {  	s6 =	rddreg [dreg:$0x3]  }
0x5: {  	s4 =	rddreg [dreg:$0x4]  }
0x6: {  	s7 =	rddreg [dreg:$0x5];
	s1 =	simm.s32 $0x0  }
0x7: {  	s8 =	srdreg.scid;
	s10 =	stileid.u32;
	s28 =	simm.s32 $0x80  }
0x8: {  	s31 =	simm.s32 $0x280;
	s12 =	simm.s32 $0x680;
	s13 =	simm.s32 $0x100  }
0x9: {  	[smem:$0x7FF] =	sst s1;
	s3 =	sadd.s32 $0x3D1400, s4;
	s8 =	sand.u32 $0x1, s8  }
0xa: {  	s10 =	sshll.u32 s10, $0x7;
	s9 =	ssub.s32 $0x2, s8;
	s8 =	sshll.u32 s8, $0x6  }
0xb: {  	s4 =	sadd.s32 $0x1E8E00, s4;
	s11 =	sshrl.u32 s9, $0x1;
	s8 =	sor.u32 s8, s10  }
0xc: {  	_ =	strace $0x8000004A;
	s9 =	ssub.s32 s9, s11;
	s10 =	sadd.s32 s0, s8  }
0xd: {  	s14 =	sadd.s32 s2, s8;
	s15 =	sadd.s32 s5, s8;
	[dreg:$0x7] =	wrdreg s10  }
0xe: {  	s16 =	sadd.s32 s6, s8;
	s17 =	sor.u32 $0x10, s8;
	[dreg:$0x8] =	wrdreg s14  }
0xf: {  	s24 =	sor.u32 $0x30, s8;
	s11 =	simm.s32 $0x480;
	[dreg:$0x9] =	wrdreg s15  }
0x10: {  	[dreg:$0xa] =	wrdreg s16;
	s18 =	sadd.s32 s0, s17;
	s19 =	sadd.s32 s2, s17  }
0x11: {  	s16 =	sor.u32 $0x20, s8;
	s20 =	sadd.s32 s5, s17;
	[dreg:$0xb] =	wrdreg s18  }
0x12: {  	s10 =	sadd.s32 s6, s17;
	s26 =	sadd.s32 s2, s24;
	[dreg:$0xc] =	wrdreg s19  }
0x13: {  	s29 =	sadd.s32 s5, s24;
	s30 =	sadd.s32 s6, s24;
	[dreg:$0xd] =	wrdreg s20  }
0x14: {  	s14 =	simm.s32 $0x300;
	s15 =	simm.s32 $0x500;
	[dreg:$0xe] =	wrdreg s10  }
0x15: {  	s17 =	simm.s32 $0x180;
	s21 =	sadd.s32 s0, s16;
	[dreg:$0x14] =	wrdreg s26  }
0x16: {  	s22 =	sadd.s32 s2, s16;
	s23 =	sadd.s32 s5, s16;
	[dreg:$0x15] =	wrdreg s29  }
0x17: {  	s25 =	sadd.s32 s6, s16;
	s0 =	sadd.s32 s0, s24;
	[dreg:$0x16] =	wrdreg s30  }
0x18: {  	s5 =	simm.s32 $0x1;
	s6 =	simm.s32 $0x10800;
	[dreg:$0xf] =	wrdreg s21  }
0x19: {  	s2 =	simm.s32 $0x14800;
	s24 =	simm.s32 $0x0;
	[dreg:$0x10] =	wrdreg s22  }
0x1a: {  	v0 =	vlaneseq.u32;
	s16 =	simm.s32 $0x700;
	s18 =	simm.s32 $0x380;
	[dreg:$0x11] =	wrdreg s23  }
0x1b: {  	v2 =	vmul.u32 $0x20, v0;
	s19 =	simm.s32 $0x580;
	s20 =	simm.s32 $0x780;
	[dreg:$0x12] =	wrdreg s25  }
0x1c: {  	[dreg:$0x13] =	wrdreg s0;
	s21 =	sadd.s32 s7, s8;
	s22 =	smax.u32 s9, $0x1  }
0x1d: {  	[tilespmem:$0x1FFF0] =	vst v2;
	s23 =	simm.s32 $0x2;
	s0 =	simm.s32 $0xC800;
	s7 =	simm.s32 $0x8800  }
.LBB2_1:
0x1e: {  	s8 =	rddreg [dreg:$0x7]  }
0x1f: {  	[tilespmem:s1], [sflag:$0x2] =	stream.linear.gather [hbm4b:s8+s1], $0x80, $0x38;
	[tilespmem:$0x18A00] =	vst v63  }
0x20: {  	_ =	swait.ge [sflag:s23], $0x80  }
0x21: {  	[sflag:s23] =	ssyncset.done $0x0  }
0x22: {  	s10 =	simm.s32 $0x200;
	s9 =	rddreg [dreg:$0x8];
	[sflag:s23] =	ssyncadd.s32 $0xFFFFFF80  }
0x23: {  	[tilespmem:s10], [sflag:$0x2] =	stream.linear.gather [hbm4b:s9+s1], $0x80, $0x38;
	[tilespmem:$0x18A00] =	vst v63  }
0x24: {  	_ =	swait.ge [sflag:s23], $0x80  }
0x25: {  	[sflag:s23] =	ssyncset.done $0x0  }
0x26: {  	s29 =	simm.s32 $0x400;
	s25 =	rddreg [dreg:$0x9];
	[sflag:s23] =	ssyncadd.s32 $0xFFFFFF80  }
0x27: {  	[tilespmem:s29], [sflag:$0x2] =	stream.linear.gather [hbm4b:s25+s1], $0x80, $0x38;
	[tilespmem:$0x18A00] =	vst v63  }
0x28: {  	_ =	swait.ge [sflag:s23], $0x80  }
0x29: {  	[sflag:s23] =	ssyncset.done $0x0  }
0x2a: {  	s30 =	simm.s32 $0x600;
	s26 =	rddreg [dreg:$0xa];
	[sflag:s23] =	ssyncadd.s32 $0xFFFFFF80  }
0x2b: {  	[tilespmem:s30], [sflag:$0x2] =	stream.linear.gather [hbm4b:s26+s1], $0x80, $0x38;
	[tilespmem:$0x18A00] =	vst v63  }
0x2c: {  	_ =	swait.ge [sflag:s23], $0x80  }
0x2d: {  	[sflag:s23] =	ssyncset.done $0x0  }
0x2e: {  	s9 =	rddreg [dreg:$0xb];
	[sflag:s23] =	ssyncadd.s32 $0xFFFFFF80  }
0x2f: {  	[tilespmem:s28], [sflag:$0x2] =	stream.linear.gather [hbm4b:s9+s1], $0x80, $0x38;
	[tilespmem:$0x18A00] =	vst v63  }
0x30: {  	_ =	swait.ge [sflag:s23], $0x80  }
0x31: {  	[sflag:s23] =	ssyncset.done $0x0  }
0x32: {  	s25 =	rddreg [dreg:$0xc];
	[sflag:s23] =	ssyncadd.s32 $0xFFFFFF80  }
0x33: {  	[tilespmem:s31], [sflag:$0x2] =	stream.linear.gather [hbm4b:s25+s1], $0x80, $0x38;
	[tilespmem:$0x18A00] =	vst v63  }
0x34: {  	_ =	swait.ge [sflag:s23], $0x80  }
0x35: {  	[sflag:s23] =	ssyncset.done $0x0  }
0x36: {  	s26 =	rddreg [dreg:$0xd];
	[sflag:s23] =	ssyncadd.s32 $0xFFFFFF80  }
0x37: {  	[tilespmem:s11], [sflag:$0x2] =	stream.linear.gather [hbm4b:s26+s1], $0x80, $0x38;
	[tilespmem:$0x18A00] =	vst v63  }
0x38: {  	_ =	swait.ge [sflag:s23], $0x80  }
0x39: {  	[sflag:s23] =	ssyncset.done $0x0  }
0x3a: {  	s9 =	rddreg [dreg:$0xe];
	[sflag:s23] =	ssyncadd.s32 $0xFFFFFF80  }
0x3b: {  	[tilespmem:s12], [sflag:$0x2] =	stream.linear.gather [hbm4b:s9+s1], $0x80, $0x38;
	[tilespmem:$0x18A00] =	vst v63  }
0x3c: {  	_ =	swait.ge [sflag:s23], $0x80  }
0x3d: {  	[sflag:s23] =	ssyncset.done $0x0  }
0x3e: {  	s25 =	rddreg [dreg:$0xf];
	[sflag:s23] =	ssyncadd.s32 $0xFFFFFF80  }
0x3f: {  	[tilespmem:s13], [sflag:$0x2] =	stream.linear.gather [hbm4b:s25+s1], $0x80, $0x38;
	[tilespmem:$0x18A00] =	vst v63  }
0x40: {  	_ =	swait.ge [sflag:s23], $0x80  }
0x41: {  	[sflag:s23] =	ssyncset.done $0x0  }
0x42: {  	s26 =	rddreg [dreg:$0x10];
	[sflag:s23] =	ssyncadd.s32 $0xFFFFFF80  }
0x43: {  	[tilespmem:s14], [sflag:$0x2] =	stream.linear.gather [hbm4b:s26+s1], $0x80, $0x38;
	[tilespmem:$0x18A00] =	vst v63  }
0x44: {  	_ =	swait.ge [sflag:s23], $0x80  }
0x45: {  	[sflag:s23] =	ssyncset.done $0x0  }
0x46: {  	s9 =	rddreg [dreg:$0x11];
	[sflag:s23] =	ssyncadd.s32 $0xFFFFFF80  }
0x47: {  	[tilespmem:s15], [sflag:$0x2] =	stream.linear.gather [hbm4b:s9+s1], $0x80, $0x38;
	[tilespmem:$0x18A00] =	vst v63  }
0x48: {  	_ =	swait.ge [sflag:s23], $0x80  }
0x49: {  	[sflag:s23] =	ssyncset.done $0x0  }
0x4a: {  	s25 =	rddreg [dreg:$0x12];
	[sflag:s23] =	ssyncadd.s32 $0xFFFFFF80  }
0x4b: {  	[tilespmem:s16], [sflag:$0x2] =	stream.linear.gather [hbm4b:s25+s1], $0x80, $0x38;
	[tilespmem:$0x18A00] =	vst v63  }
0x4c: {  	_ =	swait.ge [sflag:s23], $0x80  }
0x4d: {  	[sflag:s23] =	ssyncset.done $0x0  }
0x4e: {  	s26 =	rddreg [dreg:$0x13];
	[sflag:s23] =	ssyncadd.s32 $0xFFFFFF80  }
0x4f: {  	[tilespmem:s17], [sflag:$0x2] =	stream.linear.gather [hbm4b:s26+s1], $0x80, $0x38;
	[tilespmem:$0x18A00] =	vst v63  }
0x50: {  	_ =	swait.ge [sflag:s23], $0x80  }
0x51: {  	[sflag:s23] =	ssyncset.done $0x0  }
0x52: {  	s9 =	rddreg [dreg:$0x14];
	[sflag:s23] =	ssyncadd.s32 $0xFFFFFF80  }
0x53: {  	[tilespmem:s18], [sflag:$0x2] =	stream.linear.gather [hbm4b:s9+s1], $0x80, $0x38;
	[tilespmem:$0x18A00] =	vst v63  }
0x54: {  	_ =	swait.ge [sflag:s23], $0x80  }
0x55: {  	[sflag:s23] =	ssyncset.done $0x0  }
0x56: {  	s25 =	rddreg [dreg:$0x15];
	[sflag:s23] =	ssyncadd.s32 $0xFFFFFF80  }
0x57: {  	[tilespmem:s19], [sflag:$0x2] =	stream.linear.gather [hbm4b:s25+s1], $0x80, $0x38;
	[tilespmem:$0x18A00] =	vst v63  }
0x58: {  	_ =	swait.ge [sflag:s23], $0x80  }
0x59: {  	[sflag:s23] =	ssyncset.done $0x0  }
0x5a: {  	s26 =	rddreg [dreg:$0x16];
	[sflag:s23] =	ssyncadd.s32 $0xFFFFFF80  }
0x5b: {  	[tilespmem:s20], [sflag:$0x2] =	stream.linear.gather [hbm4b:s26+s1], $0x80, $0x38;
	[tilespmem:$0x18A00] =	vst v63  }
0x5c: {  	_ =	swait.ge [sflag:s23], $0x80  }
0x5d: {  	[sflag:s23] =	ssyncset.done $0x0  }
0x5e: {  	s9 =	simm.s32 $0x800;
	[sflag:s23] =	ssyncadd.s32 $0xFFFFFF80  }
0x5f: {  	[tilespmem:s9], [sflag:$0x1] =	stream.indirect.gather [hbm4b:s4+s28], $0x10, s1, s28, $0xb8;
	[tilespmem:$0x18A00] =	vst v63  }
0x60: {  	s26 =	simm.s32 $0x2800  }
0x61: {  	[tilespmem:s26], [sflag:$0x1] =	stream.indirect.gather [hbm4b:s3+s28], $0x10, s10, s28, $0xb8;
	[tilespmem:$0x18A00] =	vst v63  }
0x62: {  	s25 =	simm.s32 $0x4800  }
0x63: {  	[tilespmem:s25], [sflag:$0x1] =	stream.indirect.gather [hbm4b:s3+s28], $0x10, s29, s28, $0xb8;
	[tilespmem:$0x18A00] =	vst v63  }
0x64: {  	s8 =	simm.s32 $0x6800  }
0x65: {  	[tilespmem:s8], [sflag:$0x1] =	stream.indirect.gather [hbm4b:s3+s28], $0x10, s30, s28, $0xb8;
	[tilespmem:$0x18A00] =	vst v63  }
0x66: {  	s30 =	simm.s32 $0x1000  }
0x67: {  	[tilespmem:s30], [sflag:$0x1] =	stream.indirect.gather [hbm4b:s4+s28], $0x10, s28, s28, $0xb8;
	[tilespmem:$0x18A00] =	vst v63  }
0x68: {  	s30 =	simm.s32 $0x3000  }
0x69: {  	[tilespmem:s30], [sflag:$0x1] =	stream.indirect.gather [hbm4b:s3+s28], $0x10, s31, s28, $0xb8;
	[tilespmem:$0x18A00] =	vst v63  }
0x6a: {  	s30 =	simm.s32 $0x5000  }
0x6b: {  	[tilespmem:s30], [sflag:$0x1] =	stream.indirect.gather [hbm4b:s3+s28], $0x10, s11, s28, $0xb8;
	[tilespmem:$0x18A00] =	vst v63  }
0x6c: {  	s30 =	simm.s32 $0x7000  }
0x6d: {  	[tilespmem:s30], [sflag:$0x1] =	stream.indirect.gather [hbm4b:s3+s28], $0x10, s12, s28, $0xb8;
	[tilespmem:$0x18A00] =	vst v63  }
0x6e: {  	s30 =	simm.s32 $0x1800  }
0x6f: {  	[tilespmem:s30], [sflag:$0x1] =	stream.indirect.gather [hbm4b:s4+s28], $0x10, s13, s28, $0xb8;
	[tilespmem:$0x18A00] =	vst v63  }
0x70: {  	s30 =	simm.s32 $0x3800  }
0x71: {  	[tilespmem:s30], [sflag:$0x1] =	stream.indirect.gather [hbm4b:s3+s28], $0x10, s14, s28, $0xb8;
	[tilespmem:$0x18A00] =	vst v63  }
0x72: {  	s30 =	simm.s32 $0x5800  }
0x73: {  	[tilespmem:s30], [sflag:$0x1] =	stream.indirect.gather [hbm4b:s3+s28], $0x10, s15, s28, $0xb8;
	[tilespmem:$0x18A00] =	vst v63  }
0x74: {  	s30 =	simm.s32 $0x7800  }
0x75: {  	[tilespmem:s30], [sflag:$0x1] =	stream.indirect.gather [hbm4b:s3+s28], $0x10, s16, s28, $0xb8;
	[tilespmem:$0x18A00] =	vst v63  }
0x76: {  	s30 =	simm.s32 $0x2000  }
0x77: {  	[tilespmem:s30], [sflag:$0x1] =	stream.indirect.gather [hbm4b:s4+s28], $0x10, s17, s28, $0xb8;
	[tilespmem:$0x18A00] =	vst v63  }
0x78: {  	s30 =	simm.s32 $0x4000  }
0x79: {  	[tilespmem:s30], [sflag:$0x1] =	stream.indirect.gather [hbm4b:s3+s28], $0x10, s18, s28, $0xb8;
	[tilespmem:$0x18A00] =	vst v63  }
0x7a: {  	s30 =	simm.s32 $0x6000  }
0x7b: {  	[tilespmem:s30], [sflag:$0x1] =	stream.indirect.gather [hbm4b:s3+s28], $0x10, s19, s28, $0xb8;
	[tilespmem:$0x18A00] =	vst v63  }
0x7c: {  	s30 =	simm.s32 $0x8000  }
0x7d: {  	[tilespmem:s30], [sflag:$0x1] =	stream.indirect.gather [hbm4b:s3+s28], $0x10, s20, s28, $0xb8;
	[tilespmem:$0x18A00] =	vst v63  }
0x7e: {  	_ =	swait.ge [sflag:s5], $0x800  }
0x7f: {  	[sflag:s5] =	ssyncset.done $0x0  }
0x80: {  	[sflag:s5] =	ssyncadd.s32 $0xFFFFF800  }
0x81: {  	_ =	swait.ge [sflag:s5], $0x800  }
0x82: {  	[sflag:s5] =	ssyncset.done $0x0  }
0x83: {  	[sflag:s5] =	ssyncadd.s32 $0xFFFFF800  }
0x84: {  	_ =	swait.ge [sflag:s5], $0x800  }
0x85: {  	[sflag:s5] =	ssyncset.done $0x0  }
0x86: {  	[sflag:s5] =	ssyncadd.s32 $0xFFFFF800  }
0x87: {  	_ =	swait.ge [sflag:s5], $0x800  }
0x88: {  	[sflag:s5] =	ssyncset.done $0x0  }
0x89: {  	[sflag:s5] =	ssyncadd.s32 $0xFFFFF800  }
0x8a: {  	_ =	swait.ge [sflag:s5], $0x800  }
0x8b: {  	[sflag:s5] =	ssyncset.done $0x0  }
0x8c: {  	[sflag:s5] =	ssyncadd.s32 $0xFFFFF800  }
0x8d: {  	_ =	swait.ge [sflag:s5], $0x800  }
0x8e: {  	[sflag:s5] =	ssyncset.done $0x0  }
0x8f: {  	[sflag:s5] =	ssyncadd.s32 $0xFFFFF800  }
0x90: {  	_ =	swait.ge [sflag:s5], $0x800  }
0x91: {  	[sflag:s5] =	ssyncset.done $0x0  }
0x92: {  	[sflag:s5] =	ssyncadd.s32 $0xFFFFF800  }
0x93: {  	_ =	swait.ge [sflag:s5], $0x800  }
0x94: {  	[sflag:s5] =	ssyncset.done $0x0  }
0x95: {  	[sflag:s5] =	ssyncadd.s32 $0xFFFFF800  }
0x96: {  	_ =	swait.ge [sflag:s5], $0x800  }
0x97: {  	[sflag:s5] =	ssyncset.done $0x0  }
0x98: {  	[sflag:s5] =	ssyncadd.s32 $0xFFFFF800  }
0x99: {  	_ =	swait.ge [sflag:s5], $0x800  }
0x9a: {  	[sflag:s5] =	ssyncset.done $0x0  }
0x9b: {  	[sflag:s5] =	ssyncadd.s32 $0xFFFFF800  }
0x9c: {  	_ =	swait.ge [sflag:s5], $0x800  }
0x9d: {  	[sflag:s5] =	ssyncset.done $0x0  }
0x9e: {  	[sflag:s5] =	ssyncadd.s32 $0xFFFFF800  }
0x9f: {  	_ =	swait.ge [sflag:s5], $0x800  }
0xa0: {  	[sflag:s5] =	ssyncset.done $0x0  }
0xa1: {  	[sflag:s5] =	ssyncadd.s32 $0xFFFFF800  }
0xa2: {  	_ =	swait.ge [sflag:s5], $0x800  }
0xa3: {  	[sflag:s5] =	ssyncset.done $0x0  }
0xa4: {  	[sflag:s5] =	ssyncadd.s32 $0xFFFFF800  }
0xa5: {  	_ =	swait.ge [sflag:s5], $0x800  }
0xa6: {  	[sflag:s5] =	ssyncset.done $0x0  }
0xa7: {  	[sflag:s5] =	ssyncadd.s32 $0xFFFFF800  }
0xa8: {  	_ =	swait.ge [sflag:s5], $0x800  }
0xa9: {  	[sflag:s5] =	ssyncset.done $0x0  }
0xaa: {  	[sflag:s5] =	ssyncadd.s32 $0xFFFFF800  }
0xab: {  	_ =	swait.ge [sflag:s5], $0x800  }
0xac: {  	[sflag:s5] =	ssyncset.done $0x0  }
0xad: {  	[sflag:s5] =	ssyncadd.s32 $0xFFFFF800  }
0xae: {  	v0 =	vld [tilespmem:s9+$0x0];
	_ =	sdelay $0x4  }
0xaf: {  	s30 =	simm.s32 $0x0;
	v1 =	vshll.u32 v0, $0x10  }
0xb0: {  	v0 =	vand.u32 $0xFFFF0000, v0;
	[tilespmem:s30+$0x8800] =	vst v1  }
0xb1: {  	[tilespmem:s30+$0x8810] =	vst v0  }
0xb2: {  	v0 =	vld [tilespmem:s26+$0x0];
	_ =	sdelay $0x4  }
0xb3: {  	v1 =	vshll.u32 v0, $0x10  }
0xb4: {  	v0 =	vand.u32 $0xFFFF0000, v0;
	[tilespmem:s30+$0xC800] =	vst v1  }
0xb5: {  	[tilespmem:s30+$0xC810] =	vst v0  }
0xb6: {  	v0 =	vld [tilespmem:s25+$0x0];
	_ =	sdelay $0x4  }
0xb7: {  	v1 =	vand.u32 $0xFFFF0000, v0  }
0xb8: {  	v0 =	vshll.u32 v0, $0x10;
	[tilespmem:s30+$0x10810] =	vst v1  }
0xb9: {  	[tilespmem:s30+$0x10800] =	vst v0  }
0xba: {  	v0 =	vld [tilespmem:s8+$0x0];
	_ =	sdelay $0x4  }
0xbb: {  	v1 =	vshll.u32 v0, $0x10  }
0xbc: {  	v0 =	vand.u32 $0xFFFF0000, v0;
	[tilespmem:s30+$0x14800] =	vst v1  }
0xbd: {  	s29 =	simm.s32 $0x810;
	[tilespmem:s30+$0x14810] =	vst v0  }
0xbe: {  	v0 =	vld [tilespmem:s29+$0x0];
	_ =	sdelay $0x1  }
0xbf: {  	s10 =	simm.s32 $0x100;
	s9 =	simm.s32 $0x80  }
.LBB2_2:
0xc0: {  	p0 =	sne.s32 s10, $0xFF80;
	_ =	sdelay $0x1  }
0xc1: {  	s30 =	sshra.s32 s9, $0x2;
	s9 =	smov.u32 s10;
	v1 =	vshll.u32 v0, $0x10  }
0xc2: {  	v0 =	vand.u32 $0xFFFF0000, v0;
	[tilespmem:s30+$0x8800] =	vst v1  }
0xc3: {  	s26 =	sadd.s32 $0x10, s26;
	[tilespmem:s30+$0x8810] =	vst v0  }
0xc4: {  	v0 =	vld [tilespmem:s26+$0x0];
	_ =	sdelay $0x4  }
0xc5: {  	v1 =	vshll.u32 v0, $0x10  }
0xc6: {  	v0 =	vand.u32 $0xFFFF0000, v0;
	[tilespmem:s30+$0xC800] =	vst v1  }
0xc7: {  	s25 =	sadd.s32 $0x10, s25;
	[tilespmem:s30+$0xC810] =	vst v0  }
0xc8: {  	v0 =	vld [tilespmem:s25+$0x0];
	_ =	sdelay $0x4  }
0xc9: {  	v1 =	vshll.u32 v0, $0x10;
	v0 =	vand.u32 $0xFFFF0000, v0  }
0xca: {  	[tilespmem:s30+$0x10810] =	vst v0  }
0xcb: {  	s8 =	sadd.s32 $0x10, s8;
	[tilespmem:s30+$0x10800] =	vst v1  }
0xcc: {  	v0 =	vld [tilespmem:s8+$0x0];
	_ =	sdelay $0x4  }
0xcd: {  	v1 =	vshll.u32 v0, $0x10;
	v0 =	vand.u32 $0xFFFF0000, v0  }
.Ltmp0:
0xce: {  	[tilespmem:s30+$0x14800] =	vst v1;
	(pc) =	sbr.rel @p0 .LBB2_2-.Ltmp0, $3  }
0xcf: {  	s29 =	sadd.s32 $0x10, s29;
	[tilespmem:s30+$0x14810] =	vst v0  }
0xd0: {  	v0 =	vld [tilespmem:s29+$0x0];
	_ =	sdelay $0x1  }
0xd1: {  	s10 =	sadd.s32 $0x80, s10  }
0xd2: {  	_ =	sdelay $0x1  }
0xd3: {  	s9 =	sshra.s32 s9, $0x2;
	v1 =	vshll.u32 v0, $0x10  }
0xd4: {  	v0 =	vand.u32 $0xFFFF0000, v0;
	[tilespmem:s9+$0x8800] =	vst v1  }
0xd5: {  	s10 =	sadd.s32 $0x10, s26;
	[tilespmem:s9+$0x8810] =	vst v0  }
0xd6: {  	v0 =	vld [tilespmem:s10+$0x0];
	_ =	sdelay $0x4  }
0xd7: {  	v1 =	vshll.u32 v0, $0x10  }
0xd8: {  	v0 =	vand.u32 $0xFFFF0000, v0;
	[tilespmem:s9+$0xC800] =	vst v1  }
0xd9: {  	s26 =	sadd.s32 $0x10, s25;
	[tilespmem:s9+$0xC810] =	vst v0  }
0xda: {  	v0 =	vld [tilespmem:s26+$0x0];
	_ =	sdelay $0x4  }
0xdb: {  	v1 =	vand.u32 $0xFFFF0000, v0  }
0xdc: {  	v0 =	vshll.u32 v0, $0x10;
	[tilespmem:s9+$0x10810] =	vst v1  }
0xdd: {  	s8 =	sadd.s32 $0x10, s8;
	s29 =	simm.s32 $0x0;
	[tilespmem:s9+$0x10800] =	vst v0  }
0xde: {  	v1 =	vmov s29;
	v0 =	vld [tilespmem:s8+$0x0]  }
0xdf: {  	v1 =	vshll.u32 v1, $0x5  }
0xe0: {  	v13 =	vor.u32 v2, v1  }
0xe1: {  	v1 =	vor.u32 $0x1F, v13;
	_ =	sdelay $0x1  }
0xe2: {  	v4 =	vor.u32 $0x1E, v13;
	v3 =	vshll.u32 v0, $0x10  }
0xe3: {  	v0 =	vand.u32 $0xFFFF0000, v0;
	[tilespmem:s9+$0x14800] =	vst v3  }
0xe4: {  	v5 =	vor.u32 $0x1C, v13;
	[tilespmem:s9+$0x14810] =	vst v0  }
0xe5: {  	v21 =	vld.idx.msk [tilespmem:v1+s7+$0x0], $0xffff  }
0xe6: {  	v62 =	vor.u32 $0x1A, v13;
	[tilespmem:$0x1FEA0] =	vst v1;
	v1 =	vld.idx.msk [tilespmem:v1+s2+$0x0], $0xffff  }
0xe7: {  	v20 =	vld.idx.msk [tilespmem:v4+s7+$0x0], $0xffff  }
0xe8: {  	v63 =	vor.u32 $0x18, v13;
	v3 =	vld.idx.msk [tilespmem:v4+s2+$0x0], $0xffff  }
0xe9: {  	v24 =	vld.idx.msk [tilespmem:v5+s7+$0x0], $0xffff  }
0xea: {  	v33 =	vor.u32 $0x16, v13;
	v25 =	vld.idx.msk [tilespmem:v5+s2+$0x0], $0xffff  }
0xeb: {  	v31 =	vld.idx.msk [tilespmem:v62+s7+$0x0], $0xffff  }
0xec: {  	v35 =	vor.u32 $0x14, v13;
	v32 =	vld.idx.msk [tilespmem:v62+s2+$0x0], $0xffff  }
0xed: {  	v38 =	vld.idx.msk [tilespmem:v63+s7+$0x0], $0xffff  }
0xee: {  	v37 =	vor.u32 $0x12, v13;
	v40 =	vld.idx.msk [tilespmem:v63+s2+$0x0], $0xffff  }
0xef: {  	v43 =	vld.idx.msk [tilespmem:v33+s7+$0x0], $0xffff  }
0xf0: {  	v39 =	vor.u32 $0x10, v13;
	v44 =	vld.idx.msk [tilespmem:v33+s2+$0x0], $0xffff  }
0xf1: {  	v47 =	vld.idx.msk [tilespmem:v35+s7+$0x0], $0xffff  }
0xf2: {  	v23 =	vor.u32 $0xF, v13;
	v48 =	vld.idx.msk [tilespmem:v35+s2+$0x0], $0xffff  }
0xf3: {  	v51 =	vld.idx.msk [tilespmem:v37+s7+$0x0], $0xffff  }
0xf4: {  	v26 =	vor.u32 $0xE, v13;
	v52 =	vld.idx.msk [tilespmem:v37+s2+$0x0], $0xffff  }
0xf5: {  	v55 =	vld.idx.msk [tilespmem:v39+s7+$0x0], $0xffff  }
0xf6: {  	v28 =	vor.u32 $0xD, v13;
	v56 =	vld.idx.msk [tilespmem:v39+s2+$0x0], $0xffff  }
0xf7: {  	v30 =	vor.u32 $0xC, v13;
	v57 =	vld.idx.msk [tilespmem:v23+s7+$0x0], $0xffff  }
0xf8: {  	v58 =	vld.idx.msk [tilespmem:v23+s2+$0x0], $0xffff  }
0xf9: {  	v2 =	vor.u32 $0x6, v13;
	v59 =	vld.idx.msk [tilespmem:v26+s7+$0x0], $0xffff  }
0xfa: {  	v0 =	vor.u32 $0x1D, v13;
	v60 =	vld.idx.msk [tilespmem:v26+s2+$0x0], $0xffff  }
0xfb: {  	v19 =	vld.idx.msk [tilespmem:v28+s2+$0x0], $0xffff  }
0xfc: {  	[tilespmem:$0x1FDF0] =	vst v35;
	v35 =	vor.u32 $0x1, v13;
	v17 =	vld.idx.msk [tilespmem:v30+s7+$0x0], $0xffff  }
0xfd: {  	[tilespmem:$0x1FE70] =	vst v5;
	v14 =	vld.idx.msk [tilespmem:v30+s2+$0x0], $0xffff  }
0xfe: {  	[tilespmem:$0x1FE10] =	vst v33;
	v33 =	vor.u32 $0xB, v13;
	v5 =	vld.idx.msk [tilespmem:v2+s7+$0x0], $0xffff  }
0xff: {  	[tilespmem:$0x1FE50] =	vst v62;
	v61 =	vld.idx.msk [tilespmem:v0+s7+$0x0], $0xffff  }
0x100: {  	[tilespmem:$0x1FDD0] =	vst v37;
	v37 =	vor.u32 $0x9, v13;
	v22 =	vld.idx.msk [tilespmem:v0+s2+$0x0], $0xffff  }
0x101: {  	[tilespmem:$0x1FE30] =	vst v63;
	v62 =	vld.idx.msk [tilespmem:v35+s7+$0x0], $0xffff  }
0x102: {  	[tilespmem:$0x1FDB0] =	vst v39;
	v39 =	vor.u32 $0x8, v13;
	v63 =	vld.idx.msk [tilespmem:v35+s2+$0x0], $0xffff  }
0x103: {  	v18 =	vld.idx.msk [tilespmem:v33+s7+$0x0], $0xffff  }
0x104: {  	[tilespmem:$0x1FE90] =	vst v4;
	v4 =	vor.u32 $0x7, v13;
	v16 =	vld.idx.msk [tilespmem:v33+s2+$0x0], $0xffff  }
0x105: {  	v15 =	vld.idx.msk [tilespmem:v37+s7+$0x0], $0xffff  }
0x106: {  	v11 =	vld.idx.msk [tilespmem:v37+s2+$0x0], $0xffff  }
0x107: {  	[tilespmem:$0x1FE80] =	vst v0;
	v0 =	vor.u32 $0x19, v13;
	v8 =	vld.idx.msk [tilespmem:v39+s7+$0x0], $0xffff  }
0x108: {  	v6 =	vld.idx.msk [tilespmem:v39+s2+$0x0], $0xffff  }
0x109: {  	v10 =	vld.idx.msk [tilespmem:v4+s7+$0x0], $0xffff  }
0x10a: {  	[tilespmem:$0x1FD70] =	vst v1;
	v1 =	vor.u32 $0x1B, v13;
	v7 =	vld.idx.msk [tilespmem:v4+s2+$0x0], $0xffff  }
0x10b: {  	v20 =	vadd.f32 v20, v3;
	v3 =	vld [tilespmem:$0x1FD70]  }
0x10c: {  	v34 =	vld.idx.msk [tilespmem:v0+s7+$0x0], $0xffff  }
0x10d: {  	[tilespmem:$0x1FE40] =	vst v0;
	v36 =	vld.idx.msk [tilespmem:v0+s2+$0x0], $0xffff;
	v0 =	vor.u32 $0x15, v13  }
0x10e: {  	[tilespmem:$0x1FD80] =	vst v61;
	v61 =	vld.idx.msk [tilespmem:v28+s7+$0x0], $0xffff  }
0x10f: {  	v24 =	vadd.f32 v24, v25;
	v25 =	vor.u32 $0x3, v13;
	v27 =	vld.idx.msk [tilespmem:v1+s7+$0x0], $0xffff  }
0x110: {  	[tilespmem:$0x1FE60] =	vst v1;
	v29 =	vld.idx.msk [tilespmem:v1+s2+$0x0], $0xffff;
	v1 =	vor.u32 $0x17, v13  }
0x111: {  	v21 =	vadd.f32 v21, v3;
	v3 =	vld [tilespmem:$0x1FD80]  }
0x112: {  	v45 =	vld.idx.msk [tilespmem:v0+s7+$0x0], $0xffff  }
0x113: {  	v31 =	vadd.f32 v31, v32;
	v32 =	vadd.f32 v38, v40;
	[tilespmem:$0x1FE00] =	vst v0;
	v46 =	vld.idx.msk [tilespmem:v0+s2+$0x0], $0xffff;
	v0 =	vor.u32 $0x11, v13  }
0x114: {  	v38 =	vadd.f32 v43, v44;
	v43 =	vadd.f32 v47, v48;
	v48 =	vld.idx.msk [tilespmem:v25+s7+$0x0], $0xffff  }
0x115: {  	v41 =	vld.idx.msk [tilespmem:v1+s7+$0x0], $0xffff  }
0x116: {  	[tilespmem:$0x1FE20] =	vst v1;
	v42 =	vld.idx.msk [tilespmem:v1+s2+$0x0], $0xffff;
	v1 =	vor.u32 $0x13, v13  }
0x117: {  	v22 =	vadd.f32 v3, v22;
	v3 =	vld.idx.msk [tilespmem:v2+s2+$0x0], $0xffff  }
0x118: {  	v53 =	vld.idx.msk [tilespmem:v0+s7+$0x0], $0xffff  }
0x119: {  	v54 =	vld.idx.msk [tilespmem:v0+s2+$0x0], $0xffff  }
0x11a: {  	[tilespmem:$0x1FDC0] =	vst v0;
	v0 =	vld.idx.msk [tilespmem:v35+s0+$0x0], $0xffff  }
0x11b: {  	v49 =	vld.idx.msk [tilespmem:v1+s7+$0x0], $0xffff  }
0x11c: {  	v14 =	vadd.f32 v17, v14;
	[tilespmem:$0x1FDE0] =	vst v1;
	v50 =	vld.idx.msk [tilespmem:v1+s2+$0x0], $0xffff;
	v1 =	vor.u32 $0x5, v13  }
0x11d: {  	v6 =	vadd.f32 v8, v6;
	v8 =	vadd.f32 v15, v11;
	v11 =	vld.idx.msk [tilespmem:v25+s2+$0x0], $0xffff  }
0x11e: {  	v44 =	vadd.f32 v45, v46;
	v46 =	vadd.f32 v51, v52;
	v51 =	vld.idx.msk [tilespmem:v13+s7+$0x0], $0xffff  }
0x11f: {  	v14 =	vadd.f32 $-9.999999970e-07, v14;
	v7 =	vadd.f32 v10, v7;
	[tilespmem:$0x1FD90] =	vst v0;
	v0 =	vld.idx.msk [tilespmem:v35+s6+$0x0], $0xffff;
	v35 =	vor.u32 $0xA, v13  }
0x120: {  	v27 =	vadd.f32 v27, v29;
	v5 =	vadd.f32 v5, v3;
	v3 =	vld.idx.msk [tilespmem:v13+s0+$0x0], $0xffff  }
0x121: {  	v40 =	vadd.f32 v41, v42;
	v41 =	vor.u32 $0x2, v13;
	v29 =	vld.idx.msk [tilespmem:v1+s7+$0x0], $0xffff;
	v47 =	vadd.f32 v49, v50  }
0x122: {  	v50 =	vadd.f32 v53, v54;
	v53 =	vadd.f32 v57, v58;
	v57 =	vld.idx.msk [tilespmem:v13+s2+$0x0], $0xffff  }
0x123: {  	v6 =	vadd.f32 $-9.999999970e-07, v6;
	v34 =	vadd.f32 v34, v36;
	v36 =	vld.idx.msk [tilespmem:v1+s2+$0x0], $0xffff  }
0x124: {  	v8 =	vadd.f32 $-9.999999970e-07, v8;
	v11 =	vadd.f32 v48, v11;
	v12 =	vld.idx.msk [tilespmem:v35+s7+$0x0], $0xffff  }
0x125: {  	v7 =	vadd.f32 $-9.999999970e-07, v7;
	v19 =	vadd.f32 v61, v19;
	v9 =	vld.idx.msk [tilespmem:v35+s2+$0x0], $0xffff  }
0x126: {  	v11 =	vadd.f32 $-9.999999970e-07, v11;
	v52 =	vadd.f32 v59, v60;
	v17 =	vld.idx.msk [tilespmem:v41+s7+$0x0], $0xffff  }
0x127: {  	v5 =	vadd.f32 $-9.999999970e-07, v5;
	[tilespmem:$0x1FDA0] =	vst v0;
	v0 =	vor.u32 $0x4, v13;
	v13 =	vld.idx.msk [tilespmem:v13+s6+$0x0], $0xffff;
	v15 =	vadd.f32 v51, v57  }
0x128: {  	v49 =	vadd.f32 v55, v56;
	v48 =	vadd.f32 $-9.999999970e-07, v50;
	v50 =	vld.idx.msk [tilespmem:v25+s0+$0x0], $0xffff  }
0x129: {  	v58 =	vadd.f32 v29, v36;
	v57 =	vld.idx.msk [tilespmem:v2+s0+$0x0], $0xffff;
	v15 =	vadd.f32 $-9.999999970e-07, v15  }
0x12a: {  	v9 =	vadd.f32 v12, v9;
	v12 =	vadd.f32 v18, v16;
	v16 =	vld.idx.msk [tilespmem:v41+s2+$0x0], $0xffff  }
0x12b: {  	v36 =	vadd.f32 $-9.999999970e-07, v46;
	v59 =	vsub.f32 v3, v15;
	v3 =	vld [tilespmem:$0x1FD90]  }
0x12c: {  	v2 =	vld.idx.msk [tilespmem:v2+s6+$0x0], $0xffff;
	v18 =	vadd.f32 v62, v63;
	v60 =	vsub.f32 v13, v15  }
0x12d: {  	v42 =	vld.idx.msk [tilespmem:v0+s7+$0x0], $0xffff;
	v15 =	vadd.f32 $-9.999999970e-07, v20;
	v13 =	vadd.f32 $-9.999999970e-07, v21  }
0x12e: {  	v45 =	vld.idx.msk [tilespmem:v0+s2+$0x0], $0xffff;
	v20 =	vadd.f32 $-9.999999970e-07, v27;
	v18 =	vadd.f32 $-9.999999970e-07, v18  }
0x12f: {  	v29 =	vld.idx.msk [tilespmem:v41+s0+$0x0], $0xffff;
	v27 =	vadd.f32 $-9.999999970e-07, v40;
	v40 =	vadd.f32 $-9.999999970e-07, v49  }
0x130: {  	v16 =	vadd.f32 v17, v16;
	v61 =	vsub.f32 v3, v18;
	v3 =	vld [tilespmem:$0x1FDA0]  }
0x131: {  	v25 =	vld.idx.msk [tilespmem:v25+s6+$0x0], $0xffff;
	v49 =	vadd.f32 $-9.999999970e-07, v52;
	v52 =	vadd.f32 $-9.999999970e-07, v53  }
0x132: {  	v2 =	vsub.f32 v2, v5;
	v17 =	vld.idx.msk [tilespmem:v41+s6+$0x0], $0xffff;
	v16 =	vadd.f32 $-9.999999970e-07, v16  }
0x133: {  	v9 =	vadd.f32 $-9.999999970e-07, v9;
	v10 =	vadd.f32 v42, v45  }
0x134: {  	v21 =	vmul.f32 v59, v59;
	v41 =	vsub.f32 v50, v11;
	v63 =	vsub.f32 v29, v16  }
0x135: {  	v55 =	vld.idx.msk [tilespmem:v0+s0+$0x0], $0xffff;
	v45 =	vmul.f32 v60, v60;
	v62 =	vsub.f32 v3, v18;
	v18 =	vadd.f32 $-9.999999970e-07, v24  }
0x136: {  	v0 =	vld.idx.msk [tilespmem:v0+s6+$0x0], $0xffff;
	v24 =	vadd.f32 $-9.999999970e-07, v34;
	v34 =	vadd.f32 $-9.999999970e-07, v47;
	v47 =	vmul.f32 v61, v61  }
0x137: {  	v11 =	vsub.f32 v25, v11;
	v25 =	vld.idx.msk [tilespmem:v1+s0+$0x0], $0xffff;
	v16 =	vsub.f32 v17, v16;
	v53 =	vmul.f32 v62, v62  }
0x138: {  	v1 =	vld.idx.msk [tilespmem:v1+s6+$0x0], $0xffff;
	v10 =	vadd.f32 $-9.999999970e-07, v10;
	v56 =	vmul.f32 v63, v63;
	v21 =	vadd.f32 v47, v21  }
0x139: {  	v42 =	vadd.f32 $-9.999999970e-07, v58;
	v16 =	vmul.f32 v16, v16;
	v45 =	vadd.f32 v53, v45  }
0x13a: {  	v41 =	vmul.f32 v41, v41;
	v46 =	vsub.f32 v55, v10;
	v21 =	vadd.f32 v56, v21  }
0x13b: {  	v58 =	vld.idx.msk [tilespmem:v4+s0+$0x0], $0xffff;
	v11 =	vmul.f32 v11, v11;
	v0 =	vsub.f32 v0, v10;
	v16 =	vadd.f32 v16, v45  }
0x13c: {  	v4 =	vld.idx.msk [tilespmem:v4+s6+$0x0], $0xffff;
	v25 =	vsub.f32 v25, v42;
	v10 =	vadd.f32 v41, v21;
	v21 =	vmul.f32 v46, v46  }
0x13d: {  	v59 =	vld.idx.msk [tilespmem:v39+s0+$0x0], $0xffff;
	v1 =	vsub.f32 v1, v42;
	v0 =	vmul.f32 v0, v0;
	v11 =	vadd.f32 v11, v16  }
0x13e: {  	v16 =	vld.idx.msk [tilespmem:v39+s6+$0x0], $0xffff;
	v10 =	vadd.f32 v21, v10;
	v21 =	vmul.f32 v25, v25;
	v25 =	vsub.f32 v57, v5  }
0x13f: {  	v12 =	vadd.f32 $-9.999999970e-07, v12;
	v60 =	vld.idx.msk [tilespmem:v37+s0+$0x0], $0xffff;
	v1 =	vmul.f32 v1, v1;
	v0 =	vadd.f32 v0, v11  }
0x140: {  	v61 =	vld.idx.msk [tilespmem:v37+s6+$0x0], $0xffff;
	v10 =	vadd.f32 v21, v10;
	v11 =	vmul.f32 v25, v25;
	v21 =	vsub.f32 v58, v7  }
0x141: {  	v25 =	vld.idx.msk [tilespmem:v35+s0+$0x0], $0xffff;
	v0 =	vadd.f32 v1, v0;
	v1 =	vmul.f32 v2, v2;
	v2 =	vsub.f32 v4, v7  }
0x142: {  	v62 =	vld.idx.msk [tilespmem:v35+s6+$0x0], $0xffff;
	v7 =	vadd.f32 v11, v10;
	v10 =	vmul.f32 v21, v21;
	v11 =	vsub.f32 v59, v6  }
0x143: {  	v21 =	vld.idx.msk [tilespmem:v33+s0+$0x0], $0xffff;
	v0 =	vadd.f32 v1, v0;
	v1 =	vmul.f32 v2, v2;
	v2 =	vsub.f32 v16, v6  }
0x144: {  	v6 =	vld.idx.msk [tilespmem:v33+s6+$0x0], $0xffff;
	v7 =	vadd.f32 v10, v7;
	v10 =	vmul.f32 v11, v11;
	v11 =	vsub.f32 v60, v8  }
0x145: {  	v16 =	vld.idx.msk [tilespmem:v30+s0+$0x0], $0xffff;
	v0 =	vadd.f32 v1, v0;
	v1 =	vmul.f32 v2, v2;
	v2 =	vsub.f32 v61, v8  }
0x146: {  	v63 =	vld.idx.msk [tilespmem:v30+s6+$0x0], $0xffff;
	v7 =	vadd.f32 v10, v7;
	v8 =	vmul.f32 v11, v11;
	v10 =	vsub.f32 v25, v9  }
0x147: {  	v0 =	vadd.f32 v1, v0;
	v1 =	vmul.f32 v2, v2;
	v2 =	vsub.f32 v62, v9  }
0x148: {  	v7 =	vadd.f32 v8, v7;
	v8 =	vmul.f32 v10, v10;
	v9 =	vsub.f32 v21, v12  }
0x149: {  	v0 =	vadd.f32 v1, v0;
	v1 =	vmul.f32 v2, v2;
	v2 =	vsub.f32 v6, v12  }
0x14a: {  	v7 =	vadd.f32 v8, v7;
	v8 =	vmul.f32 v9, v9;
	v9 =	vsub.f32 v16, v14  }
0x14b: {  	v0 =	vadd.f32 v1, v0;
	v1 =	vmul.f32 v2, v2;
	v2 =	vsub.f32 v63, v14;
	v14 =	vld [tilespmem:$0x1FDB0];
	_ =	sdelay $0x2  }
0x14c: {  	v11 =	vld.idx.msk [tilespmem:v28+s0+$0x0], $0xffff;
	_ =	sdelay $0x2  }
0x14d: {  	v19 =	vadd.f32 $-9.999999970e-07, v19;
	_ =	sdelay $0x1  }
0x14e: {  	v7 =	vadd.f32 v8, v7;
	v8 =	vmul.f32 v9, v9;
	v9 =	vsub.f32 v11, v19;
	v11 =	vld.idx.msk [tilespmem:v14+s0+$0x0], $0xffff  }
0x14f: {  	v37 =	vld.idx.msk [tilespmem:v14+s6+$0x0], $0xffff  }
0x150: {  	v14 =	vld [tilespmem:$0x1FDC0];
	_ =	sdelay $0x1  }
0x151: {  	v33 =	vld.idx.msk [tilespmem:v28+s6+$0x0], $0xffff  }
0x152: {  	v10 =	vld.idx.msk [tilespmem:v26+s0+$0x0], $0xffff  }
0x153: {  	v6 =	vld.idx.msk [tilespmem:v26+s6+$0x0], $0xffff;
	_ =	sdelay $0x2  }
0x154: {  	v0 =	vadd.f32 v1, v0;
	v1 =	vmul.f32 v2, v2;
	v2 =	vsub.f32 v33, v19  }
0x155: {  	v7 =	vadd.f32 v8, v7;
	v8 =	vmul.f32 v9, v9;
	v9 =	vsub.f32 v10, v49;
	v10 =	vld.idx.msk [tilespmem:v14+s0+$0x0], $0xffff  }
0x156: {  	v0 =	vadd.f32 v1, v0;
	v1 =	vmul.f32 v2, v2;
	v2 =	vsub.f32 v6, v49;
	v6 =	vld.idx.msk [tilespmem:v14+s6+$0x0], $0xffff  }
0x157: {  	v14 =	vld [tilespmem:$0x1FDD0];
	_ =	sdelay $0x2  }
0x158: {  	v12 =	vld.idx.msk [tilespmem:v23+s0+$0x0], $0xffff;
	_ =	sdelay $0x4  }
0x159: {  	v7 =	vadd.f32 v8, v7;
	v8 =	vmul.f32 v9, v9;
	v9 =	vsub.f32 v12, v52;
	v12 =	vld.idx.msk [tilespmem:v14+s0+$0x0], $0xffff  }
0x15a: {  	v39 =	vld.idx.msk [tilespmem:v14+s6+$0x0], $0xffff  }
0x15b: {  	v14 =	vld [tilespmem:$0x1FDE0];
	_ =	sdelay $0x6  }
0x15c: {  	v35 =	vld.idx.msk [tilespmem:v23+s6+$0x0], $0xffff  }
0x15d: {  	v7 =	vadd.f32 v8, v7;
	v8 =	vmul.f32 v9, v9;
	v9 =	vsub.f32 v11, v40;
	v11 =	vld.idx.msk [tilespmem:v14+s0+$0x0], $0xffff  }
0x15e: {  	v41 =	vld.idx.msk [tilespmem:v14+s6+$0x0], $0xffff  }
0x15f: {  	v14 =	vld [tilespmem:$0x1FDF0];
	_ =	sdelay $0x4  }
0x160: {  	v0 =	vadd.f32 v1, v0;
	v1 =	vmul.f32 v2, v2;
	v2 =	vsub.f32 v35, v52;
	_ =	sdelay $0x1  }
0x161: {  	v0 =	vadd.f32 v1, v0;
	v1 =	vmul.f32 v2, v2;
	v2 =	vsub.f32 v37, v40  }
0x162: {  	v7 =	vadd.f32 v8, v7;
	v8 =	vmul.f32 v9, v9;
	v9 =	vsub.f32 v10, v48;
	v10 =	vld.idx.msk [tilespmem:v14+s0+$0x0], $0xffff  }
0x163: {  	v0 =	vadd.f32 v1, v0;
	v1 =	vmul.f32 v2, v2;
	v2 =	vsub.f32 v6, v48;
	v6 =	vld.idx.msk [tilespmem:v14+s6+$0x0], $0xffff  }
0x164: {  	v14 =	vld [tilespmem:$0x1FE00];
	_ =	sdelay $0x7  }
0x165: {  	v7 =	vadd.f32 v8, v7;
	v8 =	vmul.f32 v9, v9;
	v9 =	vsub.f32 v12, v36;
	v12 =	vld.idx.msk [tilespmem:v14+s0+$0x0], $0xffff  }
0x166: {  	v42 =	vld.idx.msk [tilespmem:v14+s6+$0x0], $0xffff  }
0x167: {  	v14 =	vld [tilespmem:$0x1FE10];
	_ =	sdelay $0x7  }
0x168: {  	v7 =	vadd.f32 v8, v7;
	v8 =	vmul.f32 v9, v9;
	v9 =	vsub.f32 v11, v34;
	v11 =	vld.idx.msk [tilespmem:v14+s0+$0x0], $0xffff  }
0x169: {  	v3 =	vadd.f32 $-9.999999970e-07, v32;
	v32 =	vadd.f32 $-9.999999970e-07, v43;
	v43 =	vld.idx.msk [tilespmem:v14+s6+$0x0], $0xffff  }
0x16a: {  	v14 =	vld [tilespmem:$0x1FE20];
	_ =	sdelay $0x4  }
0x16b: {  	v0 =	vadd.f32 v1, v0;
	v1 =	vmul.f32 v2, v2;
	v2 =	vsub.f32 v39, v36;
	_ =	sdelay $0x1  }
0x16c: {  	v0 =	vadd.f32 v1, v0;
	v1 =	vmul.f32 v2, v2;
	v2 =	vsub.f32 v41, v34  }
0x16d: {  	v7 =	vadd.f32 v8, v7;
	v8 =	vmul.f32 v9, v9;
	v9 =	vsub.f32 v10, v32;
	v10 =	vld.idx.msk [tilespmem:v14+s0+$0x0], $0xffff  }
0x16e: {  	v0 =	vadd.f32 v1, v0;
	v1 =	vmul.f32 v2, v2;
	v2 =	vsub.f32 v6, v32;
	v6 =	vld.idx.msk [tilespmem:v14+s6+$0x0], $0xffff  }
0x16f: {  	v14 =	vld [tilespmem:$0x1FE30];
	_ =	sdelay $0x4  }
0x170: {  	v17 =	vadd.f32 $-9.999999970e-07, v22  }
0x171: {  	v22 =	vadd.f32 $-9.999999970e-07, v31;
	v31 =	vadd.f32 $-9.999999970e-07, v44;
	_ =	sdelay $0x1  }
0x172: {  	v7 =	vadd.f32 v8, v7;
	v8 =	vmul.f32 v9, v9;
	v9 =	vsub.f32 v12, v31;
	v12 =	vld.idx.msk [tilespmem:v14+s0+$0x0], $0xffff  }
0x173: {  	v44 =	vld.idx.msk [tilespmem:v14+s6+$0x0], $0xffff  }
0x174: {  	v14 =	vld [tilespmem:$0x1FE40];
	_ =	sdelay $0x5  }
0x175: {  	v29 =	vadd.f32 $-9.999999970e-07, v38;
	_ =	sdelay $0x1  }
0x176: {  	v7 =	vadd.f32 v8, v7;
	v8 =	vmul.f32 v9, v9;
	v9 =	vsub.f32 v11, v29;
	v11 =	vld.idx.msk [tilespmem:v14+s0+$0x0], $0xffff  }
0x177: {  	v45 =	vld.idx.msk [tilespmem:v14+s6+$0x0], $0xffff  }
0x178: {  	v14 =	vld [tilespmem:$0x1FE50];
	_ =	sdelay $0x3  }
0x179: {  	v0 =	vadd.f32 v1, v0;
	v1 =	vmul.f32 v2, v2;
	v2 =	vsub.f32 v42, v31;
	_ =	sdelay $0x1  }
0x17a: {  	v0 =	vadd.f32 v1, v0;
	v1 =	vmul.f32 v2, v2;
	v2 =	vsub.f32 v43, v29  }
0x17b: {  	v7 =	vadd.f32 v8, v7;
	v8 =	vmul.f32 v9, v9;
	v9 =	vsub.f32 v10, v27  }
0x17c: {  	v0 =	vadd.f32 v1, v0;
	v1 =	vmul.f32 v2, v2;
	v10 =	vld.idx.msk [tilespmem:v14+s0+$0x0], $0xffff  }
0x17d: {  	v7 =	vadd.f32 v8, v7;
	v2 =	vsub.f32 v6, v27;
	v8 =	vmul.f32 v9, v9;
	v6 =	vld.idx.msk [tilespmem:v14+s6+$0x0], $0xffff  }
0x17e: {  	v14 =	vld [tilespmem:$0x1FE60]  }
0x17f: {  	v46 =	vadd.f32 v8, v7;
	v8 =	vsub.f32 v11, v24;
	v11 =	vld [tilespmem:$0x1FE70];
	_ =	sdelay $0x5  }
0x180: {  	v9 =	vsub.f32 v12, v3  }
0x181: {  	v12 =	vld.idx.msk [tilespmem:v14+s0+$0x0], $0xffff  }
0x182: {  	v7 =	vmul.f32 v9, v9;
	v9 =	vld.idx.msk [tilespmem:v11+s0+$0x0], $0xffff  }
0x183: {  	v47 =	vld.idx.msk [tilespmem:v11+s6+$0x0], $0xffff  }
0x184: {  	v5 =	vadd.f32 v7, v46;
	v7 =	vmul.f32 v8, v8;
	v8 =	vsub.f32 v10, v22;
	v11 =	vld [tilespmem:$0x1FE80];
	_ =	sdelay $0x1  }
0x185: {  	v5 =	vadd.f32 v7, v5;
	v7 =	vmul.f32 v8, v8;
	v8 =	vsub.f32 v12, v20;
	v12 =	vld [tilespmem:$0x1FE90];
	_ =	sdelay $0x2  }
0x186: {  	v0 =	vadd.f32 v1, v0;
	v1 =	vmul.f32 v2, v2;
	v2 =	vsub.f32 v44, v3  }
0x187: {  	v3 =	vld.idx.msk [tilespmem:v14+s6+$0x0], $0xffff  }
0x188: {  	v0 =	vadd.f32 v1, v0;
	v1 =	vmul.f32 v2, v2;
	v2 =	vsub.f32 v45, v24  }
0x189: {  	v10 =	vld.idx.msk [tilespmem:v11+s0+$0x0], $0xffff  }
0x18a: {  	v0 =	vadd.f32 v1, v0;
	v1 =	vmul.f32 v2, v2;
	v2 =	vsub.f32 v6, v22;
	v6 =	vld.idx.msk [tilespmem:v11+s6+$0x0], $0xffff  }
0x18b: {  	v11 =	vld.idx.msk [tilespmem:v12+s0+$0x0], $0xffff  }
0x18c: {  	v0 =	vadd.f32 v1, v0;
	v1 =	vmul.f32 v2, v2;
	v2 =	vsub.f32 v3, v20;
	v3 =	vld.idx.msk [tilespmem:v12+s6+$0x0], $0xffff  }
0x18d: {  	v12 =	vld [tilespmem:$0x1FEA0];
	_ =	sdelay $0x6  }
0x18e: {  	v5 =	vadd.f32 v7, v5;
	v7 =	vmul.f32 v8, v8;
	v8 =	vsub.f32 v9, v18  }
0x18f: {  	v0 =	vadd.f32 v1, v0;
	v1 =	vmul.f32 v2, v2;
	v2 =	vsub.f32 v47, v18;
	v9 =	vld.idx.msk [tilespmem:v12+s0+$0x0], $0xffff  }
0x190: {  	v5 =	vadd.f32 v7, v5;
	v7 =	vmul.f32 v8, v8;
	v8 =	vsub.f32 v10, v17;
	v48 =	vld.idx.msk [tilespmem:v12+s6+$0x0], $0xffff  }
0x191: {  	v0 =	vadd.f32 v1, v0;
	v1 =	vmul.f32 v2, v2;
	v2 =	vsub.f32 v6, v17  }
0x192: {  	v5 =	vadd.f32 v7, v5;
	v6 =	vmul.f32 v8, v8;
	v7 =	vsub.f32 v11, v15  }
0x193: {  	v0 =	vadd.f32 v1, v0;
	v1 =	vmul.f32 v2, v2;
	v2 =	vsub.f32 v3, v15  }
0x194: {  	v3 =	vadd.f32 v6, v5;
	v49 =	vmul.f32 v7, v7;
	v6 =	vsub.f32 v9, v13  }
0x195: {  	v0 =	vadd.f32 v1, v0;
	v1 =	vmul.f32 v2, v2;
	v2 =	vsub.f32 v48, v13  }
0x196: {  	v3 =	vadd.f32 v49, v3;
	v50 =	vmul.f32 v6, v6  }
0x197: {  	v0 =	vadd.f32 v1, v0;
	v1 =	vmul.f32 v2, v2  }
0x198: {  	v2 =	vadd.f32 v50, v3  }
0x199: {  	v0 =	vadd.f32 v1, v0  }
0x19a: {  	v1 =	vshrl.u32 v2, $0x1  }
0x19b: {  	v3 =	vmul.f32 $5.000000000e-01, v2;
	v51 =	vshrl.u32 v0, $0x1;
	v52 =	vmul.f32 $5.000000000e-01, v0  }
0x19c: {  	v1 =	vsub.s32 $0x5F3759DF, v1;
	v4 =	vsub.s32 $0x5F3759DF, v51  }
0x19d: {  	v6 =	vmul.f32 v1, v3;
	v7 =	vmul.f32 v4, v52;
	_ =	sdelay $0x1  }
0x19e: {  	v6 =	vmul.f32 v1, v6;
	v7 =	vmul.f32 v4, v7;
	_ =	sdelay $0x1  }
0x19f: {  	v6 =	vsub.f32 $1.500000000e+00, v6;
	v7 =	vsub.f32 $1.500000000e+00, v7;
	_ =	sdelay $0x1  }
0x1a0: {  	v1 =	vmul.f32 v1, v6;
	v4 =	vmul.f32 v4, v7;
	_ =	sdelay $0x1  }
0x1a1: {  	v6 =	vmul.f32 v1, v3;
	v7 =	vmul.f32 v4, v52;
	_ =	sdelay $0x1  }
0x1a2: {  	v6 =	vmul.f32 v6, v1;
	v7 =	vmul.f32 v7, v4;
	_ =	sdelay $0x1  }
0x1a3: {  	v6 =	vsub.f32 $1.500000000e+00, v6;
	v7 =	vsub.f32 $1.500000000e+00, v7;
	_ =	sdelay $0x1  }
0x1a4: {  	v1 =	vmul.f32 v6, v1;
	v4 =	vmul.f32 v7, v4;
	_ =	sdelay $0x1  }
0x1a5: {  	v3 =	vmul.f32 v1, v3;
	v5 =	vmul.f32 v4, v52;
	_ =	sdelay $0x1  }
0x1a6: {  	v3 =	vmul.f32 v3, v1;
	v5 =	vmul.f32 v5, v4;
	_ =	sdelay $0x1  }
0x1a7: {  	v3 =	vsub.f32 $1.500000000e+00, v3;
	v5 =	vsub.f32 $1.500000000e+00, v5;
	_ =	sdelay $0x1  }
0x1a8: {  	v1 =	vmul.f32 v3, v1;
	v3 =	vmul.f32 v5, v4;
	_ =	sdelay $0x1  }
0x1a9: {  	v1 =	vmul.f32 v1, v2;
	v0 =	vmul.f32 v3, v0;
	_ =	sdelay $0x1  }
0x1aa: {  	v0 =	vsub.f32 v0, v1;
	_ =	sdelay $0x1  }
0x1ab: {  	v0 =	vadd.f32 $0.0e+00, v0;
	_ =	sdelay $0x1  }
0x1ac: {  	v0 =	vmul.f32 $1.442695020e+00, v0;
	_ =	sdelay $0x1  }
0x1ad: {  	(erf) = vpow2.f32 v0;
	_ =	sdelay $0x8  }
0x1ae: {  	v0 =	vpop (erf)  }
0x1af: {  	v0 =	vadd.f32 $1.000000000e+00, v0;
	_ =	sdelay $0x1  }
0x1b0: {  	v1 =	vld [tilespmem:$0x1FFF0];
	(erf) = vrcp.f32 v0;
	_ =	sdelay $0x1  }
0x1b1: {  	s30 =	simm.s32 $0x10  }
0x1b2: {  	v0 =	vmov s30  }
0x1b3: {  	v0 =	vshll.u32 v0, $0x5  }
0x1b4: {  	v39 =	vor.u32 v1, v0  }
0x1b5: {  	v1 =	vor.u32 $0x1F, v39;
	_ =	sdelay $0x1  }
0x1b6: {  	v2 =	vor.u32 $0x1E, v39  }
0x1b7: {  	s8 =	simm.s32 $0x18800;
	v0 =	vpop (erf)  }
0x1b8: {  	v3 =	vor.u32 $0x1D, v39;
	[tilespmem:s8+$0x0] =	vst v0  }
0x1b9: {  	v0 =	vld.idx.msk [tilespmem:v1+s7+$0x0], $0xffff  }
0x1ba: {  	v53 =	vor.u32 $0x1C, v39;
	v41 =	vld.idx.msk [tilespmem:v1+s2+$0x0], $0xffff  }
0x1bb: {  	v43 =	vld.idx.msk [tilespmem:v2+s7+$0x0], $0xffff  }
0x1bc: {  	v54 =	vor.u32 $0x18, v39;
	v8 =	vld.idx.msk [tilespmem:v2+s2+$0x0], $0xffff  }
0x1bd: {  	v44 =	vld.idx.msk [tilespmem:v3+s7+$0x0], $0xffff  }
0x1be: {  	v55 =	vor.u32 $0x14, v39;
	v11 =	vld.idx.msk [tilespmem:v3+s2+$0x0], $0xffff  }
0x1bf: {  	v13 =	vld.idx.msk [tilespmem:v53+s7+$0x0], $0xffff  }
0x1c0: {  	v23 =	vor.u32 $0x11, v39;
	v15 =	vld.idx.msk [tilespmem:v53+s2+$0x0], $0xffff  }
0x1c1: {  	v29 =	vld.idx.msk [tilespmem:v54+s7+$0x0], $0xffff  }
0x1c2: {  	v26 =	vor.u32 $0x10, v39;
	v31 =	vld.idx.msk [tilespmem:v54+s2+$0x0], $0xffff  }
0x1c3: {  	v28 =	vor.u32 $0xF, v39;
	v62 =	vld.idx.msk [tilespmem:v55+s7+$0x0], $0xffff  }
0x1c4: {  	v63 =	vld.idx.msk [tilespmem:v55+s2+$0x0], $0xffff  }
0x1c5: {  	v30 =	vor.u32 $0xE, v39;
	v27 =	vld.idx.msk [tilespmem:v23+s7+$0x0], $0xffff  }
0x1c6: {  	v33 =	vld.idx.msk [tilespmem:v23+s2+$0x0], $0xffff  }
0x1c7: {  	v32 =	vor.u32 $0xD, v39;
	v19 =	vld.idx.msk [tilespmem:v26+s2+$0x0], $0xffff  }
0x1c8: {  	v47 =	vld.idx.msk [tilespmem:v28+s7+$0x0], $0xffff  }
0x1c9: {  	v34 =	vor.u32 $0xC, v39;
	v48 =	vld.idx.msk [tilespmem:v28+s2+$0x0], $0xffff  }
0x1ca: {  	v51 =	vld.idx.msk [tilespmem:v30+s7+$0x0], $0xffff  }
0x1cb: {  	v38 =	vor.u32 $0xA, v39;
	[tilespmem:$0x1FEE0] =	vst v53;
	v53 =	vld.idx.msk [tilespmem:v30+s2+$0x0], $0xffff  }
0x1cc: {  	v40 =	vor.u32 $0x9, v39;
	[tilespmem:$0x1FEB0] =	vst v1;
	v50 =	vld.idx.msk [tilespmem:v32+s7+$0x0], $0xffff  }
0x1cd: {  	[tilespmem:$0x1FEC0] =	vst v2;
	v1 =	vor.u32 $0x1B, v39;
	v52 =	vld.idx.msk [tilespmem:v32+s2+$0x0], $0xffff  }
0x1ce: {  	[tilespmem:$0x1FF20] =	vst v54;
	v54 =	vld.idx.msk [tilespmem:v34+s7+$0x0], $0xffff  }
0x1cf: {  	[tilespmem:$0x1FF60] =	vst v55;
	v2 =	vor.u32 $0x1A, v39;
	v55 =	vld.idx.msk [tilespmem:v34+s2+$0x0], $0xffff  }
0x1d0: {  	v56 =	vld.idx.msk [tilespmem:v38+s7+$0x0], $0xffff  }
0x1d1: {  	[tilespmem:$0x1FED0] =	vst v3;
	v3 =	vor.u32 $0x19, v39;
	v58 =	vld.idx.msk [tilespmem:v40+s7+$0x0], $0xffff  }
0x1d2: {  	v42 =	vld.idx.msk [tilespmem:v1+s7+$0x0], $0xffff  }
0x1d3: {  	v36 =	vor.u32 $0xB, v39;
	v57 =	vld.idx.msk [tilespmem:v1+s2+$0x0], $0xffff  }
0x1d4: {  	v21 =	vld.idx.msk [tilespmem:v2+s7+$0x0], $0xffff  }
0x1d5: {  	[tilespmem:$0x1FEF0] =	vst v1;
	v1 =	vor.u32 $0x17, v39;
	v24 =	vld.idx.msk [tilespmem:v2+s2+$0x0], $0xffff  }
0x1d6: {  	v45 =	vld.idx.msk [tilespmem:v3+s7+$0x0], $0xffff  }
0x1d7: {  	[tilespmem:$0x1FF00] =	vst v2;
	v2 =	vor.u32 $0x16, v39;
	v60 =	vld.idx.msk [tilespmem:v3+s2+$0x0], $0xffff  }
0x1d8: {  	v8 =	vadd.f32 v43, v8;
	v43 =	vld.idx.msk [tilespmem:v36+s7+$0x0], $0xffff  }
0x1d9: {  	[tilespmem:$0x1FF10] =	vst v3;
	v3 =	vor.u32 $0x15, v39;
	v11 =	vadd.f32 v44, v11;
	v44 =	vld.idx.msk [tilespmem:v36+s2+$0x0], $0xffff  }
0x1da: {  	v61 =	vld.idx.msk [tilespmem:v1+s7+$0x0], $0xffff  }
0x1db: {  	v35 =	vld.idx.msk [tilespmem:v1+s2+$0x0], $0xffff  }
0x1dc: {  	v37 =	vld.idx.msk [tilespmem:v2+s7+$0x0], $0xffff  }
0x1dd: {  	[tilespmem:$0x1FF30] =	vst v1;
	v1 =	vor.u32 $0x13, v39;
	v46 =	vld.idx.msk [tilespmem:v2+s2+$0x0], $0xffff  }
0x1de: {  	v0 =	vadd.f32 v0, v41;
	[tilespmem:$0x1FF40] =	vst v2;
	v49 =	vld.idx.msk [tilespmem:v3+s7+$0x0], $0xffff  }
0x1df: {  	v13 =	vadd.f32 v13, v15;
	[tilespmem:$0x1FF50] =	vst v3;
	v2 =	vor.u32 $0x12, v39;
	v59 =	vld.idx.msk [tilespmem:v3+s2+$0x0], $0xffff;
	v3 =	vadd.f32 $-9.999999970e-07, v8  }
0x1e0: {  	v0 =	vadd.f32 $-9.999999970e-07, v0;
	v8 =	vadd.f32 v42, v57;
	v57 =	vld.idx.msk [tilespmem:v38+s2+$0x0], $0xffff  }
0x1e1: {  	[tilespmem:$0x1FF90] =	vst v3;
	v3 =	vadd.f32 $-9.999999970e-07, v13;
	v13 =	vadd.f32 v45, v60;
	v60 =	vld.idx.msk [tilespmem:v40+s2+$0x0], $0xffff  }
0x1e2: {  	v41 =	vor.u32 $0x8, v39;
	[tilespmem:$0x1FFA0] =	vst v0;
	v25 =	vld.idx.msk [tilespmem:v1+s7+$0x0], $0xffff  }
0x1e3: {  	v0 =	vadd.f32 v21, v24;
	v42 =	vor.u32 $0x7, v39;
	[tilespmem:$0x1FF70] =	vst v1;
	v1 =	vld.idx.msk [tilespmem:v1+s2+$0x0], $0xffff  }
0x1e4: {  	v17 =	vld.idx.msk [tilespmem:v2+s7+$0x0], $0xffff  }
0x1e5: {  	[tilespmem:$0x1FF80] =	vst v2;
	v0 =	vadd.f32 $-9.999999970e-07, v0;
	v9 =	vld.idx.msk [tilespmem:v2+s2+$0x0], $0xffff  }
0x1e6: {  	v45 =	vor.u32 $0x6, v39;
	[tilespmem:$0x1FFB0] =	vst v3;
	v3 =	vadd.f32 $-9.999999970e-07, v11;
	v11 =	vadd.f32 v29, v31;
	v2 =	vld.idx.msk [tilespmem:v26+s7+$0x0], $0xffff  }
0x1e7: {  	[tilespmem:$0x1FFD0] =	vst v0;
	v0 =	vadd.f32 $-9.999999970e-07, v8;
	v24 =	vadd.f32 v61, v35;
	v61 =	vld.idx.msk [tilespmem:v41+s7+$0x0], $0xffff  }
0x1e8: {  	v8 =	vadd.f32 v62, v63;
	v15 =	vadd.f32 v37, v46;
	v46 =	vor.u32 $0x5, v39;
	v62 =	vld.idx.msk [tilespmem:v42+s7+$0x0], $0xffff  }
0x1e9: {  	v31 =	vadd.f32 v49, v59;
	v63 =	vld.idx.msk [tilespmem:v42+s2+$0x0], $0xffff  }
0x1ea: {  	v49 =	vor.u32 $0x4, v39;
	v59 =	vadd.f32 v27, v33;
	[tilespmem:$0x1FFE0] =	vst v0;
	v0 =	vld.idx.msk [tilespmem:v41+s2+$0x0], $0xffff;
	v21 =	vadd.f32 $-9.999999970e-07, v11  }
0x1eb: {  	v29 =	vadd.f32 $-9.999999970e-07, v8;
	v17 =	vadd.f32 v17, v9;
	v9 =	vld.idx.msk [tilespmem:v45+s7+$0x0], $0xffff  }
0x1ec: {  	v2 =	vadd.f32 v2, v19;
	v19 =	vadd.f32 $-9.999999970e-07, v13;
	v13 =	vld.idx.msk [tilespmem:v45+s2+$0x0], $0xffff  }
0x1ed: {  	v24 =	vadd.f32 $-9.999999970e-07, v24;
	v1 =	vadd.f32 v25, v1;
	v11 =	vld.idx.msk [tilespmem:v46+s7+$0x0], $0xffff  }
0x1ee: {  	v35 =	vadd.f32 $-9.999999970e-07, v59;
	v59 =	vor.u32 $0x3, v39;
	v25 =	vadd.f32 $-9.999999970e-07, v15;
	v15 =	vld.idx.msk [tilespmem:v46+s2+$0x0], $0xffff  }
0x1ef: {  	v8 =	vor.u32 $0x2, v39;
	v27 =	vadd.f32 $-9.999999970e-07, v31;
	v31 =	vadd.f32 $-9.999999970e-07, v1;
	v1 =	vld.idx.msk [tilespmem:v49+s7+$0x0], $0xffff  }
0x1f0: {  	s25 =	simm.s32 $0x20;
	[tilespmem:$0x1FFC0] =	vst v3;
	v33 =	vadd.f32 $-9.999999970e-07, v17;
	v37 =	vadd.f32 $-9.999999970e-07, v2;
	v17 =	vor.u32 $0x1, v39;
	v2 =	vld.idx.msk [tilespmem:v49+s2+$0x0], $0xffff  }
.LBB2_4:
0x1f1: {  	_ =	sdelay $0x1  }
0x1f2: {  	v3 =	vld.idx.msk [tilespmem:v59+s7+$0x0], $0xffff  }
0x1f3: {  	v4 =	vld.idx.msk [tilespmem:v39+s2+$0x0], $0xffff  }
0x1f4: {  	v5 =	vld.idx.msk [tilespmem:v8+s2+$0x0], $0xffff  }
0x1f5: {  	v51 =	vadd.f32 v51, v53;
	v53 =	vld.idx.msk [tilespmem:v59+s2+$0x0], $0xffff  }
0x1f6: {  	v50 =	vadd.f32 v50, v52;
	v52 =	vld.idx.msk [tilespmem:v8+s7+$0x0], $0xffff  }
0x1f7: {  	v54 =	vadd.f32 v54, v55;
	v55 =	vld.idx.msk [tilespmem:v17+s7+$0x0], $0xffff  }
0x1f8: {  	v56 =	vadd.f32 v56, v57;
	v57 =	vld.idx.msk [tilespmem:v39+s7+$0x0], $0xffff  }
0x1f9: {  	v0 =	vadd.f32 v61, v0;
	v61 =	vld.idx.msk [tilespmem:v17+s0+$0x0], $0xffff  }
0x1fa: {  	v9 =	vadd.f32 v9, v13;
	v13 =	vadd.f32 v62, v63;
	v62 =	vld.idx.msk [tilespmem:v39+s0+$0x0], $0xffff  }
0x1fb: {  	v1 =	vadd.f32 v1, v2;
	v2 =	vadd.f32 v11, v15;
	v11 =	vld.idx.msk [tilespmem:v17+s6+$0x0], $0xffff  }
0x1fc: {  	v47 =	vadd.f32 v47, v48;
	v15 =	vld.idx.msk [tilespmem:v39+s6+$0x0], $0xffff  }
0x1fd: {  	v48 =	vadd.f32 $-9.999999970e-07, v51;
	v51 =	vadd.f32 $-9.999999970e-07, v54;
	v54 =	vld.idx.msk [tilespmem:v17+s2+$0x0], $0xffff  }
0x1fe: {  	v43 =	vadd.f32 v43, v44;
	v63 =	vld.idx.msk [tilespmem:v8+s0+$0x0], $0xffff  }
0x1ff: {  	v58 =	vadd.f32 v58, v60;
	v8 =	vld.idx.msk [tilespmem:v8+s6+$0x0], $0xffff;
	v44 =	vadd.f32 $-9.999999970e-07, v56  }
0x200: {  	v43 =	vadd.f32 $-9.999999970e-07, v43;
	v56 =	vld.idx.msk [tilespmem:v46+s0+$0x0], $0xffff;
	v17 =	vadd.f32 v57, v4  }
0x201: {  	v52 =	vadd.f32 v52, v5;
	v3 =	vadd.f32 v3, v53;
	v53 =	vld.idx.msk [tilespmem:v59+s0+$0x0], $0xffff  }
0x202: {  	v2 =	vadd.f32 $-9.999999970e-07, v2;
	v46 =	vld.idx.msk [tilespmem:v46+s6+$0x0], $0xffff;
	v60 =	vadd.f32 v55, v54  }
0x203: {  	v17 =	vadd.f32 $-9.999999970e-07, v17;
	v52 =	vadd.f32 $-9.999999970e-07, v52;
	v55 =	vld.idx.msk [tilespmem:v59+s6+$0x0], $0xffff  }
0x204: {  	v4 =	vld [tilespmem:$0x1FF80];
	v3 =	vadd.f32 $-9.999999970e-07, v3;
	v39 =	vadd.f32 $-9.999999970e-07, v60  }
0x205: {  	v59 =	vld.idx.msk [tilespmem:v49+s0+$0x0], $0xffff;
	v5 =	vsub.f32 v62, v17;
	v15 =	vsub.f32 v15, v17  }
0x206: {  	v17 =	vld.idx.msk [tilespmem:v49+s6+$0x0], $0xffff;
	v54 =	vsub.f32 v63, v52;
	v57 =	vsub.f32 v53, v3  }
0x207: {  	v49 =	vld [tilespmem:$0x1FF10];
	v60 =	vsub.f32 v61, v39;
	v11 =	vsub.f32 v11, v39;
	v61 =	vmul.f32 v5, v5  }
0x208: {  	v15 =	vmul.f32 v15, v15;
	v3 =	vsub.f32 v55, v3;
	v55 =	vsub.f32 v56, v2;
	v56 =	vld.idx.msk [tilespmem:v41+s0+$0x0], $0xffff  }
0x209: {  	v2 =	vsub.f32 v46, v2;
	v46 =	vld [tilespmem:$0x1FF40];
	v62 =	vmul.f32 v60, v60;
	v11 =	vmul.f32 v11, v11  }
0x20a: {  	v1 =	vadd.f32 $-9.999999970e-07, v1;
	v8 =	vsub.f32 v8, v52;
	v60 =	vld.idx.msk [tilespmem:v45+s0+$0x0], $0xffff  }
0x20b: {  	v63 =	vmul.f32 v54, v54;
	v39 =	vadd.f32 v62, v61;
	v11 =	vadd.f32 v11, v15;
	v15 =	vld.idx.msk [tilespmem:v45+s6+$0x0], $0xffff  }
0x20c: {  	v0 =	vadd.f32 $-9.999999970e-07, v0;
	v58 =	vadd.f32 $-9.999999970e-07, v58;
	v8 =	vmul.f32 v8, v8;
	v45 =	vld [tilespmem:$0x1FF50]  }
0x20d: {  	v61 =	vmul.f32 v57, v57;
	v62 =	vsub.f32 v59, v1;
	v39 =	vadd.f32 v63, v39;
	v63 =	vld.idx.msk [tilespmem:v42+s0+$0x0], $0xffff  }
0x20e: {  	v3 =	vmul.f32 v3, v3;
	v1 =	vsub.f32 v17, v1;
	v8 =	vadd.f32 v8, v11;
	v11 =	vld.idx.msk [tilespmem:v42+s6+$0x0], $0xffff  }
0x20f: {  	v9 =	vadd.f32 $-9.999999970e-07, v9;
	v54 =	vmul.f32 v62, v62;
	v62 =	vld.idx.msk [tilespmem:v38+s0+$0x0], $0xffff;
	v17 =	vadd.f32 v61, v39  }
0x210: {  	v13 =	vadd.f32 $-9.999999970e-07, v13;
	v1 =	vmul.f32 v1, v1;
	v42 =	vld.idx.msk [tilespmem:v30+s0+$0x0], $0xffff;
	v3 =	vadd.f32 v3, v8  }
0x211: {  	v57 =	vmul.f32 v55, v55;
	v59 =	vsub.f32 v60, v9;
	v8 =	vld.idx.msk [tilespmem:v41+s6+$0x0], $0xffff;
	v17 =	vadd.f32 v54, v17  }
0x212: {  	v2 =	vmul.f32 v2, v2;
	v60 =	vld.idx.msk [tilespmem:v40+s0+$0x0], $0xffff;
	v1 =	vadd.f32 v1, v3;
	v3 =	vsub.f32 v15, v9  }
0x213: {  	v9 =	vld.idx.msk [tilespmem:v40+s6+$0x0], $0xffff;
	v61 =	vsub.f32 v63, v13;
	v15 =	vadd.f32 v57, v17;
	v17 =	vmul.f32 v59, v59  }
0x214: {  	v41 =	vld.idx.msk [tilespmem:v32+s0+$0x0], $0xffff;
	v1 =	vadd.f32 v2, v1;
	v2 =	vmul.f32 v3, v3;
	v3 =	vsub.f32 v11, v13  }
0x215: {  	v11 =	vld.idx.msk [tilespmem:v38+s6+$0x0], $0xffff;
	v13 =	vadd.f32 v17, v15;
	v15 =	vmul.f32 v61, v61;
	v17 =	vsub.f32 v56, v0  }
0x216: {  	v63 =	vld.idx.msk [tilespmem:v36+s0+$0x0], $0xffff;
	v1 =	vadd.f32 v2, v1;
	v2 =	vmul.f32 v3, v3;
	v0 =	vsub.f32 v8, v0  }
0x217: {  	v3 =	vld.idx.msk [tilespmem:v36+s6+$0x0], $0xffff;
	v8 =	vadd.f32 v15, v13;
	v13 =	vmul.f32 v17, v17;
	v15 =	vsub.f32 v60, v58  }
0x218: {  	v17 =	vld.idx.msk [tilespmem:v34+s0+$0x0], $0xffff;
	v1 =	vadd.f32 v2, v1;
	v0 =	vmul.f32 v0, v0;
	v2 =	vsub.f32 v9, v58  }
0x219: {  	v9 =	vld.idx.msk [tilespmem:v34+s6+$0x0], $0xffff;
	v8 =	vadd.f32 v13, v8;
	v13 =	vmul.f32 v15, v15;
	v15 =	vsub.f32 v62, v44  }
0x21a: {  	v0 =	vadd.f32 v0, v1;
	v1 =	vmul.f32 v2, v2;
	v2 =	vsub.f32 v11, v44;
	v11 =	vld.idx.msk [tilespmem:v32+s6+$0x0], $0xffff  }
0x21b: {  	v44 =	vld [tilespmem:$0x1FF60];
	v8 =	vadd.f32 v13, v8;
	v13 =	vmul.f32 v15, v15;
	v15 =	vsub.f32 v63, v43  }
0x21c: {  	v0 =	vadd.f32 v1, v0;
	v1 =	vmul.f32 v2, v2;
	v2 =	vsub.f32 v3, v43;
	v3 =	vld.idx.msk [tilespmem:v30+s6+$0x0], $0xffff  }
0x21d: {  	v47 =	vadd.f32 $-9.999999970e-07, v47;
	v50 =	vadd.f32 $-9.999999970e-07, v50;
	v43 =	vld [tilespmem:$0x1FF70]  }
0x21e: {  	v8 =	vadd.f32 v13, v8;
	v13 =	vmul.f32 v15, v15;
	v15 =	vsub.f32 v17, v51;
	v17 =	vld.idx.msk [tilespmem:v28+s0+$0x0], $0xffff  }
0x21f: {  	v0 =	vadd.f32 v1, v0;
	v1 =	vmul.f32 v2, v2;
	v2 =	vsub.f32 v9, v51;
	v9 =	vld.idx.msk [tilespmem:v28+s6+$0x0], $0xffff  }
0x220: {  	v28 =	vld.idx.msk [tilespmem:v26+s0+$0x0], $0xffff;
	v8 =	vadd.f32 v13, v8;
	v13 =	vmul.f32 v15, v15;
	v15 =	vsub.f32 v41, v50  }
0x221: {  	v0 =	vadd.f32 v1, v0;
	v1 =	vmul.f32 v2, v2;
	v2 =	vsub.f32 v11, v50;
	v11 =	vld.idx.msk [tilespmem:v26+s6+$0x0], $0xffff  }
0x222: {  	v26 =	vld.idx.msk [tilespmem:v23+s0+$0x0], $0xffff;
	v8 =	vadd.f32 v13, v8;
	v13 =	vmul.f32 v15, v15;
	v15 =	vsub.f32 v42, v48  }
0x223: {  	v0 =	vadd.f32 v1, v0;
	v1 =	vmul.f32 v2, v2;
	v2 =	vsub.f32 v3, v48;
	v3 =	vld.idx.msk [tilespmem:v23+s6+$0x0], $0xffff  }
0x224: {  	v20 =	vld.idx.msk [tilespmem:v44+s0+$0x0], $0xffff  }
0x225: {  	v8 =	vadd.f32 v13, v8;
	v13 =	vmul.f32 v15, v15;
	v15 =	vsub.f32 v17, v47;
	v17 =	vld.idx.msk [tilespmem:v4+s0+$0x0], $0xffff  }
0x226: {  	v0 =	vadd.f32 v1, v0;
	v1 =	vmul.f32 v2, v2;
	v2 =	vsub.f32 v9, v47;
	v9 =	vld.idx.msk [tilespmem:v4+s6+$0x0], $0xffff  }
0x227: {  	v22 =	vld.idx.msk [tilespmem:v43+s0+$0x0], $0xffff;
	v8 =	vadd.f32 v13, v8;
	v13 =	vmul.f32 v15, v15;
	v15 =	vsub.f32 v28, v37  }
0x228: {  	v47 =	vld [tilespmem:$0x1FF30];
	v0 =	vadd.f32 v1, v0;
	v1 =	vmul.f32 v2, v2;
	v2 =	vsub.f32 v11, v37  }
0x229: {  	v11 =	vld.idx.msk [tilespmem:v43+s6+$0x0], $0xffff;
	v8 =	vadd.f32 v13, v8;
	v13 =	vmul.f32 v15, v15;
	v15 =	vsub.f32 v26, v35  }
0x22a: {  	v48 =	vld [tilespmem:$0x1FF20];
	v0 =	vadd.f32 v1, v0;
	v1 =	vmul.f32 v2, v2;
	v2 =	vsub.f32 v3, v35  }
0x22b: {  	v3 =	vld.idx.msk [tilespmem:v44+s6+$0x0], $0xffff;
	v8 =	vadd.f32 v13, v8;
	v13 =	vmul.f32 v15, v15;
	v15 =	vsub.f32 v17, v33  }
0x22c: {  	v17 =	vld.idx.msk [tilespmem:v45+s0+$0x0], $0xffff;
	v0 =	vadd.f32 v1, v0;
	v1 =	vmul.f32 v2, v2;
	v2 =	vsub.f32 v9, v33  }
0x22d: {  	v9 =	vld.idx.msk [tilespmem:v45+s6+$0x0], $0xffff;
	v8 =	vadd.f32 v13, v8;
	v13 =	vmul.f32 v15, v15;
	v15 =	vsub.f32 v22, v31  }
0x22e: {  	v16 =	vld.idx.msk [tilespmem:v46+s0+$0x0], $0xffff;
	v0 =	vadd.f32 v1, v0;
	v1 =	vmul.f32 v2, v2;
	v2 =	vsub.f32 v11, v31  }
0x22f: {  	v14 =	vsub.f32 v20, v29;
	v11 =	vld.idx.msk [tilespmem:v46+s6+$0x0], $0xffff;
	v8 =	vadd.f32 v13, v8;
	v13 =	vmul.f32 v15, v15  }
0x230: {  	v50 =	vld [tilespmem:$0x1FF00];
	v0 =	vadd.f32 v1, v0;
	v1 =	vmul.f32 v2, v2;
	v2 =	vsub.f32 v3, v29  }
0x231: {  	v15 =	vld.idx.msk [tilespmem:v47+s0+$0x0], $0xffff;
	v8 =	vadd.f32 v13, v8;
	v13 =	vsub.f32 v17, v27  }
0x232: {  	v3 =	vld.idx.msk [tilespmem:v47+s6+$0x0], $0xffff;
	v0 =	vadd.f32 v1, v0;
	v1 =	vmul.f32 v2, v2;
	v2 =	vsub.f32 v9, v27  }
0x233: {  	v12 =	vmul.f32 v14, v14;
	v9 =	vld.idx.msk [tilespmem:v48+s6+$0x0], $0xffff;
	v10 =	vmul.f32 v13, v13  }
0x234: {  	v13 =	vld.idx.msk [tilespmem:v49+s0+$0x0], $0xffff;
	v0 =	vadd.f32 v1, v0;
	v1 =	vmul.f32 v2, v2;
	v2 =	vsub.f32 v11, v25  }
0x235: {  	v14 =	vld.idx.msk [tilespmem:v48+s0+$0x0], $0xffff;
	v8 =	vadd.f32 v12, v8  }
0x236: {  	v12 =	vsub.f32 v16, v25;
	v0 =	vadd.f32 v1, v0;
	v1 =	vmul.f32 v2, v2  }
0x237: {  	v11 =	vsub.f32 v15, v24;
	v2 =	vsub.f32 v3, v24  }
0x238: {  	v8 =	vadd.f32 v10, v8;
	v10 =	vmul.f32 v12, v12;
	v12 =	vld.idx.msk [tilespmem:v50+s0+$0x0], $0xffff;
	v0 =	vadd.f32 v1, v0  }
0x239: {  	v1 =	vmul.f32 v2, v2;
	v2 =	vsub.f32 v9, v21;
	v9 =	vsub.f32 v13, v19;
	v13 =	vld [tilespmem:$0x1FFD0]  }
0x23a: {  	v6 =	vadd.f32 v10, v8;
	v8 =	vmul.f32 v11, v11;
	v10 =	vsub.f32 v14, v21;
	_ =	sdelay $0x1  }
0x23b: {  	v6 =	vadd.f32 v8, v6;
	v8 =	vmul.f32 v10, v10;
	_ =	sdelay $0x1  }
0x23c: {  	v6 =	vadd.f32 v8, v6;
	v8 =	vsub.f32 v12, v13;
	v12 =	vld [tilespmem:$0x1FED0];
	_ =	sdelay $0x1  }
0x23d: {  	v7 =	vld.idx.msk [tilespmem:v49+s6+$0x0], $0xffff  }
0x23e: {  	v51 =	vld [tilespmem:$0x1FEF0]  }
0x23f: {  	v3 =	vld.idx.msk [tilespmem:v50+s6+$0x0], $0xffff;
	_ =	sdelay $0x2  }
0x240: {  	v0 =	vadd.f32 v1, v0;
	v1 =	vmul.f32 v2, v2;
	v2 =	vsub.f32 v7, v19  }
0x241: {  	v7 =	vmul.f32 v9, v9;
	v9 =	vld.idx.msk [tilespmem:v12+s0+$0x0], $0xffff  }
0x242: {  	v0 =	vadd.f32 v1, v0;
	v1 =	vmul.f32 v2, v2;
	v2 =	vsub.f32 v3, v13;
	v3 =	vld.idx.msk [tilespmem:v12+s6+$0x0], $0xffff  }
0x243: {  	v12 =	vld [tilespmem:$0x1FEC0];
	_ =	sdelay $0x1  }
0x244: {  	v11 =	vld.idx.msk [tilespmem:v51+s0+$0x0], $0xffff  }
0x245: {  	v13 =	vld [tilespmem:$0x1FFE0]  }
0x246: {  	v52 =	vld [tilespmem:$0x1FEE0];
	_ =	sdelay $0x2  }
0x247: {  	v5 =	vld.idx.msk [tilespmem:v51+s6+$0x0], $0xffff  }
0x248: {  	v6 =	vadd.f32 v7, v6;
	v7 =	vmul.f32 v8, v8;
	v8 =	vsub.f32 v11, v13;
	v11 =	vld.idx.msk [tilespmem:v12+s0+$0x0], $0xffff  }
0x249: {  	v53 =	vld.idx.msk [tilespmem:v12+s6+$0x0], $0xffff  }
0x24a: {  	v12 =	vld [tilespmem:$0x1FEB0];
	_ =	sdelay $0x1  }
0x24b: {  	v10 =	vld.idx.msk [tilespmem:v52+s0+$0x0], $0xffff  }
0x24c: {  	v0 =	vadd.f32 v1, v0;
	v1 =	vmul.f32 v2, v2;
	v2 =	vsub.f32 v5, v13;
	v13 =	vld [tilespmem:$0x1FFB0];
	_ =	sdelay $0x3  }
0x24d: {  	v4 =	vld.idx.msk [tilespmem:v52+s6+$0x0], $0xffff  }
0x24e: {  	v6 =	vadd.f32 v7, v6;
	v7 =	vmul.f32 v8, v8;
	v8 =	vsub.f32 v10, v13;
	v10 =	vld.idx.msk [tilespmem:v12+s0+$0x0], $0xffff  }
0x24f: {  	v54 =	vld.idx.msk [tilespmem:v12+s6+$0x0], $0xffff  }
0x250: {  	v12 =	vld [tilespmem:$0x1FFC0];
	_ =	sdelay $0x3  }
0x251: {  	v0 =	vadd.f32 v1, v0;
	v1 =	vmul.f32 v2, v2;
	v2 =	vsub.f32 v4, v13  }
0x252: {  	v6 =	vadd.f32 v7, v6;
	v7 =	vmul.f32 v8, v8;
	v8 =	vsub.f32 v9, v12  }
0x253: {  	v0 =	vadd.f32 v1, v0;
	v1 =	vmul.f32 v2, v2  }
0x254: {  	v2 =	vsub.f32 v3, v12;
	v3 =	vadd.f32 v7, v6;
	v6 =	vmul.f32 v8, v8;
	v8 =	vld [tilespmem:$0x1FF90];
	_ =	sdelay $0x4  }
0x255: {  	v7 =	vsub.f32 v11, v8;
	_ =	sdelay $0x1  }
0x256: {  	v55 =	vmul.f32 v7, v7;
	v7 =	vld [tilespmem:$0x1FFA0];
	_ =	sdelay $0x3  }
0x257: {  	v0 =	vadd.f32 v1, v0;
	v1 =	vmul.f32 v2, v2;
	v2 =	vsub.f32 v53, v8  }
0x258: {  	v3 =	vadd.f32 v6, v3;
	v6 =	vsub.f32 v10, v7  }
0x259: {  	v0 =	vadd.f32 v1, v0;
	v1 =	vmul.f32 v2, v2;
	v2 =	vsub.f32 v54, v7  }
0x25a: {  	v3 =	vadd.f32 v55, v3;
	v56 =	vmul.f32 v6, v6  }
0x25b: {  	v0 =	vadd.f32 v1, v0;
	v1 =	vmul.f32 v2, v2  }
0x25c: {  	v2 =	vadd.f32 v56, v3  }
0x25d: {  	v0 =	vadd.f32 v1, v0  }
0x25e: {  	v1 =	vshrl.u32 v2, $0x1  }
0x25f: {  	v3 =	vmul.f32 $5.000000000e-01, v2;
	v57 =	vshrl.u32 v0, $0x1;
	v58 =	vmul.f32 $5.000000000e-01, v0  }
0x260: {  	v1 =	vsub.s32 $0x5F3759DF, v1;
	v4 =	vsub.s32 $0x5F3759DF, v57  }
0x261: {  	v6 =	vmul.f32 v1, v3;
	v7 =	vmul.f32 v4, v58;
	_ =	sdelay $0x1  }
0x262: {  	v6 =	vmul.f32 v1, v6;
	v7 =	vmul.f32 v4, v7;
	_ =	sdelay $0x1  }
0x263: {  	v6 =	vsub.f32 $1.500000000e+00, v6;
	v7 =	vsub.f32 $1.500000000e+00, v7;
	_ =	sdelay $0x1  }
0x264: {  	v1 =	vmul.f32 v1, v6;
	v4 =	vmul.f32 v4, v7;
	_ =	sdelay $0x1  }
0x265: {  	v6 =	vmul.f32 v1, v3;
	v7 =	vmul.f32 v4, v58;
	_ =	sdelay $0x1  }
0x266: {  	v6 =	vmul.f32 v6, v1;
	v7 =	vmul.f32 v7, v4;
	_ =	sdelay $0x1  }
0x267: {  	v6 =	vsub.f32 $1.500000000e+00, v6;
	v7 =	vsub.f32 $1.500000000e+00, v7;
	_ =	sdelay $0x1  }
0x268: {  	v1 =	vmul.f32 v6, v1;
	v4 =	vmul.f32 v7, v4;
	_ =	sdelay $0x1  }
0x269: {  	v3 =	vmul.f32 v1, v3;
	v5 =	vmul.f32 v4, v58;
	_ =	sdelay $0x1  }
0x26a: {  	v3 =	vmul.f32 v3, v1;
	v5 =	vmul.f32 v5, v4;
	_ =	sdelay $0x1  }
0x26b: {  	v3 =	vsub.f32 $1.500000000e+00, v3;
	v5 =	vsub.f32 $1.500000000e+00, v5;
	_ =	sdelay $0x1  }
0x26c: {  	v1 =	vmul.f32 v3, v1;
	v3 =	vmul.f32 v5, v4;
	_ =	sdelay $0x1  }
0x26d: {  	v1 =	vmul.f32 v1, v2;
	v0 =	vmul.f32 v3, v0;
	_ =	sdelay $0x1  }
0x26e: {  	v0 =	vsub.f32 v0, v1;
	_ =	sdelay $0x1  }
0x26f: {  	v0 =	vadd.f32 $0.0e+00, v0;
	_ =	sdelay $0x1  }
0x270: {  	v0 =	vmul.f32 $1.442695020e+00, v0;
	_ =	sdelay $0x1  }
0x271: {  	(erf) = vpow2.f32 v0;
	_ =	sdelay $0x8  }
0x272: {  	v0 =	vpop (erf)  }
0x273: {  	v0 =	vadd.f32 $1.000000000e+00, v0;
	_ =	sdelay $0x1  }
0x274: {  	v1 =	vld [tilespmem:$0x1FFF0];
	(erf) = vrcp.f32 v0;
	_ =	sdelay $0x2  }
0x275: {  	v0 =	vmov s25  }
0x276: {  	v0 =	vshll.u32 v0, $0x5  }
0x277: {  	v39 =	vor.u32 v1, v0  }
0x278: {  	v1 =	vor.u32 $0x1F, v39;
	_ =	sdelay $0x1  }
0x279: {  	v3 =	vor.u32 $0x1E, v39  }
0x27a: {  	s8 =	sadd.s32 $0x10, s8;
	v0 =	vpop (erf)  }
0x27b: {  	v59 =	vor.u32 $0x1D, v39;
	[tilespmem:s8+$0x0] =	vst v0  }
0x27c: {  	v0 =	vld.idx.msk [tilespmem:v1+s7+$0x0], $0xffff  }
0x27d: {  	v60 =	vor.u32 $0x1C, v39;
	[tilespmem:$0x1FEB0] =	vst v1;
	v1 =	vld.idx.msk [tilespmem:v1+s2+$0x0], $0xffff  }
0x27e: {  	v2 =	vld.idx.msk [tilespmem:v3+s7+$0x0], $0xffff  }
0x27f: {  	v6 =	vor.u32 $0x1B, v39;
	[tilespmem:$0x1FEC0] =	vst v3;
	v3 =	vld.idx.msk [tilespmem:v3+s2+$0x0], $0xffff  }
0x280: {  	v8 =	vld.idx.msk [tilespmem:v59+s7+$0x0], $0xffff  }
0x281: {  	v7 =	vor.u32 $0x1A, v39;
	v9 =	vld.idx.msk [tilespmem:v59+s2+$0x0], $0xffff  }
0x282: {  	v11 =	vld.idx.msk [tilespmem:v60+s7+$0x0], $0xffff  }
0x283: {  	v61 =	vor.u32 $0x19, v39;
	v13 =	vld.idx.msk [tilespmem:v60+s2+$0x0], $0xffff  }
0x284: {  	v15 =	vld.idx.msk [tilespmem:v6+s7+$0x0], $0xffff  }
0x285: {  	v62 =	vor.u32 $0x18, v39;
	v17 =	vld.idx.msk [tilespmem:v6+s2+$0x0], $0xffff  }
0x286: {  	v19 =	vld.idx.msk [tilespmem:v7+s7+$0x0], $0xffff  }
0x287: {  	v63 =	vor.u32 $0x15, v39;
	v21 =	vld.idx.msk [tilespmem:v7+s2+$0x0], $0xffff  }
0x288: {  	v24 =	vld.idx.msk [tilespmem:v61+s7+$0x0], $0xffff  }
0x289: {  	v10 =	vor.u32 $0x14, v39;
	v25 =	vld.idx.msk [tilespmem:v61+s2+$0x0], $0xffff  }
0x28a: {  	v23 =	vor.u32 $0x11, v39;
	v27 =	vld.idx.msk [tilespmem:v62+s7+$0x0], $0xffff  }
0x28b: {  	v29 =	vld.idx.msk [tilespmem:v62+s2+$0x0], $0xffff  }
0x28c: {  	v26 =	vor.u32 $0x10, v39;
	[tilespmem:$0x1FED0] =	vst v59;
	v59 =	vld.idx.msk [tilespmem:v63+s7+$0x0], $0xffff  }
0x28d: {  	v4 =	vld.idx.msk [tilespmem:v63+s2+$0x0], $0xffff  }
0x28e: {  	v28 =	vor.u32 $0xF, v39;
	v5 =	vld.idx.msk [tilespmem:v10+s7+$0x0], $0xffff  }
0x28f: {  	v16 =	vld.idx.msk [tilespmem:v23+s7+$0x0], $0xffff  }
0x290: {  	v30 =	vor.u32 $0xE, v39;
	v18 =	vld.idx.msk [tilespmem:v23+s2+$0x0], $0xffff  }
0x291: {  	v20 =	vld.idx.msk [tilespmem:v26+s7+$0x0], $0xffff  }
0x292: {  	v32 =	vor.u32 $0xD, v39;
	v22 =	vld.idx.msk [tilespmem:v26+s2+$0x0], $0xffff  }
0x293: {  	v47 =	vld.idx.msk [tilespmem:v28+s7+$0x0], $0xffff  }
0x294: {  	v34 =	vor.u32 $0xC, v39;
	v48 =	vld.idx.msk [tilespmem:v28+s2+$0x0], $0xffff  }
0x295: {  	v51 =	vld.idx.msk [tilespmem:v30+s7+$0x0], $0xffff  }
0x296: {  	v36 =	vor.u32 $0xB, v39;
	v53 =	vld.idx.msk [tilespmem:v30+s2+$0x0], $0xffff  }
0x297: {  	v50 =	vld.idx.msk [tilespmem:v32+s7+$0x0], $0xffff  }
0x298: {  	v38 =	vor.u32 $0xA, v39;
	v52 =	vld.idx.msk [tilespmem:v32+s2+$0x0], $0xffff  }
0x299: {  	v54 =	vld.idx.msk [tilespmem:v34+s7+$0x0], $0xffff  }
0x29a: {  	v40 =	vor.u32 $0x9, v39;
	v55 =	vld.idx.msk [tilespmem:v34+s2+$0x0], $0xffff  }
0x29b: {  	v43 =	vld.idx.msk [tilespmem:v36+s7+$0x0], $0xffff  }
0x29c: {  	v41 =	vor.u32 $0x8, v39;
	v44 =	vld.idx.msk [tilespmem:v36+s2+$0x0], $0xffff  }
0x29d: {  	[tilespmem:$0x1FEF0] =	vst v6;
	v6 =	vor.u32 $0x17, v39;
	v56 =	vld.idx.msk [tilespmem:v38+s7+$0x0], $0xffff  }
0x29e: {  	v57 =	vld.idx.msk [tilespmem:v38+s2+$0x0], $0xffff  }
0x29f: {  	[tilespmem:$0x1FF00] =	vst v7;
	v7 =	vor.u32 $0x16, v39;
	v58 =	vld.idx.msk [tilespmem:v40+s7+$0x0], $0xffff  }
0x2a0: {  	[tilespmem:$0x1FEE0] =	vst v60;
	v60 =	vld.idx.msk [tilespmem:v40+s2+$0x0], $0xffff  }
0x2a1: {  	[tilespmem:$0x1FF10] =	vst v61;
	v61 =	vld.idx.msk [tilespmem:v41+s7+$0x0], $0xffff  }
0x2a2: {  	v12 =	vor.u32 $0x13, v39;
	[tilespmem:$0x1FF60] =	vst v10;
	v31 =	vld.idx.msk [tilespmem:v6+s7+$0x0], $0xffff;
	v0 =	vadd.f32 v0, v1  }
0x2a3: {  	v14 =	vor.u32 $0x12, v39;
	[tilespmem:$0x1FF70] =	vst v12;
	v33 =	vld.idx.msk [tilespmem:v6+s2+$0x0], $0xffff  }
0x2a4: {  	[tilespmem:$0x1FF80] =	vst v14;
	v35 =	vld.idx.msk [tilespmem:v7+s7+$0x0], $0xffff;
	v1 =	vadd.f32 v11, v13;
	v0 =	vadd.f32 $-9.999999970e-07, v0  }
0x2a5: {  	[tilespmem:$0x1FF30] =	vst v6;
	v37 =	vld.idx.msk [tilespmem:v7+s2+$0x0], $0xffff;
	v2 =	vadd.f32 v2, v3  }
0x2a6: {  	v42 =	vor.u32 $0x7, v39;
	v6 =	vld.idx.msk [tilespmem:v10+s2+$0x0], $0xffff;
	v3 =	vadd.f32 v8, v9;
	[tilespmem:$0x1FFA0] =	vst v0;
	v0 =	vadd.f32 $-9.999999970e-07, v1  }
0x2a7: {  	[tilespmem:$0x1FF40] =	vst v7;
	v7 =	vld.idx.msk [tilespmem:v12+s7+$0x0], $0xffff;
	v4 =	vadd.f32 v59, v4;
	v2 =	vadd.f32 $-9.999999970e-07, v2  }
0x2a8: {  	v45 =	vor.u32 $0x6, v39;
	v10 =	vld.idx.msk [tilespmem:v12+s2+$0x0], $0xffff;
	v1 =	vadd.f32 v15, v17;
	[tilespmem:$0x1FFB0] =	vst v0;
	v0 =	vadd.f32 $-9.999999970e-07, v3  }
0x2a9: {  	v12 =	vld.idx.msk [tilespmem:v14+s7+$0x0], $0xffff;
	[tilespmem:$0x1FF90] =	vst v2;
	v2 =	vadd.f32 v27, v29;
	v3 =	vadd.f32 v24, v25  }
0x2aa: {  	v46 =	vor.u32 $0x5, v39;
	v14 =	vld.idx.msk [tilespmem:v14+s2+$0x0], $0xffff;
	v27 =	vadd.f32 $-9.999999970e-07, v4;
	[tilespmem:$0x1FFC0] =	vst v0;
	v0 =	vadd.f32 v19, v21  }
0x2ab: {  	[tilespmem:$0x1FF20] =	vst v62;
	v62 =	vld.idx.msk [tilespmem:v42+s7+$0x0], $0xffff;
	v21 =	vadd.f32 $-9.999999970e-07, v2;
	v19 =	vadd.f32 $-9.999999970e-07, v3  }
0x2ac: {  	v49 =	vor.u32 $0x4, v39;
	[tilespmem:$0x1FF50] =	vst v63;
	v63 =	vld.idx.msk [tilespmem:v42+s2+$0x0], $0xffff;
	v2 =	vadd.f32 v31, v33;
	v3 =	vadd.f32 v5, v6  }
0x2ad: {  	v9 =	vld.idx.msk [tilespmem:v45+s7+$0x0], $0xffff;
	v5 =	vadd.f32 v16, v18;
	v0 =	vadd.f32 $-9.999999970e-07, v0  }
0x2ae: {  	p0 =	sne.s32 s25, $0x1F0;
	v13 =	vld.idx.msk [tilespmem:v45+s2+$0x0], $0xffff;
	v24 =	vadd.f32 $-9.999999970e-07, v2;
	v29 =	vadd.f32 $-9.999999970e-07, v3  }
.Ltmp1:
0x2af: {  	v11 =	vld.idx.msk [tilespmem:v46+s7+$0x0], $0xffff;
	v2 =	vadd.f32 v12, v14;
	v3 =	vadd.f32 v7, v10;
	(pc) =	sbr.rel @p0 .LBB2_4-.Ltmp1, $4  }
0x2b0: {  	v15 =	vld.idx.msk [tilespmem:v46+s2+$0x0], $0xffff;
	[tilespmem:$0x1FFD0] =	vst v0;
	v0 =	vadd.f32 $-9.999999970e-07, v1;
	v1 =	vadd.f32 v35, v37  }
0x2b1: {  	v59 =	vor.u32 $0x3, v39;
	v37 =	vadd.f32 v20, v22;
	v33 =	vadd.f32 $-9.999999970e-07, v2;
	v2 =	vld.idx.msk [tilespmem:v49+s2+$0x0], $0xffff  }
0x2b2: {  	v8 =	vor.u32 $0x2, v39;
	v31 =	vadd.f32 $-9.999999970e-07, v3;
	v35 =	vadd.f32 $-9.999999970e-07, v5;
	[tilespmem:$0x1FFE0] =	vst v0;
	v0 =	vld.idx.msk [tilespmem:v41+s2+$0x0], $0xffff  }
0x2b3: {  	s25 =	sadd.s32 $0x10, s25;
	v17 =	vor.u32 $0x1, v39;
	v25 =	vadd.f32 $-9.999999970e-07, v1;
	v1 =	vld.idx.msk [tilespmem:v49+s7+$0x0], $0xffff;
	v37 =	vadd.f32 $-9.999999970e-07, v37  }
0x2b4: {  	_ =	sdelay $0x3  }
0x2b5: {  	v3 =	vld.idx.msk [tilespmem:v39+s7+$0x0], $0xffff  }
0x2b6: {  	v4 =	vld.idx.msk [tilespmem:v39+s2+$0x0], $0xffff  }
0x2b7: {  	v5 =	vld.idx.msk [tilespmem:v39+s0+$0x0], $0xffff  }
0x2b8: {  	v6 =	vld.idx.msk [tilespmem:v39+s6+$0x0], $0xffff  }
0x2b9: {  	v7 =	vld.idx.msk [tilespmem:v59+s7+$0x0], $0xffff  }
0x2ba: {  	v10 =	vld.idx.msk [tilespmem:v17+s7+$0x0], $0xffff  }
0x2bb: {  	v12 =	vld.idx.msk [tilespmem:v17+s2+$0x0], $0xffff  }
0x2bc: {  	v18 =	vld.idx.msk [tilespmem:v8+s7+$0x0], $0xffff  }
0x2bd: {  	v22 =	vld.idx.msk [tilespmem:v8+s2+$0x0], $0xffff  }
0x2be: {  	v14 =	vadd.f32 v54, v55;
	v55 =	vld.idx.msk [tilespmem:v59+s2+$0x0], $0xffff  }
0x2bf: {  	v20 =	vadd.f32 v56, v57;
	v56 =	vld.idx.msk [tilespmem:v17+s0+$0x0], $0xffff  }
0x2c0: {  	v57 =	vld.idx.msk [tilespmem:v17+s6+$0x0], $0xffff  }
0x2c1: {  	v39 =	vadd.f32 v47, v48;
	v47 =	vadd.f32 v58, v60;
	v60 =	vld.idx.msk [tilespmem:v8+s0+$0x0], $0xffff  }
0x2c2: {  	v48 =	vadd.f32 v62, v63;
	v62 =	vld.idx.msk [tilespmem:v59+s0+$0x0], $0xffff  }
0x2c3: {  	v16 =	vadd.f32 v50, v52;
	v50 =	vld.idx.msk [tilespmem:v49+s0+$0x0], $0xffff  }
0x2c4: {  	v52 =	vld.idx.msk [tilespmem:v49+s6+$0x0], $0xffff  }
0x2c5: {  	v51 =	vadd.f32 v51, v53;
	v53 =	vld.idx.msk [tilespmem:v46+s0+$0x0], $0xffff  }
0x2c6: {  	v54 =	vld.idx.msk [tilespmem:v46+s6+$0x0], $0xffff  }
0x2c7: {  	v9 =	vadd.f32 v9, v13;
	v13 =	vld.idx.msk [tilespmem:v40+s6+$0x0], $0xffff  }
0x2c8: {  	v17 =	vld.idx.msk [tilespmem:v38+s0+$0x0], $0xffff  }
0x2c9: {  	v46 =	vld.idx.msk [tilespmem:v30+s0+$0x0], $0xffff;
	v11 =	vadd.f32 v11, v15  }
0x2ca: {  	v9 =	vadd.f32 $-9.999999970e-07, v9;
	v49 =	vadd.f32 $-9.999999970e-07, v51;
	v51 =	vld.idx.msk [tilespmem:v26+s0+$0x0], $0xffff  }
0x2cb: {  	v0 =	vadd.f32 v61, v0;
	v61 =	vld.idx.msk [tilespmem:v8+s6+$0x0], $0xffff;
	v1 =	vadd.f32 v1, v2  }
0x2cc: {  	v3 =	vadd.f32 v3, v4;
	v58 =	vadd.f32 v18, v22;
	v18 =	vld.idx.msk [tilespmem:v59+s6+$0x0], $0xffff  }
0x2cd: {  	v2 =	vadd.f32 v10, v12;
	v7 =	vadd.f32 v7, v55;
	v59 =	vld.idx.msk [tilespmem:v42+s0+$0x0], $0xffff  }
0x2ce: {  	v55 =	vadd.f32 $-9.999999970e-07, v11;
	v12 =	vld.idx.msk [tilespmem:v40+s0+$0x0], $0xffff;
	v1 =	vadd.f32 $-9.999999970e-07, v1  }
0x2cf: {  	v3 =	vadd.f32 $-9.999999970e-07, v3;
	v63 =	vadd.f32 $-9.999999970e-07, v58;
	v58 =	vld.idx.msk [tilespmem:v45+s6+$0x0], $0xffff  }
0x2d0: {  	v2 =	vadd.f32 $-9.999999970e-07, v2;
	v10 =	vsub.f32 v53, v55;
	v53 =	vld.idx.msk [tilespmem:v26+s6+$0x0], $0xffff  }
0x2d1: {  	v7 =	vadd.f32 $-9.999999970e-07, v7;
	v26 =	vld [tilespmem:$0x1FF20];
	v5 =	vsub.f32 v5, v3  }
0x2d2: {  	v3 =	vsub.f32 v6, v3;
	v4 =	vsub.f32 v56, v2;
	v56 =	vld.idx.msk [tilespmem:v45+s0+$0x0], $0xffff  }
0x2d3: {  	v2 =	vsub.f32 v57, v2;
	v8 =	vsub.f32 v61, v63;
	v61 =	vld.idx.msk [tilespmem:v42+s6+$0x0], $0xffff  }
0x2d4: {  	v22 =	vsub.f32 v60, v63;
	v6 =	vsub.f32 v62, v7;
	v63 =	vld.idx.msk [tilespmem:v41+s6+$0x0], $0xffff  }
0x2d5: {  	v57 =	vsub.f32 v50, v1;
	v45 =	vld.idx.msk [tilespmem:v32+s0+$0x0], $0xffff;
	v3 =	vmul.f32 v3, v3;
	v2 =	vmul.f32 v2, v2  }
0x2d6: {  	v62 =	vadd.f32 $-9.999999970e-07, v48;
	v48 =	vld.idx.msk [tilespmem:v30+s6+$0x0], $0xffff;
	v5 =	vmul.f32 v5, v5;
	v4 =	vmul.f32 v4, v4  }
0x2d7: {  	v50 =	vld.idx.msk [tilespmem:v28+s6+$0x0], $0xffff;
	v7 =	vsub.f32 v18, v7;
	v8 =	vmul.f32 v8, v8;
	v2 =	vadd.f32 v2, v3  }
0x2d8: {  	v1 =	vsub.f32 v52, v1;
	v30 =	vld [tilespmem:$0x1FF10];
	v4 =	vadd.f32 v4, v5;
	v3 =	vmul.f32 v22, v22  }
0x2d9: {  	v52 =	vadd.f32 $-9.999999970e-07, v39;
	v39 =	vld [tilespmem:$0x1FEE0];
	v7 =	vmul.f32 v7, v7;
	v2 =	vadd.f32 v8, v2  }
0x2da: {  	v18 =	vld.idx.msk [tilespmem:v38+s6+$0x0], $0xffff;
	v38 =	vadd.f32 v43, v44;
	v6 =	vmul.f32 v6, v6;
	v3 =	vadd.f32 v3, v4  }
0x2db: {  	v44 =	vadd.f32 $-9.999999970e-07, v14;
	v14 =	vld [tilespmem:$0x1FF50];
	v1 =	vmul.f32 v1, v1;
	v2 =	vadd.f32 v7, v2  }
0x2dc: {  	v15 =	vadd.f32 $-9.999999970e-07, v47;
	v60 =	vmul.f32 v57, v57;
	v57 =	vld [tilespmem:$0x1FF80];
	v3 =	vadd.f32 v6, v3  }
0x2dd: {  	v4 =	vsub.f32 v54, v55;
	v1 =	vadd.f32 v1, v2;
	v2 =	vld.idx.msk [tilespmem:v41+s0+$0x0], $0xffff  }
0x2de: {  	v10 =	vmul.f32 v10, v10;
	v43 =	vld.idx.msk [tilespmem:v34+s6+$0x0], $0xffff;
	v8 =	vsub.f32 v56, v9;
	v3 =	vadd.f32 v60, v3  }
0x2df: {  	v0 =	vadd.f32 $-9.999999970e-07, v0;
	v5 =	vsub.f32 v58, v9;
	v22 =	vld.idx.msk [tilespmem:v36+s0+$0x0], $0xffff;
	v4 =	vmul.f32 v4, v4  }
0x2e0: {  	v55 =	vld.idx.msk [tilespmem:v23+s0+$0x0], $0xffff;
	v8 =	vmul.f32 v8, v8;
	v6 =	vsub.f32 v59, v62;
	v3 =	vadd.f32 v10, v3  }
0x2e1: {  	v5 =	vmul.f32 v5, v5;
	v56 =	vld.idx.msk [tilespmem:v23+s6+$0x0], $0xffff;
	v7 =	vsub.f32 v61, v62;
	v1 =	vadd.f32 v4, v1  }
0x2e2: {  	v61 =	vld [tilespmem:$0x1FF70];
	v6 =	vmul.f32 v6, v6;
	v3 =	vadd.f32 v8, v3;
	v2 =	vsub.f32 v2, v0  }
0x2e3: {  	v47 =	vadd.f32 $-9.999999970e-07, v16;
	v16 =	vld.idx.msk [tilespmem:v14+s6+$0x0], $0xffff;
	v7 =	vmul.f32 v7, v7;
	v1 =	vadd.f32 v5, v1  }
0x2e4: {  	v41 =	vld.idx.msk [tilespmem:v34+s0+$0x0], $0xffff;
	v0 =	vsub.f32 v63, v0;
	v3 =	vadd.f32 v6, v3;
	v2 =	vmul.f32 v2, v2  }
0x2e5: {  	v20 =	vadd.f32 $-9.999999970e-07, v20;
	v58 =	vld.idx.msk [tilespmem:v57+s0+$0x0], $0xffff;
	v4 =	vsub.f32 v12, v15  }
0x2e6: {  	v1 =	vadd.f32 v7, v1;
	v0 =	vmul.f32 v0, v0;
	v2 =	vadd.f32 v2, v3;
	v3 =	vld.idx.msk [tilespmem:v36+s6+$0x0], $0xffff  }
0x2e7: {  	v59 =	vld.idx.msk [tilespmem:v57+s6+$0x0], $0xffff;
	v8 =	vsub.f32 v13, v15  }
0x2e8: {  	v57 =	vld [tilespmem:$0x1FFA0];
	v4 =	vmul.f32 v4, v4;
	v0 =	vadd.f32 v0, v1;
	v1 =	vsub.f32 v17, v20  }
0x2e9: {  	v42 =	vadd.f32 $-9.999999970e-07, v38;
	v15 =	vld.idx.msk [tilespmem:v14+s0+$0x0], $0xffff;
	v40 =	vmul.f32 v8, v8;
	v6 =	vsub.f32 v18, v20  }
0x2ea: {  	v63 =	vld [tilespmem:$0x1FF60];
	v2 =	vadd.f32 v4, v2;
	v1 =	vmul.f32 v1, v1  }
0x2eb: {  	v62 =	vld.idx.msk [tilespmem:v61+s0+$0x0], $0xffff;
	v6 =	vmul.f32 v6, v6;
	v0 =	vadd.f32 v40, v0;
	v3 =	vsub.f32 v3, v42  }
0x2ec: {  	v9 =	vsub.f32 v22, v42;
	v1 =	vadd.f32 v1, v2;
	v2 =	vld.idx.msk [tilespmem:v32+s6+$0x0], $0xffff  }
0x2ed: {  	v7 =	vsub.f32 v43, v44;
	v43 =	vld [tilespmem:$0x1FED0];
	v0 =	vadd.f32 v6, v0;
	v3 =	vmul.f32 v3, v3  }
0x2ee: {  	v9 =	vmul.f32 v9, v9;
	v17 =	vld [tilespmem:$0x1FF40];
	v4 =	vsub.f32 v41, v44  }
0x2ef: {  	v0 =	vadd.f32 v3, v0;
	v3 =	vld.idx.msk [tilespmem:v28+s0+$0x0], $0xffff  }
0x2f0: {  	v5 =	vsub.f32 v45, v47;
	v20 =	vld [tilespmem:$0x1FF30];
	v4 =	vmul.f32 v4, v4;
	v1 =	vadd.f32 v9, v1  }
0x2f1: {  	v7 =	vmul.f32 v7, v7;
	v36 =	vld [tilespmem:$0x1FEF0];
	v2 =	vsub.f32 v2, v47  }
0x2f2: {  	v5 =	vmul.f32 v5, v5;
	v40 =	vld.idx.msk [tilespmem:v39+s0+$0x0], $0xffff;
	v6 =	vsub.f32 v46, v49;
	v1 =	vadd.f32 v4, v1  }
0x2f3: {  	v54 =	vsub.f32 v48, v49;
	v41 =	vld.idx.msk [tilespmem:v39+s6+$0x0], $0xffff;
	v0 =	vadd.f32 v7, v0;
	v2 =	vmul.f32 v2, v2  }
0x2f4: {  	v12 =	vld.idx.msk [tilespmem:v63+s0+$0x0], $0xffff;
	v6 =	vmul.f32 v6, v6;
	v1 =	vadd.f32 v5, v1;
	v3 =	vsub.f32 v3, v52  }
0x2f5: {  	v13 =	vld.idx.msk [tilespmem:v63+s6+$0x0], $0xffff;
	v7 =	vmul.f32 v54, v54;
	v0 =	vadd.f32 v2, v0;
	v2 =	vsub.f32 v50, v52  }
0x2f6: {  	v32 =	vld.idx.msk [tilespmem:v30+s6+$0x0], $0xffff;
	v4 =	vsub.f32 v51, v37;
	v1 =	vadd.f32 v6, v1;
	v3 =	vmul.f32 v3, v3  }
0x2f7: {  	v60 =	vsub.f32 v53, v37;
	v46 =	vld [tilespmem:$0x1FFE0];
	v0 =	vadd.f32 v7, v0;
	v2 =	vmul.f32 v2, v2  }
0x2f8: {  	v9 =	vsub.f32 v55, v35;
	v4 =	vmul.f32 v4, v4;
	v1 =	vadd.f32 v3, v1;
	v3 =	vld.idx.msk [tilespmem:v61+s6+$0x0], $0xffff  }
0x2f9: {  	v42 =	vld [tilespmem:$0x1FFD0];
	v7 =	vmul.f32 v60, v60;
	v0 =	vadd.f32 v2, v0;
	v2 =	vsub.f32 v56, v35  }
0x2fa: {  	v8 =	vsub.f32 v58, v33;
	v44 =	vld.idx.msk [tilespmem:v43+s0+$0x0], $0xffff;
	v9 =	vmul.f32 v9, v9;
	v1 =	vadd.f32 v4, v1  }
0x2fb: {  	v18 =	vld.idx.msk [tilespmem:v17+s6+$0x0], $0xffff;
	v6 =	vsub.f32 v59, v33;
	v0 =	vadd.f32 v7, v0;
	v2 =	vmul.f32 v2, v2  }
0x2fc: {  	v8 =	vmul.f32 v8, v8;
	v10 =	vsub.f32 v62, v31;
	v33 =	vld [tilespmem:$0x1FF00];
	v1 =	vadd.f32 v9, v1  }
0x2fd: {  	v6 =	vmul.f32 v6, v6;
	v0 =	vadd.f32 v2, v0;
	v2 =	vsub.f32 v3, v31;
	v3 =	vld.idx.msk [tilespmem:v17+s0+$0x0], $0xffff  }
0x2fe: {  	v10 =	vmul.f32 v10, v10;
	v22 =	vld.idx.msk [tilespmem:v20+s0+$0x0], $0xffff;
	v5 =	vsub.f32 v12, v29;
	v1 =	vadd.f32 v8, v1  }
0x2ff: {  	v23 =	vld.idx.msk [tilespmem:v20+s6+$0x0], $0xffff;
	v4 =	vsub.f32 v13, v29;
	v0 =	vadd.f32 v6, v0;
	v2 =	vmul.f32 v2, v2  }
0x300: {  	v37 =	vld.idx.msk [tilespmem:v36+s0+$0x0], $0xffff;
	v5 =	vmul.f32 v5, v5;
	v7 =	vsub.f32 v15, v27;
	v1 =	vadd.f32 v10, v1  }
0x301: {  	v4 =	vmul.f32 v4, v4;
	v0 =	vadd.f32 v2, v0;
	v2 =	vsub.f32 v16, v27;
	v27 =	vld.idx.msk [tilespmem:v26+s0+$0x0], $0xffff  }
0x302: {  	v28 =	vld.idx.msk [tilespmem:v26+s6+$0x0], $0xffff;
	v7 =	vmul.f32 v7, v7;
	v1 =	vadd.f32 v5, v1;
	v3 =	vsub.f32 v3, v25  }
0x303: {  	v29 =	vsub.f32 v18, v25;
	v31 =	vld.idx.msk [tilespmem:v30+s0+$0x0], $0xffff;
	v0 =	vadd.f32 v4, v0;
	v2 =	vmul.f32 v2, v2  }
0x304: {  	v47 =	vld [tilespmem:$0x1FEC0];
	v6 =	vsub.f32 v22, v24;
	v1 =	vadd.f32 v7, v1;
	v3 =	vmul.f32 v3, v3  }
0x305: {  	v34 =	vld.idx.msk [tilespmem:v33+s0+$0x0], $0xffff;
	v4 =	vmul.f32 v29, v29;
	v0 =	vadd.f32 v2, v0;
	v2 =	vsub.f32 v23, v24  }
0x306: {  	v6 =	vmul.f32 v6, v6;
	v1 =	vadd.f32 v3, v1;
	v3 =	vld.idx.msk [tilespmem:v33+s6+$0x0], $0xffff;
	v9 =	vsub.f32 v27, v21  }
0x307: {  	v51 =	vld [tilespmem:$0x1FEB0];
	v35 =	vsub.f32 v28, v21;
	v0 =	vadd.f32 v4, v0;
	v2 =	vmul.f32 v2, v2  }
0x308: {  	v38 =	vld.idx.msk [tilespmem:v36+s6+$0x0], $0xffff;
	v8 =	vsub.f32 v31, v19;
	v1 =	vadd.f32 v6, v1;
	v9 =	vmul.f32 v9, v9  }
0x309: {  	v50 =	vld [tilespmem:$0x1FFB0];
	v4 =	vmul.f32 v35, v35;
	v0 =	vadd.f32 v2, v0;
	v2 =	vsub.f32 v32, v19  }
0x30a: {  	v45 =	vld.idx.msk [tilespmem:v43+s6+$0x0], $0xffff;
	v10 =	vsub.f32 v34, v42;
	v8 =	vmul.f32 v8, v8;
	v1 =	vadd.f32 v9, v1  }
0x30b: {  	v54 =	vld [tilespmem:$0x1FFC0];
	v0 =	vadd.f32 v4, v0;
	v3 =	vsub.f32 v3, v42;
	v2 =	vmul.f32 v2, v2  }
0x30c: {  	v55 =	vld [tilespmem:$0x1FF90];
	v10 =	vmul.f32 v10, v10;
	v5 =	vsub.f32 v37, v46;
	v1 =	vadd.f32 v8, v1  }
0x30d: {  	v48 =	vld.idx.msk [tilespmem:v47+s0+$0x0], $0xffff;
	v0 =	vadd.f32 v2, v0;
	v2 =	vsub.f32 v38, v46;
	v3 =	vmul.f32 v3, v3  }
0x30e: {  	v49 =	vld.idx.msk [tilespmem:v47+s6+$0x0], $0xffff;
	v5 =	vmul.f32 v5, v5;
	v7 =	vsub.f32 v40, v50;
	v1 =	vadd.f32 v10, v1  }
0x30f: {  	v52 =	vld.idx.msk [tilespmem:v51+s0+$0x0], $0xffff;
	v0 =	vadd.f32 v3, v0;
	v3 =	vsub.f32 v41, v50;
	v2 =	vmul.f32 v2, v2  }
0x310: {  	v53 =	vld.idx.msk [tilespmem:v51+s6+$0x0], $0xffff;
	v7 =	vmul.f32 v7, v7;
	v4 =	vsub.f32 v44, v54;
	v1 =	vadd.f32 v5, v1  }
0x311: {  	v0 =	vadd.f32 v2, v0;
	v2 =	vsub.f32 v45, v54;
	v3 =	vmul.f32 v3, v3  }
0x312: {  	v6 =	vsub.f32 v48, v55;
	v4 =	vmul.f32 v4, v4;
	v1 =	vadd.f32 v7, v1  }
0x313: {  	v0 =	vadd.f32 v3, v0;
	v3 =	vsub.f32 v49, v55;
	v2 =	vmul.f32 v2, v2  }
0x314: {  	v58 =	vsub.f32 v52, v57;
	v56 =	vmul.f32 v6, v6;
	v1 =	vadd.f32 v4, v1  }
0x315: {  	v0 =	vadd.f32 v2, v0;
	v2 =	vmul.f32 v3, v3;
	v3 =	vsub.f32 v53, v57  }
0x316: {  	v59 =	vmul.f32 v58, v58;
	v1 =	vadd.f32 v56, v1  }
0x317: {  	v0 =	vadd.f32 v2, v0;
	v2 =	vmul.f32 v3, v3  }
0x318: {  	v1 =	vadd.f32 v59, v1  }
0x319: {  	v0 =	vadd.f32 v2, v0  }
0x31a: {  	v2 =	vshrl.u32 v1, $0x1  }
0x31b: {  	v3 =	vmul.f32 $5.000000000e-01, v1;
	v60 =	vshrl.u32 v0, $0x1;
	v61 =	vmul.f32 $5.000000000e-01, v0  }
0x31c: {  	v2 =	vsub.s32 $0x5F3759DF, v2;
	v4 =	vsub.s32 $0x5F3759DF, v60  }
0x31d: {  	v62 =	vmul.f32 v2, v3;
	v63 =	vmul.f32 v4, v61;
	_ =	sdelay $0x1  }
0x31e: {  	v6 =	vmul.f32 v2, v62;
	v7 =	vmul.f32 v4, v63;
	_ =	sdelay $0x1  }
0x31f: {  	v6 =	vsub.f32 $1.500000000e+00, v6;
	v7 =	vsub.f32 $1.500000000e+00, v7;
	_ =	sdelay $0x1  }
0x320: {  	v2 =	vmul.f32 v2, v6;
	v4 =	vmul.f32 v4, v7;
	_ =	sdelay $0x1  }
0x321: {  	v6 =	vmul.f32 v2, v3;
	v7 =	vmul.f32 v4, v61;
	_ =	sdelay $0x1  }
0x322: {  	v6 =	vmul.f32 v6, v2;
	v7 =	vmul.f32 v7, v4;
	_ =	sdelay $0x1  }
0x323: {  	v6 =	vsub.f32 $1.500000000e+00, v6;
	v7 =	vsub.f32 $1.500000000e+00, v7;
	_ =	sdelay $0x1  }
0x324: {  	v2 =	vmul.f32 v6, v2;
	v4 =	vmul.f32 v7, v4;
	_ =	sdelay $0x1  }
0x325: {  	v3 =	vmul.f32 v2, v3;
	v5 =	vmul.f32 v4, v61;
	_ =	sdelay $0x1  }
0x326: {  	v3 =	vmul.f32 v3, v2;
	v5 =	vmul.f32 v5, v4;
	_ =	sdelay $0x1  }
0x327: {  	v3 =	vsub.f32 $1.500000000e+00, v3;
	v5 =	vsub.f32 $1.500000000e+00, v5;
	_ =	sdelay $0x1  }
0x328: {  	v2 =	vmul.f32 v3, v2;
	v3 =	vmul.f32 v5, v4;
	_ =	sdelay $0x1  }
0x329: {  	v1 =	vmul.f32 v2, v1;
	v0 =	vmul.f32 v3, v0;
	_ =	sdelay $0x1  }
0x32a: {  	v0 =	vsub.f32 v0, v1;
	_ =	sdelay $0x1  }
0x32b: {  	v0 =	vadd.f32 $0.0e+00, v0;
	_ =	sdelay $0x1  }
0x32c: {  	v0 =	vmul.f32 $1.442695020e+00, v0;
	_ =	sdelay $0x1  }
0x32d: {  	(erf) = vpow2.f32 v0;
	_ =	sdelay $0x8  }
0x32e: {  	v0 =	vpop (erf)  }
0x32f: {  	v0 =	vadd.f32 $1.000000000e+00, v0;
	_ =	sdelay $0x1  }
0x330: {  	(erf) = vrcp.f32 v0;
	_ =	sdelay $0x7  }
0x331: {  	s24 =	sadd.s32 $0x1, s24  }
0x332: {  	s8 =	sadd.s32 $0x10, s8;
	p0 =	sne.s32 s24, s22;
	v0 =	vpop (erf)  }
.Ltmp2:
0x333: {  	s30 =	simm.s32 $0x18800;
	[tilespmem:s8+$0x0] =	vst v0;
	(pc) =	sbr.rel @p0 .LBB2_1-.Ltmp2, $4  }
0x334: {  	[hbm4b:s21+s1] =	stream.linear.scatter [tilespmem:s30], [sflag:$0x2], $0x200, $0x38;
	[tilespmem:$0x18A00] =	vst v63  }
0x335: {  	_ =	swait.ge [sflag:s23], $0x200  }
0x336: {  	[sflag:s23] =	ssyncset.done $0x0  }
0x337: {  	v2 =	vld [tilespmem:$0x1FFF0];
	[sflag:s23] =	ssyncadd.s32 $0xFFFFFE00  }
0x338: {  	_ =	sfence.sel $0x180000  }
0x339: {  	[bflag:$0x0] =	sbarrier.arrive $0xFFFF  }
0x33a: {  	_ =	strace $0x9000004A  }
0x33b: {  	s0 =	stileid.u32;
	[bflag:$0x2] =	sbarrier.arrive $0xFFFF  }
0x33c: {  	p0 =	sne.s32 s0, $0x0;
	s0 =	rddreg [dreg:$0x6]  }
0x33d: {  	s0 =	sadd.s32 @!p0 $0x100000, s0  }
0x33e: {  	[sflag:s0] =	ssyncadd.tile.s32 @!p0 $0x1;
	_ =	shalt  }
.Lfunc_end2:
_tile_overlayer_lowered:
.L_overlay_start_2:
0x33f: {  	(tag) =	ssettag $0x2  }
0x340: {  	s0 =	rddreg [dreg:$0x0];
	s2 =	stileid.u32  }
0x341: {  	s1 =	rddreg [dreg:$0x1];
	p0 =	sne.s32 s2, $0x0  }
0x342: {  	s3 =	rddreg [dreg:$0x2];
	[bflag:$0x3] =	sbarrier.arrive $0xFFFF;
	s2 =	simm.s32 @!p0 $0x1C02  }
0x343: {  	[timem:s3], [sflag:s2] =	dma.local @!p0 [hbm:s0], s1  }
0x344: {  	s0 =	simm.s32 @!p0 $0x2  }
0x345: {  	_ =	swait.ge @!p0 [sflag:s0], s1  }
0x346: {  	s1 =	ssub.s32 @!p0 $0x0, s1;
	[sflag:s0] =	ssyncset.done @!p0 $0x0  }
0x347: {  	[sflag:s0] =	ssyncadd.s32 @!p0 s1  }
0x348: {  	[bflag:$0x3] =	sbarrier.arrive $0xFFFF  }
0x349: {  	_ =	shalt  }

// kernel: sparse-core-data-format-call.cloned.1.call-start
scs
called_computation_lowered:
.L_overlay_start_0:
0x0: {  	s1 =	sld [smem:$0x3FD9]  }
0x1: {  	s2 =	sld [smem:$0x3FFE];
	_ =	sdelay $0x1  }
0x2: {  	s3 =	srdreg.scid  }
0x3: {  	s0 =	sand.u32 $0x1, s3  }
0x4: {  	s17 =	sshll.u32 s0, $0xA;
	s1 =	sadd.s32 s2, s1  }
0x5: {  	s1 =	sadd.s32 s1, s17  }
0x6: {  	[smem:$0x3FC2] =	sst s1  }
0x7: {  	_ = 	snop  }
0x8: {  	(tm) =	ssettm $0x1  }
0x9: {  	s18 =	sld [smem:$0x3FFB];
	_ =	sdelay $0x3  }
0xa: {  	_ =	strace s18  }
0xb: {  	s1 =	sld [smem:$0x3FFC];
	_ =	sdelay $0x3  }
0xc: {  	_ =	strace s1  }
0xd: {  	s1 =	sld [smem:$0x3FFD];
	_ =	sdelay $0x3  }
0xe: {  	_ =	strace s1  }
0xf: {  	_ =	strace $0x8FFFFFFF  }
0x10: {  	s19 =	sld [smem:$0x3FDB];
	_ =	sdelay $0x1  }
0x11: {  	s20 =	simm.s32 $_scs_section_size  }
0x12: {  	s4 =	simm.s32 $_size__tile_overlayer_lowered;
	s5 =	simm.s32 $_tile_overlayer_lowered  }
0x13: {  	s23 =	simm.s32 $0x1BFF;
	s22 =	sshll.u32 s5, $0x1;
	s1 =	sadd.s32 s20, s19  }
0x14: {  	s6 =	simm.s32 $0x0;
	s21 =	sshll.u32 s4, $0x1;
	s4 =	sadd.s32 s22, s1  }
0x15: {  	[timem:s6], [sflag:s23] =	dma.local [hbm:s4], s21  }
0x16: {  	_ =	swait.ge [sflag:s23], s21  }
0x17: {  	s2 =	ssub.s32 $0x0, s21;
	[sflag:s23] =	ssyncset.done $0x0  }
0x18: {  	[sflag:s23] =	ssyncadd.s32 s2;
	_ =	sdelay $0x1  }
0x19: {  	s24 =	simm.s32 $0x1B8B  }
0x1a: {  	_ =	swait.ge [sflag:s24], $0x1  }
0x1b: {  	[sflag:s24] =	ssyncset.done $0x0  }
0x1c: {  	s26 =	simm.s32 $0x1B8E;
	s25 =	sld [smem:$0x3FFE];
	[sflag:s24] =	ssyncadd.s32 $0xFFFFFFFF  }
0x1d: {  	s27 =	simm.s32 $execute0_lowered;
	[smem:$0x3FD2] =	sst s26  }
0x1e: {  	s4 =	sshll.u32 s27, $0x1;
	_ =	strace $0x80000046;
	[dreg:$0x1] =	wrdreg $0xFFFFFFFF  }
0x1f: {  	s28 =	simm.s32 $_size_execute0_lowered;
	s1 =	sadd.s32 s1, s4;
	[dreg:$0x0] =	wrdreg $0x0  }
0x20: {  	s4 =	sshll.u32 s28, $0x1;
	[dreg:$0x2] =	wrdreg s1  }
0x21: {  	[dreg:$0x3] =	wrdreg s4  }
0x22: {  	[dreg:$0x4] =	wrdreg $0xC0  }
0x23: {  	_ =	task [dreg:s6], $0x5FFFF  }
0x24: {  	[dreg:$0x1] =	wrdreg $0xFFFFFFFF  }
0x25: {  	[dreg:$0x0] =	wrdreg $0x60  }
0x26: {  	[dreg:$0x2] =	wrdreg s25  }
0x27: {  	[dreg:$0x3] =	wrdreg $0x9  }
0x28: {  	_ =	task.clear_ibuf [dreg:s6], $0x4FFFF;
	_ =	strace $0x90000046  }
0x29: {  	s29 =	simm.s32 $0x9;
	_ =	strace $0x80000048  }
0x2a: {  	_ =	swait.ge [sflag:s29], $0x1  }
0x2b: {  	[sflag:s29] =	ssyncadd.s32 $0xFFFFFFFF  }
0x2c: {  	_ =	strace $0x90000048  }
0x2d: {  	_ =	sfence  }
0x2e: {  	s30 =	sld [smem:$0x0];
	_ =	sdelay $0x2  }
0x2f: {  	s31 =	sshll.u32 s3, $0xD;
	s3 =	sshrl.u32 s3, $0x2  }
0x30: {  	s2 =	sand.u32 $0x4000, s31;
	s1 =	sadd.s32 s3, s30  }
0x31: {  	s0 =	sor.u32 s2, s0;
	s1 =	sshll.u32 s1, $0x11  }
0x32: {  	s0 =	sor.u32 s1, s0  }
0x33: {  	s0 =	sadd.s32 $0x8F2B, s0  }
0x34: {  	[sflag:s0] =	ssyncadd.remote.s32 $0x1  }
0x35: {  	_ =	sfence.sel $0xFFFF  }
0x36: {  	[dreg:$0x0] =	wrdreg $0xFFFFFFFF;
	(pc) =	sbr.abs _section_cstart, $3  }
0x37: {  	[dreg:$0x1] =	wrdreg $0xFFFFFFFF  }
0x38: {  	_ =	task.clear_ibuf [dreg:s6], $0x2FFFF;
	_ =	strace $0x9FFFFFFF  }
0x39: {  	(tm) =	ssettm $0x7FFFFFFF  }
tec
execute0_lowered:
.L_overlay_start_1:
0x0: {  	(tag) =	ssettag $0x1  }
0x1: {  	s0 =	srdreg.scid  }
0x2: {  	s5 =	rddreg [dreg:$0x0];
	s1 =	stileid.u32;
	s4 =	simm.s32 $0x1  }
0x3: {  	s6 =	simm.s32 $0x2;
	s8 =	simm.s32 $0x0;
	s2 =	sshll.u32 s0, $0x4  }
0x4: {  	s9 =	simm.s32 $0x0;
	s13 =	simm.s32 $0x0;
	s2 =	sand.u32 $0x10, s2  }
.Ltmp0:
0x5: {  	s10 =	simm.s32 $0x0;
	s3 =	sor.u32 s1, s2;
	(pc) =	sbr.rel .LBB1_1-.Ltmp0, $4  }
0x6: {  	s0 =	rddreg [dreg:$0x1];
	_ =	strace $0x80000047;
	s3 =	sshll.u32 s3, $0x4  }
0x7: {  	s12 =	simm.s32 $0x0;
	[sflag:s4] =	ssyncpa.u1 $0x0;
	s7 =	ssub.s32 $0x3D00, s3  }
0x8: {  	s2 =	sadd.s32 $0x800, s5;
	[sflag:s6] =	ssyncpa.u1 $0x0;
	s6 =	sshrl.u32 s7, $0x9  }
0x9: {  	s5 =	sadd.s32 $0x1E8E00, s5;
	s11 =	smov.u32 s3;
	s7 =	sadd.s32 $0x2, s6  }
.LBB1_7:
0xa: {  	s15 =	sshll.u32 s12, $0xF  }
0xb: {  	s15 =	sand.u32 $0x8000, s15  }
0xc: {  	s16 =	sshll.u32 s10, $0x7;
	s15 =	sshrl.u32 s15, $0x1  }
0xd: {  	s16 =	sadd.s32 s5, s16;
	s15 =	sor.u32 $0x8000, s15  }
0xe: {  	[hbm4b:s16+s8] =	stream.linear.scatter [tilespmem:s15], [sflag:$0x2], s14, $0x38;
	[tilespmem:$0x10000] =	vst v63  }
.LBB1_8:
0xf: {  	p0 =	slt.u32 s12, $0x2  }
0x10: {  	p1 =	sgt.s32 @!p0 s13, $0x3CF9  }
0x11: {  	s14 =	smov.u32 s13;
	s15 =	sshra.s32 @!p0 s13, $0x1F;
	p1 =	por !p1, p0  }
0x12: {  	s13 =	sand.u32 @!p0 s15, s13;
	s14 =	simm.s32 @p1 $0x3CF9  }
0x13: {  	s13 =	ssub.s32 @!p0 s14, s13  }
0x14: {  	s13 =	sadd.s32 @!p0 $0xFFFFC307, s13  }
0x15: {  	s14 =	sshll.u32 @!p0 s13, $0xC  }
0x16: {  	p1 =	sgt.s32 @!p0 s13, $0xF;
	s13 =	ssub.s32 @!p0 $0x10000, s14  }
0x17: {  	s15 =	sadd.s32 $0x200, s11;
	p1 =	por !p1, p0;
	s13 =	sshrl.u32 @!p0 s13, $0x2  }
0x18: {  	s13 =	simm.s32 @!p1 $0x0;
	p1 =	sgt.s32 s15, $0x3D08  }
0x19: {  	s15 =	smov.u32 @p1 s3;
	p1 =	sne.s32 s12, s7  }
.Ltmp1:
0x1a: {  	_ = 	snop;
	(pc) =	sbr.rel @!p1 .LBB1_9-.Ltmp1, $4  }
0x1b: {  	s14 =	simm.s32 @!p0 $0x2  }
0x1c: {  	s9 =	sadd.s32 $0x8000, s9;
	_ =	swait.ge @!p0 [sflag:s14], s13;
	s16 =	ssub.s32 @!p0 $0x0, s13  }
0x1d: {  	s13 =	smov.u32 s10;
	s12 =	sadd.s32 $0x1, s12;
	[sflag:s14] =	ssyncset.done @!p0 $0x0  }
0x1e: {  	s10 =	smov.u32 s11;
	s11 =	smov.u32 s15;
	[sflag:s14] =	ssyncadd.s32 @!p0 s16  }
.LBB1_1:
0x1f: {  	p0 =	sgt.u32 s12, s6  }
0x20: {  	p1 =	sgt.s32 @!p0 s11, $0x3CF9  }
0x21: {  	s14 =	smov.u32 s11;
	s15 =	sshra.s32 @!p0 s11, $0x1F;
	p1 =	por !p1, p0  }
0x22: {  	s15 =	sand.u32 @!p0 s15, s11;
	s14 =	simm.s32 @p1 $0x3CF9  }
0x23: {  	s14 =	ssub.s32 @!p0 s14, s15  }
0x24: {  	s14 =	sadd.s32 @!p0 $0xFFFFC307, s14  }
0x25: {  	s16 =	sshll.u32 @!p0 s11, $0x7;
	s17 =	simm.s32 @!p0 $0x0;
	s15 =	sshll.u32 @!p0 s14, $0xC  }
0x26: {  	p1 =	sgt.s32 @!p0 s14, $0xF;
	s14 =	ssub.s32 @!p0 $0x10000, s15;
	s15 =	sxor.u32 @!p0 $0xFFFFFFFF, s12  }
0x27: {  	p1 =	por !p1, p0;
	s14 =	sshrl.u32 @!p0 s14, $0x2;
	s15 =	sshll.u32 @!p0 s15, $0xE  }
0x28: {  	s16 =	sadd.s32 @!p0 s2, s16;
	s14 =	simm.s32 @!p1 $0x0;
	s15 =	sand.u32 @!p0 $0x4000, s15  }
0x29: {  	[tilespmem:s15], [sflag:$0x1] =	stream.linear.gather @!p0 [hbm4b:s16+s17], s14, $0x38;
	[tilespmem:$0x10000] =	vst v63  }
0x2a: {  	p0 =	seq.s32 s12, $0x0  }
0x2b: {  	p1 =	sge.u32 @!p0 s12, s7  }
0x2c: {  	p0 =	por p0, p1  }
.Ltmp2:
0x2d: {  	_ = 	snop;
	(pc) =	sbr.rel @p0 .LBB1_8-.Ltmp2, $1  }
0x2e: {  	_ =	sdelay $0x3  }
0x2f: {  	p0 =	sgt.s32 s10, $0x3CF9;
	s14 =	smov.u32 s10;
	s15 =	sshra.s32 s10, $0x1F  }
0x30: {  	s14 =	simm.s32 @!p0 $0x3CF9;
	s15 =	sand.u32 s15, s10  }
0x31: {  	s14 =	ssub.s32 s14, s15  }
0x32: {  	s16 =	sadd.s32 $0x10, s10;
	s14 =	sadd.s32 $0xFFFFC307, s14  }
0x33: {  	p1 =	slt.s32 s16, $0x3D09;
	s30 =	sshll.u32 s14, $0xC  }
0x34: {  	s16 =	simm.s32 @!p1 $0x3D09;
	s15 =	ssub.s32 $0x10000, s30  }
0x35: {  	p0 =	sgt.s32 s14, $0xF;
	s14 =	sshrl.u32 s15, $0x2;
	s15 =	ssub.s32 s16, s10  }
0x36: {  	s14 =	simm.s32 @p0 $0x0;
	p0 =	slt.s32 s15, $0x1  }
.Ltmp3:
0x37: {  	_ = 	snop;
	(pc) =	sbr.rel @p0 .LBB1_7-.Ltmp3, $4  }
0x38: {  	_ = 	snop  }
0x39: {  	_ =	swait.ge [sflag:s4], s14  }
0x3a: {  	s31 =	ssub.s32 $0x0, s14;
	[sflag:s4] =	ssyncset.done $0x0  }
0x3b: {  	[sflag:s4] =	ssyncadd.s32 s31  }
0x3c: {  	s16 =	sshrl.u32 s9, $0x1  }
0x3d: {  	s17 =	sand.u32 $0x4000, s16  }
0x3e: {  	s18 =	simm.s32 $0x0;
	s16 =	sor.u32 $0x200, s17;
	s17 =	sor.u32 $0x8080, s17  }
.LBB1_4:
0x3f: {  	v0 =	vld [tilespmem:s16+$0xFFFFFE70]  }
0x40: {  	v1 =	vld [tilespmem:s16+$0x70]  }
0x41: {  	v2 =	vld [tilespmem:s16+$0x0]  }
0x42: {  	v3 =	vld [tilespmem:s16+$0xFFFFFE10]  }
0x43: {  	v4 =	vld [tilespmem:s16+$0x10]  }
0x44: {  	v5 =	vld [tilespmem:s16+$0xFFFFFE20]  }
0x45: {  	v7 =	vld [tilespmem:s16+$0x20]  }
0x46: {  	v11 =	vld [tilespmem:s16+$0x30];
	v6 =	vunpack.i.l.s16.s32 v0;
	v8 =	vunpack.i.u.s16.s32 v0;
	v9 =	vunpack.i.u.s16.s32 v1  }
0x47: {  	v10 =	vunpack.i.l.s16.s32 v1;
	v0 =	vunpack.i.u.s16.s32 v2;
	v1 =	vunpack.i.l.s16.s32 v2;
	v2 =	vld [tilespmem:s16+$0xFFFFFE30]  }
0x48: {  	v8 =	vpack.i.b32.b16 v9, v8;
	v9 =	vunpack.i.u.s16.s32 v3;
	v3 =	vunpack.i.l.s16.s32 v3  }
0x49: {  	v12 =	vld [tilespmem:s16+$0xFFFFFE40];
	v6 =	vpack.i.b32.b16 v10, v6;
	[tilespmem:s17+$0x70] =	vst v8;
	v8 =	vunpack.i.u.s16.s32 v4;
	v4 =	vunpack.i.l.s16.s32 v4  }
0x4a: {  	v13 =	vld [tilespmem:s16+$0x40];
	v10 =	vunpack.i.u.s16.s32 v5;
	v5 =	vunpack.i.l.s16.s32 v5;
	[tilespmem:s17+$0xFFFFFFF0] =	vst v6;
	v3 =	vpack.i.b32.b16 v4, v3  }
0x4b: {  	v6 =	vunpack.i.l.s16.s32 v7;
	v4 =	vld [tilespmem:s16+$0xFFFFFE50];
	[tilespmem:s17+$0xFFFFFF90] =	vst v3;
	v3 =	vpack.i.b32.b16 v8, v9;
	v8 =	vunpack.i.u.s16.s32 v7  }
0x4c: {  	v7 =	vunpack.i.l.s16.s32 v11;
	[tilespmem:s17+$0x10] =	vst v3;
	v3 =	vpack.i.b32.b16 v6, v5;
	v9 =	vunpack.i.u.s16.s32 v2;
	v6 =	vld [tilespmem:s16+$0x50]  }
0x4d: {  	v5 =	vunpack.i.l.s16.s32 v2;
	v2 =	vld [tilespmem:s16+$0xFFFFFE60];
	[tilespmem:s17+$0xFFFFFFA0] =	vst v3;
	v3 =	vpack.i.b32.b16 v8, v10;
	v10 =	vunpack.i.u.s16.s32 v11  }
0x4e: {  	s21 =	simm.s32 $0x0;
	v11 =	vpack.i.b32.b16 v7, v5;
	v7 =	vunpack.i.u.s16.s32 v12;
	v8 =	vunpack.i.l.s16.s32 v12;
	[tilespmem:s17+$0x20] =	vst v3;
	v3 =	vld [tilespmem:s16+$0x60]  }
0x4f: {  	s22 =	sadd.s32 $0x80, s16;
	s20 =	smov.u32 s17;
	s19 =	smov.u32 s17;
	v5 =	vld [tilespmem:s16+$0xFFFFFE00];
	[tilespmem:s17+$0xFFFFFFB0] =	vst v11;
	v10 =	vpack.i.b32.b16 v10, v9;
	v9 =	vunpack.i.u.s16.s32 v13;
	v11 =	vunpack.i.l.s16.s32 v13  }
.LBB1_5:
0x50: {  	v12 =	vld [tilespmem:s22+$0xFFFFFE70];
	[tilespmem:s20+$0x30] =	vst v10;
	v8 =	vpack.i.b32.b16 v11, v8;
	v10 =	vunpack.i.u.s16.s32 v4;
	v4 =	vunpack.i.l.s16.s32 v4  }
0x51: {  	s21 =	sadd.s32 $0x2, s21;
	v7 =	vpack.i.b32.b16 v9, v7;
	v11 =	vld [tilespmem:s22+$0x70];
	[tilespmem:s20+$0xFFFFFFC0] =	vst v8;
	v8 =	vunpack.i.u.s16.s32 v6;
	v6 =	vunpack.i.l.s16.s32 v6  }
0x52: {  	p0 =	slt.u32 s21, $0x6;
	v9 =	vld [tilespmem:s22+$0x0];
	[tilespmem:s20+$0x40] =	vst v7;
	v4 =	vpack.i.b32.b16 v6, v4;
	v6 =	vunpack.i.u.s16.s32 v2;
	v2 =	vunpack.i.l.s16.s32 v2  }
0x53: {  	v7 =	vld [tilespmem:s22+$0xFFFFFE10];
	[tilespmem:s20+$0xFFFFFFD0] =	vst v4;
	v4 =	vpack.i.b32.b16 v8, v10;
	v8 =	vunpack.i.u.s16.s32 v3;
	v3 =	vunpack.i.l.s16.s32 v3  }
0x54: {  	v10 =	vld [tilespmem:s22+$0x10];
	v13 =	vunpack.i.u.s16.s32 v5;
	v5 =	vunpack.i.l.s16.s32 v5;
	[tilespmem:s20+$0x50] =	vst v4;
	v2 =	vpack.i.b32.b16 v3, v2  }
0x55: {  	v3 =	vld [tilespmem:s22+$0xFFFFFE20];
	v4 =	vunpack.i.l.s16.s32 v12;
	v1 =	vpack.i.b32.b16 v1, v5;
	v5 =	vpack.i.b32.b16 v0, v13;
	[tilespmem:s20+$0xFFFFFFE0] =	vst v2  }
0x56: {  	v12 =	vunpack.i.u.s16.s32 v12;
	v2 =	vld [tilespmem:s22+$0x20];
	v13 =	vunpack.i.u.s16.s32 v11;
	v11 =	vunpack.i.l.s16.s32 v11;
	[tilespmem:s20+$0xFFFFFF80] =	vst v1  }
0x57: {  	s20 =	sadd.s32 $0x100, s20;
	v0 =	vunpack.i.u.s16.s32 v9;
	v1 =	vunpack.i.l.s16.s32 v9;
	v9 =	vld [tilespmem:s22+$0xFFFFFE30];
	v12 =	vpack.i.b32.b16 v13, v12;
	[tilespmem:s19+$0x0] =	vst v5  }
0x58: {  	v6 =	vpack.i.b32.b16 v8, v6;
	v5 =	vunpack.i.u.s16.s32 v7;
	v7 =	vunpack.i.l.s16.s32 v7;
	v13 =	vld [tilespmem:s22+$0x30];
	[tilespmem:s20+$0x70] =	vst v12  }
0x59: {  	v4 =	vpack.i.b32.b16 v11, v4;
	v8 =	vunpack.i.u.s16.s32 v10;
	v10 =	vunpack.i.l.s16.s32 v10;
	v12 =	vld [tilespmem:s22+$0xFFFFFE40];
	[tilespmem:s19+$0x60] =	vst v6;
	s19 =	smov.u32 s20  }
0x5a: {  	v6 =	vpack.i.b32.b16 v10, v7;
	v7 =	vunpack.i.u.s16.s32 v3;
	v3 =	vunpack.i.l.s16.s32 v3;
	v11 =	vld [tilespmem:s22+$0x40];
	[tilespmem:s20+$0xFFFFFFF0] =	vst v4  }
.Ltmp4:
0x5b: {  	v5 =	vpack.i.b32.b16 v8, v5;
	[tilespmem:s20+$0xFFFFFF90] =	vst v6;
	v8 =	vunpack.i.u.s16.s32 v2;
	v2 =	vunpack.i.l.s16.s32 v2;
	v4 =	vld [tilespmem:s22+$0xFFFFFE50];
	(pc) =	sbr.rel @p0 .LBB1_5-.Ltmp4, $4  }
0x5c: {  	[tilespmem:s20+$0x10] =	vst v5;
	v2 =	vpack.i.b32.b16 v2, v3;
	v10 =	vunpack.i.u.s16.s32 v9;
	v3 =	vunpack.i.l.s16.s32 v9;
	v6 =	vld [tilespmem:s22+$0x50]  }
0x5d: {  	v5 =	vpack.i.b32.b16 v8, v7;
	[tilespmem:s20+$0xFFFFFFA0] =	vst v2;
	v9 =	vunpack.i.u.s16.s32 v13;
	v7 =	vunpack.i.l.s16.s32 v13;
	v2 =	vld [tilespmem:s22+$0xFFFFFE60]  }
0x5e: {  	[tilespmem:s20+$0x20] =	vst v5;
	v13 =	vpack.i.b32.b16 v7, v3;
	v7 =	vunpack.i.u.s16.s32 v12;
	v8 =	vunpack.i.l.s16.s32 v12;
	v3 =	vld [tilespmem:s22+$0x60]  }
0x5f: {  	v10 =	vpack.i.b32.b16 v9, v10;
	v5 =	vld [tilespmem:s22+$0xFFFFFE00];
	[tilespmem:s20+$0xFFFFFFB0] =	vst v13;
	v9 =	vunpack.i.u.s16.s32 v11;
	v11 =	vunpack.i.l.s16.s32 v11;
	s22 =	sadd.s32 $0x80, s22  }
0x60: {  	[tilespmem:s20+$0x30] =	vst v10;
	v8 =	vpack.i.b32.b16 v11, v8  }
0x61: {  	v51 =	vunpack.i.l.s16.s32 v4;
	v7 =	vpack.i.b32.b16 v9, v7;
	[tilespmem:s20+$0xFFFFFFC0] =	vst v8;
	v52 =	vunpack.i.l.s16.s32 v6  }
0x62: {  	v53 =	vunpack.i.u.s16.s32 v4;
	s18 =	sadd.s32 $0x1, s18;
	v54 =	vunpack.i.u.s16.s32 v6;
	[tilespmem:s20+$0x40] =	vst v7;
	v55 =	vpack.i.b32.b16 v52, v51  }
0x63: {  	p0 =	sne.s32 s18, s15;
	v56 =	vunpack.i.l.s16.s32 v2;
	v4 =	vpack.i.b32.b16 v54, v53;
	[tilespmem:s20+$0xFFFFFFD0] =	vst v55;
	v57 =	vunpack.i.l.s16.s32 v3  }
.Ltmp5:
0x64: {  	[tilespmem:s20+$0x50] =	vst v4;
	v58 =	vunpack.i.l.s16.s32 v5;
	v59 =	vpack.i.b32.b16 v57, v56;
	(pc) =	sbr.rel @p0 .LBB1_4-.Ltmp5, $4  }
.Ltmp6:
0x65: {  	v61 =	vunpack.i.u.s16.s32 v2;
	v62 =	vunpack.i.u.s16.s32 v3;
	v1 =	vpack.i.b32.b16 v1, v58;
	[tilespmem:s20+$0xFFFFFFE0] =	vst v59;
	(pc) =	sbr.rel @!p0 .LBB1_7-.Ltmp6, $4  }
0x66: {  	v60 =	vunpack.i.u.s16.s32 v5;
	v63 =	vpack.i.b32.b16 v62, v61;
	[tilespmem:s20+$0xFFFFFF80] =	vst v1  }
0x67: {  	v0 =	vpack.i.b32.b16 v0, v60;
	[tilespmem:s19+$0x60] =	vst v63  }
0x68: {  	s16 =	sadd.s32 $0x400, s16;
	s17 =	sadd.s32 $0x400, s17;
	[tilespmem:s19+$0x0] =	vst v0  }
0x69: {  	_ = 	snop  }
.LBB1_9:
0x6a: {  	_ =	sfence.sel $0x180000  }
0x6b: {  	s2 =	simm.s32 $0x1;
	[bflag:$0x0] =	sbarrier.arrive $0xFFFF  }
0x6c: {  	s31 =	simm.s32 $0x2;
	[sflag:s2] =	ssyncpa.u1 $0x1  }
0x6d: {  	[sflag:s31] =	ssyncpa.u1 $0x1  }
0x6e: {  	p0 =	sne.s32 s1, $0x0;
	_ =	strace $0x90000047  }
0x6f: {  	s0 =	sadd.s32 @!p0 $0x100000, s0;
	[bflag:$0x2] =	sbarrier.arrive $0xFFFF  }
0x70: {  	[sflag:s0] =	ssyncadd.tile.s32 @!p0 $0x1;
	_ =	shalt  }
.Lfunc_end1:
_tile_overlayer_lowered:
.L_overlay_start_2:
0x71: {  	(tag) =	ssettag $0x2  }
0x72: {  	s0 =	rddreg [dreg:$0x0];
	s2 =	stileid.u32  }
0x73: {  	s1 =	rddreg [dreg:$0x1];
	p0 =	sne.s32 s2, $0x0  }
0x74: {  	s3 =	rddreg [dreg:$0x2];
	[bflag:$0x3] =	sbarrier.arrive $0xFFFF;
	s2 =	simm.s32 @!p0 $0x1C01  }
0x75: {  	[timem:s3], [sflag:s2] =	dma.local @!p0 [hbm:s0], s1  }
0x76: {  	s0 =	simm.s32 @!p0 $0x1  }
0x77: {  	_ =	swait.ge @!p0 [sflag:s0], s1  }
0x78: {  	s1 =	ssub.s32 @!p0 $0x0, s1;
	[sflag:s0] =	ssyncset.done @!p0 $0x0  }
0x79: {  	[sflag:s0] =	ssyncadd.s32 @!p0 s1  }
0x7a: {  	[bflag:$0x3] =	sbarrier.arrive $0xFFFF  }
0x7b: {  	_ =	shalt  }

</sc_bundles>
